<compile_context>
chip_gen: v7x
topology: tpu7x:2x2x1
jax: 0.10.2.dev20260603
libtpu: 0.0.44.dev20260713+nightly
codegen_flags: <defaults>
</compile_context>

<pallas_src>
import functools

import jax
import jax.numpy as jnp
from jax import lax
from jax.experimental import pallas as pl
from jax.experimental.pallas import tpu as pltpu
from jax.experimental.pallas import tpu_sc as plsc

VOCAB = 1000000
EMB = 64
SEQ = 50
BATCH = 4096
HID = 64
DENSE = 512

_NC, _NS = 2, 16
_NW = _NC * _NS
_ROWS = BATCH * SEQ
_RPW = _ROWS // _NW
_CHUNK = 800
_NCH = _RPW // _CHUNK


@functools.cache
def _make_sc_gather():
    @functools.partial(
        pl.kernel,
        out_type=jax.ShapeDtypeStruct((2 * _ROWS, EMB), jnp.float32),
        mesh=plsc.VectorSubcoreMesh(core_axis_name="c", subcore_axis_name="s"),
        scratch_types=[
            pltpu.VMEM((_RPW,), jnp.int32),
            pltpu.VMEM((_NCH, _CHUNK), jnp.int32),
            pltpu.VMEM((_CHUNK, EMB), jnp.float32),
            pltpu.VMEM((_CHUNK, EMB), jnp.float32),
            pltpu.SemaphoreType.DMA,
            pltpu.SemaphoreType.DMA,
            pltpu.SemaphoreType.DMA,
            pltpu.SemaphoreType.DMA,
        ],
        compiler_params=pltpu.CompilerParams(use_tc_tiling_on_sc=False),
    )
    def sc_gather(idx_hbm, opos_hbm, table_hbm, out_hbm, idx_v, opos_v,
                  buf0, buf1, sem0, sem1, ssem0, ssem1):
        wid = lax.axis_index("s") * _NC + lax.axis_index("c")
        base = wid * _RPW
        pltpu.sync_copy(idx_hbm.at[pl.ds(base, _RPW)], idx_v)
        pltpu.sync_copy(opos_hbm.at[wid], opos_v)
        bufs = (buf0, buf1)
        sems = (sem0, sem1)
        ssems = (ssem0, ssem1)
        cp = pltpu.async_copy(table_hbm.at[idx_v.at[pl.ds(0, _CHUNK)]],
                              bufs[0], sems[0])
        cps = [None] * _NCH
        for c in range(_NCH):
            if c >= 1:
                cps[c - 1].wait()
            nxt = c + 1
            cpn = None
            if nxt < _NCH:
                cpn = pltpu.async_copy(
                    table_hbm.at[idx_v.at[pl.ds(nxt * _CHUNK, _CHUNK)]],
                    bufs[nxt % 2], sems[nxt % 2])
            cp.wait()
            cps[c] = pltpu.async_copy(
                bufs[c % 2], out_hbm.at[opos_v.at[c]], ssems[c % 2])
            cp = cpn
        cps[_NCH - 1].wait()

    return sc_gather


_BB = 1024
_GRID = BATCH // _BB


def _sigmoid(x):
    return 0.5 * jnp.tanh(0.5 * x) + 0.5


def _lstm_body(e_ref, x_ref, w_ref, b_ref, wdp_ref, bd_ref, out_ref):
    lanemask = jax.lax.broadcasted_iota(jnp.int32, (_BB, 2 * HID), 1) < HID
    h128 = jnp.zeros((_BB, 2 * HID), jnp.float32)
    c128 = jnp.zeros((_BB, 2 * HID), jnp.float32)
    w = w_ref[...]
    b = b_ref[...]
    for t in range(SEQ):
        u = jnp.where(lanemask, e_ref[t], h128)
        z = jnp.dot(u, w, preferred_element_type=jnp.float32) + b
        z0 = z[:, 0:2 * HID]
        z1 = z[:, 2 * HID:4 * HID]
        s = _sigmoid(z0)
        a = jnp.where(lanemask, jnp.maximum(z1, 0.0), _sigmoid(z1))
        p = s * a
        q = s * c128
        cn = q + pltpu.roll(p, HID, 1)
        hn = a * jnp.maximum(cn, 0.0)
        m = x_ref[:, t:t + 1] != 0
        c128 = jnp.where(m, cn, c128)
        h128 = jnp.where(m, hn, h128)
    out_ref[...] = jnp.maximum(
        jnp.dot(h128, wdp_ref[...], preferred_element_type=jnp.float32)
        + bd_ref[...], 0.0)


def _lstm_call(e3, x, W, b2, Wdp, bd2, interpret=False):
    return pl.pallas_call(
        _lstm_body,
        grid=(_GRID,),
        in_specs=[
            pl.BlockSpec((SEQ, _BB, 2 * EMB), lambda j: (0, j, 0)),
            pl.BlockSpec((_BB, SEQ), lambda j: (j, 0)),
            pl.BlockSpec((2 * HID, 4 * HID), lambda j: (0, 0)),
            pl.BlockSpec((1, 4 * HID), lambda j: (0, 0)),
            pl.BlockSpec((2 * HID, DENSE), lambda j: (0, 0)),
            pl.BlockSpec((1, DENSE), lambda j: (0, 0)),
        ],
        out_specs=pl.BlockSpec((_BB, DENSE), lambda j: (j, 0)),
        out_shape=jax.ShapeDtypeStruct((BATCH, DENSE), jnp.float32),
        compiler_params=pltpu.CompilerParams(
            dimension_semantics=("arbitrary",),
            vmem_limit_bytes=120 * 1024 * 1024),
        interpret=interpret,
    )(e3, x, W, b2, Wdp, bd2)


def kernel(x, emb_table, Wx, Wh, b, Wd, bd):
    idx = x.reshape(-1)
    p = jnp.arange(_ROWS, dtype=jnp.int32)
    opos = (2 * ((p % SEQ) * BATCH + p // SEQ)).reshape(_NW, _NCH, _CHUNK)
    e2 = _make_sc_gather()(idx, opos, emb_table)
    e128 = e2
    e3 = e128.reshape(SEQ, BATCH, 2 * EMB)
    W = jnp.concatenate([Wx, Wh], axis=0)
    Wdp = jnp.concatenate([jnp.zeros((HID, DENSE), jnp.float32), Wd], axis=0)
    return _lstm_call(e3, x, W, b.reshape(1, -1), Wdp, bd.reshape(1, -1))

# --- scband reference (transcript-rebuilt; emitter-appended) ---
"""Pipeline reference for scband-text-net-40346922779005 (READ-ONLY COPY).

The authoritative reference and input builder live on the scoring server;
editing this copy changes nothing except your own understanding.
"""

import jax, jax.numpy as jnp
import numpy as np

VOCAB = 1000000
EMB = 64
SEQ = 50
BATCH = 4096
HID = 64
DENSE = 512


def setup_inputs(seed: int = 0) -> dict:
    key = jax.random.key(seed)
    ks = jax.random.split(key, 7)
    x = jax.random.randint(ks[0], (BATCH, SEQ), 0, VOCAB, dtype=jnp.int32)
    emb_table = jax.random.normal(ks[1], (VOCAB, EMB), dtype=jnp.float32) * 0.02
    Wx = jax.random.normal(ks[2], (EMB, 4 * HID), dtype=jnp.float32) * 0.05
    Wh = jax.random.normal(ks[3], (HID, 4 * HID), dtype=jnp.float32) * 0.05
    # Keras LSTM default: unit_forget_bias=True -> forget gate bias = 1
    b = jnp.concatenate([
        jnp.zeros((HID,), jnp.float32),
        jnp.ones((HID,), jnp.float32),
        jnp.zeros((HID,), jnp.float32),
        jnp.zeros((HID,), jnp.float32),
    ])
    Wd = jax.random.normal(ks[4], (HID, DENSE), dtype=jnp.float32) * 0.05
    bd = jnp.zeros((DENSE,), jnp.float32)
    return {"x": x, "emb_table": emb_table, "Wx": Wx, "Wh": Wh, "b": b, "Wd": Wd, "bd": bd}


def reference(x, emb_table, Wx, Wh, b, Wd, bd):
    # Embedding lookup (mask_zero=True: index 0 is masked)
    e = jnp.take(emb_table, x, axis=0)  # [B, S, EMB]
    mask = (x != 0)                      # [B, S]

    def step(carry, inp):
        h, c = carry
        x_t, m_t = inp
        z = x_t @ Wx + h @ Wh + b
        i, f, g, o = jnp.split(z, 4, axis=-1)
        i = jax.nn.sigmoid(i)
        f = jax.nn.sigmoid(f)
        g = jax.nn.relu(g)        # activation='relu'
        o = jax.nn.sigmoid(o)
        c_new = f * c + i * g
        h_new = o * jax.nn.relu(c_new)
        m = m_t[:, None]
        h = jnp.where(m, h_new, h)  # masked timesteps carry state through
        c = jnp.where(m, c_new, c)
        return (h, c), None

    e_t = jnp.swapaxes(e, 0, 1)       # [S, B, EMB]
    m_t = jnp.swapaxes(mask, 0, 1)    # [S, B]
    h0 = jnp.zeros((x.shape[0], HID), jnp.float32)
    c0 = jnp.zeros((x.shape[0], HID), jnp.float32)
    (h, c), _ = jax.lax.scan(step, (h0, c0), (e_t, m_t))
    # Dropouts are identity at inference
    out = jax.nn.relu(h @ Wd + bd)    # Dense(512, relu)
    return out

if __name__ == "__main__":
    import jax
    _d = setup_inputs()
    print(jax.jit(kernel)(*tuple(_d.values())))

</pallas_src>

<mosaic_0001>
#map = affine_map<(d0, d1) -> (0)>
#map1 = affine_map<(d0, d1) -> (0, 0, 0)>
#map2 = affine_map<(d0, d1) -> (0, 0)>
module attributes {stable_mosaic.version = 14 : i64} {
  func.func @sc_gather(%arg0: i32, %arg1: i32, %arg2: memref<204800xi32, #tpu.memory_space<hbm>>, %arg3: memref<32x8x800xi32, #tpu.memory_space<hbm>>, %arg4: memref<1000000x64xf32, #tpu.memory_space<hbm>>, %arg5: memref<409600x64xf32, #tpu.memory_space<hbm>>, %arg6: memref<6400xi32, #tpu.memory_space<vmem>>, %arg7: memref<8x800xi32, #tpu.memory_space<vmem>>, %arg8: memref<800x64xf32, #tpu.memory_space<vmem>>, %arg9: memref<800x64xf32, #tpu.memory_space<vmem>>, %arg10: memref<!tpu.dma_semaphore, #tpu.memory_space<semaphore_mem>>, %arg11: memref<!tpu.dma_semaphore, #tpu.memory_space<semaphore_mem>>, %arg12: memref<!tpu.dma_semaphore, #tpu.memory_space<semaphore_mem>>, %arg13: memref<!tpu.dma_semaphore, #tpu.memory_space<semaphore_mem>>) attributes {dimension_semantics = [#tpu.dimension_semantics<core_parallel>, #tpu.dimension_semantics<subcore_parallel>], iteration_bounds = array<i64: 2, 16>, scalar_prefetch = 0 : i64, scratch_operands = 8 : i64, tpu.core_type = #tpu.core_type<sc_vector_subcore>, window_params = [{transform_indices = #map}, {transform_indices = #map1}, {transform_indices = #map2}, {transform_indices = #map2}]} {
    %mul3A = arith.constant 2 : i32
    %mul3A_0 = arith.muli %arg1, %mul3A : i32
    %add3A = arith.addi %mul3A_0, %arg0 : i32
    %mul3A_1 = arith.constant 6400 : i32
    %mul3A_2 = arith.muli %add3A, %mul3A_1 : i32
    "tpu.region"() ({
      %run_scoped3A = tpu.sem_alloc : memref<!tpu.dma_semaphore, #tpu.memory_space<semaphore_mem>>
      %dma_start3A_193 = tpu.memref_slice %arg2[%mul3A_2] : memref<204800xi32, #tpu.memory_space<hbm>> -> memref<6400xi32, #tpu.memory_space<hbm>>
      %dma_start3A_194 = tpu.memref_slice %arg2[%mul3A_2] : memref<204800xi32, #tpu.memory_space<hbm>> -> memref<6400xi32, #tpu.memory_space<hbm>>
      tpu.enqueue_dma source(%dma_start3A_194 : memref<6400xi32, #tpu.memory_space<hbm>>) target(%arg6 : memref<6400xi32, #tpu.memory_space<vmem>>) target_semaphore(%run_scoped3A : memref<!tpu.dma_semaphore, #tpu.memory_space<semaphore_mem>>)
      %dma_wait3A_195 = tpu.memref_slice %arg2[%mul3A_2] : memref<204800xi32, #tpu.memory_space<hbm>> -> memref<6400xi32, #tpu.memory_space<hbm>>
      %dma_wait3A_196 = tpu.memref_slice %arg2[%mul3A_2] : memref<204800xi32, #tpu.memory_space<hbm>> -> memref<6400xi32, #tpu.memory_space<hbm>>
      tpu.wait_dma2 semaphore(%run_scoped3A : memref<!tpu.dma_semaphore, #tpu.memory_space<semaphore_mem>>) src(%dma_wait3A_196 : memref<6400xi32, #tpu.memory_space<hbm>>) dst(%arg6 : memref<6400xi32, #tpu.memory_space<vmem>>)
      tpu.yield
    }) : () -> ()
    "tpu.region"() ({
      %run_scoped3A = tpu.sem_alloc : memref<!tpu.dma_semaphore, #tpu.memory_space<semaphore_mem>>
      %dma_start3A_193 = arith.constant 0 : i32
      %dma_start3A_194 = arith.constant 0 : i32
      %dma_start3A_195 = tpu.memref_slice %arg3[%add3A, %dma_start3A_193, %dma_start3A_194] : memref<32x8x800xi32, #tpu.memory_space<hbm>> -> memref<1x8x800xi32, #tpu.memory_space<hbm>>
      %dma_start3A_196 = tpu.memref_squeeze %dma_start3A_195 : memref<1x8x800xi32, #tpu.memory_space<hbm>> -> memref<8x800xi32, #tpu.memory_space<hbm>>
      %dma_start3A_197 = arith.constant 0 : i32
      %dma_start3A_198 = arith.constant 0 : i32
      %dma_start3A_199 = tpu.memref_slice %arg3[%add3A, %dma_start3A_197, %dma_start3A_198] : memref<32x8x800xi32, #tpu.memory_space<hbm>> -> memref<1x8x800xi32, #tpu.memory_space<hbm>>
      %dma_start3A_200 = tpu.memref_squeeze %dma_start3A_199 : memref<1x8x800xi32, #tpu.memory_space<hbm>> -> memref<8x800xi32, #tpu.memory_space<hbm>>
      tpu.enqueue_dma source(%dma_start3A_200 : memref<8x800xi32, #tpu.memory_space<hbm>>) target(%arg7 : memref<8x800xi32, #tpu.memory_space<vmem>>) target_semaphore(%run_scoped3A : memref<!tpu.dma_semaphore, #tpu.memory_space<semaphore_mem>>)
      %dma_wait3A_201 = arith.constant 0 : i32
      %dma_wait3A_202 = arith.constant 0 : i32
      %dma_wait3A_203 = tpu.memref_slice %arg3[%add3A, %dma_wait3A_201, %dma_wait3A_202] : memref<32x8x800xi32, #tpu.memory_space<hbm>> -> memref<1x8x800xi32, #tpu.memory_space<hbm>>
      %dma_wait3A_204 = tpu.memref_squeeze %dma_wait3A_203 : memref<1x8x800xi32, #tpu.memory_space<hbm>> -> memref<8x800xi32, #tpu.memory_space<hbm>>
      %dma_wait3A_205 = arith.constant 0 : i32
      %dma_wait3A_206 = arith.constant 0 : i32
      %dma_wait3A_207 = tpu.memref_slice %arg3[%add3A, %dma_wait3A_205, %dma_wait3A_206] : memref<32x8x800xi32, #tpu.memory_space<hbm>> -> memref<1x8x800xi32, #tpu.memory_space<hbm>>
      %dma_wait3A_208 = tpu.memref_squeeze %dma_wait3A_207 : memref<1x8x800xi32, #tpu.memory_space<hbm>> -> memref<8x800xi32, #tpu.memory_space<hbm>>
      tpu.wait_dma2 semaphore(%run_scoped3A : memref<!tpu.dma_semaphore, #tpu.memory_space<semaphore_mem>>) src(%dma_wait3A_208 : memref<8x800xi32, #tpu.memory_space<hbm>>) dst(%arg7 : memref<8x800xi32, #tpu.memory_space<vmem>>)
      tpu.yield
    }) : () -> ()
    %dma_start3A = arith.constant 0 : i32
    %dma_start3A_3 = tpu.memref_slice %arg6[%dma_start3A] : memref<6400xi32, #tpu.memory_space<vmem>> -> memref<800xi32, #tpu.memory_space<vmem>>
    %dma_start3A_4 = arith.constant 0 : i32
    %dma_start3A_5 = arith.constant 0 : i32
    %dma_start3A_6 = tpu.memref_slice %arg4[%dma_start3A_4, %dma_start3A_5] : memref<1000000x64xf32, #tpu.memory_space<hbm>> -> memref<1000000x64xf32, #tpu.memory_space<hbm>>
    tpu.enqueue_indirect_dma source(%dma_start3A_6 : memref<1000000x64xf32, #tpu.memory_space<hbm>>) target(%arg8 : memref<800x64xf32, #tpu.memory_space<vmem>>) offsets(%dma_start3A_3 : memref<800xi32, #tpu.memory_space<vmem>>) semaphore(%arg10 : memref<!tpu.dma_semaphore, #tpu.memory_space<semaphore_mem>>)
    %dma_start3A_7 = arith.constant 800 : i32
    %dma_start3A_8 = tpu.memref_slice %arg6[%dma_start3A_7] : memref<6400xi32, #tpu.memory_space<vmem>> -> memref<800xi32, #tpu.memory_space<vmem>>
    %dma_start3A_9 = arith.constant 0 : i32
    %dma_start3A_10 = arith.constant 0 : i32
    %dma_start3A_11 = tpu.memref_slice %arg4[%dma_start3A_9, %dma_start3A_10] : memref<1000000x64xf32, #tpu.memory_space<hbm>> -> memref<1000000x64xf32, #tpu.memory_space<hbm>>
    tpu.enqueue_indirect_dma source(%dma_start3A_11 : memref<1000000x64xf32, #tpu.memory_space<hbm>>) target(%arg9 : memref<800x64xf32, #tpu.memory_space<vmem>>) offsets(%dma_start3A_8 : memref<800xi32, #tpu.memory_space<vmem>>) semaphore(%arg11 : memref<!tpu.dma_semaphore, #tpu.memory_space<semaphore_mem>>)
    %dma_wait3A = arith.constant 0 : i32
    %dma_wait3A_12 = tpu.memref_slice %arg6[%dma_wait3A] : memref<6400xi32, #tpu.memory_space<vmem>> -> memref<800xi32, #tpu.memory_space<vmem>>
    %dma_wait3A_13 = arith.constant 0 : i32
    %dma_wait3A_14 = arith.constant 0 : i32
    %dma_wait3A_15 = tpu.memref_slice %arg4[%dma_wait3A_13, %dma_wait3A_14] : memref<1000000x64xf32, #tpu.memory_space<hbm>> -> memref<1000000x64xf32, #tpu.memory_space<hbm>>
    tpu.wait_indirect_dma semaphore(%arg10 : memref<!tpu.dma_semaphore, #tpu.memory_space<semaphore_mem>>) src(%dma_wait3A_15 : memref<1000000x64xf32, #tpu.memory_space<hbm>>) dst(%arg8 : memref<800x64xf32, #tpu.memory_space<vmem>>)
    %dma_start3A_16 = arith.constant 0 : i32
    %dma_start3A_17 = arith.constant 0 : i32
    %dma_start3A_18 = tpu.memref_slice %arg7[%dma_start3A_16, %dma_start3A_17] : memref<8x800xi32, #tpu.memory_space<vmem>> -> memref<1x800xi32, #tpu.memory_space<vmem>>
    %dma_start3A_19 = tpu.memref_squeeze %dma_start3A_18 : memref<1x800xi32, #tpu.memory_space<vmem>> -> memref<800xi32, #tpu.memory_space<vmem>>
    %dma_start3A_20 = arith.constant 0 : i32
    %dma_start3A_21 = arith.constant 0 : i32
    %dma_start3A_22 = tpu.memref_slice %arg5[%dma_start3A_20, %dma_start3A_21] : memref<409600x64xf32, #tpu.memory_space<hbm>> -> memref<409600x64xf32, #tpu.memory_space<hbm>>
    tpu.enqueue_indirect_dma source(%arg8 : memref<800x64xf32, #tpu.memory_space<vmem>>) target(%dma_start3A_22 : memref<409600x64xf32, #tpu.memory_space<hbm>>) offsets(%dma_start3A_19 : memref<800xi32, #tpu.memory_space<vmem>>) semaphore(%arg12 : memref<!tpu.dma_semaphore, #tpu.memory_space<semaphore_mem>>)
    %dma_wait3A_23 = arith.constant 0 : i32
    %dma_wait3A_24 = arith.constant 0 : i32
    %dma_wait3A_25 = tpu.memref_slice %arg7[%dma_wait3A_23, %dma_wait3A_24] : memref<8x800xi32, #tpu.memory_space<vmem>> -> memref<1x800xi32, #tpu.memory_space<vmem>>
    %dma_wait3A_26 = tpu.memref_squeeze %dma_wait3A_25 : memref<1x800xi32, #tpu.memory_space<vmem>> -> memref<800xi32, #tpu.memory_space<vmem>>
    %dma_wait3A_27 = arith.constant 0 : i32
    %dma_wait3A_28 = arith.constant 0 : i32
    %dma_wait3A_29 = tpu.memref_slice %arg5[%dma_wait3A_27, %dma_wait3A_28] : memref<409600x64xf32, #tpu.memory_space<hbm>> -> memref<409600x64xf32, #tpu.memory_space<hbm>>
    tpu.wait_indirect_dma semaphore(%arg12 : memref<!tpu.dma_semaphore, #tpu.memory_space<semaphore_mem>>) src(%arg8 : memref<800x64xf32, #tpu.memory_space<vmem>>) dst(%dma_wait3A_29 : memref<409600x64xf32, #tpu.memory_space<hbm>>)
    %dma_start3A_30 = arith.constant 1600 : i32
    %dma_start3A_31 = tpu.memref_slice %arg6[%dma_start3A_30] : memref<6400xi32, #tpu.memory_space<vmem>> -> memref<800xi32, #tpu.memory_space<vmem>>
    %dma_start3A_32 = arith.constant 0 : i32
    %dma_start3A_33 = arith.constant 0 : i32
    %dma_start3A_34 = tpu.memref_slice %arg4[%dma_start3A_32, %dma_start3A_33] : memref<1000000x64xf32, #tpu.memory_space<hbm>> -> memref<1000000x64xf32, #tpu.memory_space<hbm>>
    tpu.enqueue_indirect_dma source(%dma_start3A_34 : memref<1000000x64xf32, #tpu.memory_space<hbm>>) target(%arg8 : memref<800x64xf32, #tpu.memory_space<vmem>>) offsets(%dma_start3A_31 : memref<800xi32, #tpu.memory_space<vmem>>) semaphore(%arg10 : memref<!tpu.dma_semaphore, #tpu.memory_space<semaphore_mem>>)
    %dma_wait3A_35 = arith.constant 800 : i32
    %dma_wait3A_36 = tpu.memref_slice %arg6[%dma_wait3A_35] : memref<6400xi32, #tpu.memory_space<vmem>> -> memref<800xi32, #tpu.memory_space<vmem>>
    %dma_wait3A_37 = arith.constant 0 : i32
    %dma_wait3A_38 = arith.constant 0 : i32
    %dma_wait3A_39 = tpu.memref_slice %arg4[%dma_wait3A_37, %dma_wait3A_38] : memref<1000000x64xf32, #tpu.memory_space<hbm>> -> memref<1000000x64xf32, #tpu.memory_space<hbm>>
    tpu.wait_indirect_dma semaphore(%arg11 : memref<!tpu.dma_semaphore, #tpu.memory_space<semaphore_mem>>) src(%dma_wait3A_39 : memref<1000000x64xf32, #tpu.memory_space<hbm>>) dst(%arg9 : memref<800x64xf32, #tpu.memory_space<vmem>>)
    %dma_start3A_40 = arith.constant 1 : i32
    %dma_start3A_41 = arith.constant 0 : i32
    %dma_start3A_42 = tpu.memref_slice %arg7[%dma_start3A_40, %dma_start3A_41] : memref<8x800xi32, #tpu.memory_space<vmem>> -> memref<1x800xi32, #tpu.memory_space<vmem>>
    %dma_start3A_43 = tpu.memref_squeeze %dma_start3A_42 : memref<1x800xi32, #tpu.memory_space<vmem>> -> memref<800xi32, #tpu.memory_space<vmem>>
    %dma_start3A_44 = arith.constant 0 : i32
    %dma_start3A_45 = arith.constant 0 : i32
    %dma_start3A_46 = tpu.memref_slice %arg5[%dma_start3A_44, %dma_start3A_45] : memref<409600x64xf32, #tpu.memory_space<hbm>> -> memref<409600x64xf32, #tpu.memory_space<hbm>>
    tpu.enqueue_indirect_dma source(%arg9 : memref<800x64xf32, #tpu.memory_space<vmem>>) target(%dma_start3A_46 : memref<409600x64xf32, #tpu.memory_space<hbm>>) offsets(%dma_start3A_43 : memref<800xi32, #tpu.memory_space<vmem>>) semaphore(%arg13 : memref<!tpu.dma_semaphore, #tpu.memory_space<semaphore_mem>>)
    %dma_wait3A_47 = arith.constant 1 : i32
    %dma_wait3A_48 = arith.constant 0 : i32
    %dma_wait3A_49 = tpu.memref_slice %arg7[%dma_wait3A_47, %dma_wait3A_48] : memref<8x800xi32, #tpu.memory_space<vmem>> -> memref<1x800xi32, #tpu.memory_space<vmem>>
    %dma_wait3A_50 = tpu.memref_squeeze %dma_wait3A_49 : memref<1x800xi32, #tpu.memory_space<vmem>> -> memref<800xi32, #tpu.memory_space<vmem>>
    %dma_wait3A_51 = arith.constant 0 : i32
    %dma_wait3A_52 = arith.constant 0 : i32
    %dma_wait3A_53 = tpu.memref_slice %arg5[%dma_wait3A_51, %dma_wait3A_52] : memref<409600x64xf32, #tpu.memory_space<hbm>> -> memref<409600x64xf32, #tpu.memory_space<hbm>>
    tpu.wait_indirect_dma semaphore(%arg13 : memref<!tpu.dma_semaphore, #tpu.memory_space<semaphore_mem>>) src(%arg9 : memref<800x64xf32, #tpu.memory_space<vmem>>) dst(%dma_wait3A_53 : memref<409600x64xf32, #tpu.memory_space<hbm>>)
    %dma_start3A_54 = arith.constant 2400 : i32
    %dma_start3A_55 = tpu.memref_slice %arg6[%dma_start3A_54] : memref<6400xi32, #tpu.memory_space<vmem>> -> memref<800xi32, #tpu.memory_space<vmem>>
    %dma_start3A_56 = arith.constant 0 : i32
    %dma_start3A_57 = arith.constant 0 : i32
    %dma_start3A_58 = tpu.memref_slice %arg4[%dma_start3A_56, %dma_start3A_57] : memref<1000000x64xf32, #tpu.memory_space<hbm>> -> memref<1000000x64xf32, #tpu.memory_space<hbm>>
    tpu.enqueue_indirect_dma source(%dma_start3A_58 : memref<1000000x64xf32, #tpu.memory_space<hbm>>) target(%arg9 : memref<800x64xf32, #tpu.memory_space<vmem>>) offsets(%dma_start3A_55 : memref<800xi32, #tpu.memory_space<vmem>>) semaphore(%arg11 : memref<!tpu.dma_semaphore, #tpu.memory_space<semaphore_mem>>)
    %dma_wait3A_59 = arith.constant 1600 : i32
    %dma_wait3A_60 = tpu.memref_slice %arg6[%dma_wait3A_59] : memref<6400xi32, #tpu.memory_space<vmem>> -> memref<800xi32, #tpu.memory_space<vmem>>
    %dma_wait3A_61 = arith.constant 0 : i32
    %dma_wait3A_62 = arith.constant 0 : i32
    %dma_wait3A_63 = tpu.memref_slice %arg4[%dma_wait3A_61, %dma_wait3A_62] : memref<1000000x64xf32, #tpu.memory_space<hbm>> -> memref<1000000x64xf32, #tpu.memory_space<hbm>>
    tpu.wait_indirect_dma semaphore(%arg10 : memref<!tpu.dma_semaphore, #tpu.memory_space<semaphore_mem>>) src(%dma_wait3A_63 : memref<1000000x64xf32, #tpu.memory_space<hbm>>) dst(%arg8 : memref<800x64xf32, #tpu.memory_space<vmem>>)
    %dma_start3A_64 = arith.constant 2 : i32
    %dma_start3A_65 = arith.constant 0 : i32
    %dma_start3A_66 = tpu.memref_slice %arg7[%dma_start3A_64, %dma_start3A_65] : memref<8x800xi32, #tpu.memory_space<vmem>> -> memref<1x800xi32, #tpu.memory_space<vmem>>
    %dma_start3A_67 = tpu.memref_squeeze %dma_start3A_66 : memref<1x800xi32, #tpu.memory_space<vmem>> -> memref<800xi32, #tpu.memory_space<vmem>>
    %dma_start3A_68 = arith.constant 0 : i32
    %dma_start3A_69 = arith.constant 0 : i32
    %dma_start3A_70 = tpu.memref_slice %arg5[%dma_start3A_68, %dma_start3A_69] : memref<409600x64xf32, #tpu.memory_space<hbm>> -> memref<409600x64xf32, #tpu.memory_space<hbm>>
    tpu.enqueue_indirect_dma source(%arg8 : memref<800x64xf32, #tpu.memory_space<vmem>>) target(%dma_start3A_70 : memref<409600x64xf32, #tpu.memory_space<hbm>>) offsets(%dma_start3A_67 : memref<800xi32, #tpu.memory_space<vmem>>) semaphore(%arg12 : memref<!tpu.dma_semaphore, #tpu.memory_space<semaphore_mem>>)
    %dma_wait3A_71 = arith.constant 2 : i32
    %dma_wait3A_72 = arith.constant 0 : i32
    %dma_wait3A_73 = tpu.memref_slice %arg7[%dma_wait3A_71, %dma_wait3A_72] : memref<8x800xi32, #tpu.memory_space<vmem>> -> memref<1x800xi32, #tpu.memory_space<vmem>>
    %dma_wait3A_74 = tpu.memref_squeeze %dma_wait3A_73 : memref<1x800xi32, #tpu.memory_space<vmem>> -> memref<800xi32, #tpu.memory_space<vmem>>
    %dma_wait3A_75 = arith.constant 0 : i32
    %dma_wait3A_76 = arith.constant 0 : i32
    %dma_wait3A_77 = tpu.memref_slice %arg5[%dma_wait3A_75, %dma_wait3A_76] : memref<409600x64xf32, #tpu.memory_space<hbm>> -> memref<409600x64xf32, #tpu.memory_space<hbm>>
    tpu.wait_indirect_dma semaphore(%arg12 : memref<!tpu.dma_semaphore, #tpu.memory_space<semaphore_mem>>) src(%arg8 : memref<800x64xf32, #tpu.memory_space<vmem>>) dst(%dma_wait3A_77 : memref<409600x64xf32, #tpu.memory_space<hbm>>)
    %dma_start3A_78 = arith.constant 3200 : i32
    %dma_start3A_79 = tpu.memref_slice %arg6[%dma_start3A_78] : memref<6400xi32, #tpu.memory_space<vmem>> -> memref<800xi32, #tpu.memory_space<vmem>>
    %dma_start3A_80 = arith.constant 0 : i32
    %dma_start3A_81 = arith.constant 0 : i32
    %dma_start3A_82 = tpu.memref_slice %arg4[%dma_start3A_80, %dma_start3A_81] : memref<1000000x64xf32, #tpu.memory_space<hbm>> -> memref<1000000x64xf32, #tpu.memory_space<hbm>>
    tpu.enqueue_indirect_dma source(%dma_start3A_82 : memref<1000000x64xf32, #tpu.memory_space<hbm>>) target(%arg8 : memref<800x64xf32, #tpu.memory_space<vmem>>) offsets(%dma_start3A_79 : memref<800xi32, #tpu.memory_space<vmem>>) semaphore(%arg10 : memref<!tpu.dma_semaphore, #tpu.memory_space<semaphore_mem>>)
    %dma_wait3A_83 = arith.constant 2400 : i32
    %dma_wait3A_84 = tpu.memref_slice %arg6[%dma_wait3A_83] : memref<6400xi32, #tpu.memory_space<vmem>> -> memref<800xi32, #tpu.memory_space<vmem>>
    %dma_wait3A_85 = arith.constant 0 : i32
    %dma_wait3A_86 = arith.constant 0 : i32
    %dma_wait3A_87 = tpu.memref_slice %arg4[%dma_wait3A_85, %dma_wait3A_86] : memref<1000000x64xf32, #tpu.memory_space<hbm>> -> memref<1000000x64xf32, #tpu.memory_space<hbm>>
    tpu.wait_indirect_dma semaphore(%arg11 : memref<!tpu.dma_semaphore, #tpu.memory_space<semaphore_mem>>) src(%dma_wait3A_87 : memref<1000000x64xf32, #tpu.memory_space<hbm>>) dst(%arg9 : memref<800x64xf32, #tpu.memory_space<vmem>>)
    %dma_start3A_88 = arith.constant 3 : i32
    %dma_start3A_89 = arith.constant 0 : i32
    %dma_start3A_90 = tpu.memref_slice %arg7[%dma_start3A_88, %dma_start3A_89] : memref<8x800xi32, #tpu.memory_space<vmem>> -> memref<1x800xi32, #tpu.memory_space<vmem>>
    %dma_start3A_91 = tpu.memref_squeeze %dma_start3A_90 : memref<1x800xi32, #tpu.memory_space<vmem>> -> memref<800xi32, #tpu.memory_space<vmem>>
    %dma_start3A_92 = arith.constant 0 : i32
    %dma_start3A_93 = arith.constant 0 : i32
    %dma_start3A_94 = tpu.memref_slice %arg5[%dma_start3A_92, %dma_start3A_93] : memref<409600x64xf32, #tpu.memory_space<hbm>> -> memref<409600x64xf32, #tpu.memory_space<hbm>>
    tpu.enqueue_indirect_dma source(%arg9 : memref<800x64xf32, #tpu.memory_space<vmem>>) target(%dma_start3A_94 : memref<409600x64xf32, #tpu.memory_space<hbm>>) offsets(%dma_start3A_91 : memref<800xi32, #tpu.memory_space<vmem>>) semaphore(%arg13 : memref<!tpu.dma_semaphore, #tpu.memory_space<semaphore_mem>>)
    %dma_wait3A_95 = arith.constant 3 : i32
    %dma_wait3A_96 = arith.constant 0 : i32
    %dma_wait3A_97 = tpu.memref_slice %arg7[%dma_wait3A_95, %dma_wait3A_96] : memref<8x800xi32, #tpu.memory_space<vmem>> -> memref<1x800xi32, #tpu.memory_space<vmem>>
    %dma_wait3A_98 = tpu.memref_squeeze %dma_wait3A_97 : memref<1x800xi32, #tpu.memory_space<vmem>> -> memref<800xi32, #tpu.memory_space<vmem>>
    %dma_wait3A_99 = arith.constant 0 : i32
    %dma_wait3A_100 = arith.constant 0 : i32
    %dma_wait3A_101 = tpu.memref_slice %arg5[%dma_wait3A_99, %dma_wait3A_100] : memref<409600x64xf32, #tpu.memory_space<hbm>> -> memref<409600x64xf32, #tpu.memory_space<hbm>>
    tpu.wait_indirect_dma semaphore(%arg13 : memref<!tpu.dma_semaphore, #tpu.memory_space<semaphore_mem>>) src(%arg9 : memref<800x64xf32, #tpu.memory_space<vmem>>) dst(%dma_wait3A_101 : memref<409600x64xf32, #tpu.memory_space<hbm>>)
    %dma_start3A_102 = arith.constant 4000 : i32
    %dma_start3A_103 = tpu.memref_slice %arg6[%dma_start3A_102] : memref<6400xi32, #tpu.memory_space<vmem>> -> memref<800xi32, #tpu.memory_space<vmem>>
    %dma_start3A_104 = arith.constant 0 : i32
    %dma_start3A_105 = arith.constant 0 : i32
    %dma_start3A_106 = tpu.memref_slice %arg4[%dma_start3A_104, %dma_start3A_105] : memref<1000000x64xf32, #tpu.memory_space<hbm>> -> memref<1000000x64xf32, #tpu.memory_space<hbm>>
    tpu.enqueue_indirect_dma source(%dma_start3A_106 : memref<1000000x64xf32, #tpu.memory_space<hbm>>) target(%arg9 : memref<800x64xf32, #tpu.memory_space<vmem>>) offsets(%dma_start3A_103 : memref<800xi32, #tpu.memory_space<vmem>>) semaphore(%arg11 : memref<!tpu.dma_semaphore, #tpu.memory_space<semaphore_mem>>)
    %dma_wait3A_107 = arith.constant 3200 : i32
    %dma_wait3A_108 = tpu.memref_slice %arg6[%dma_wait3A_107] : memref<6400xi32, #tpu.memory_space<vmem>> -> memref<800xi32, #tpu.memory_space<vmem>>
    %dma_wait3A_109 = arith.constant 0 : i32
    %dma_wait3A_110 = arith.constant 0 : i32
    %dma_wait3A_111 = tpu.memref_slice %arg4[%dma_wait3A_109, %dma_wait3A_110] : memref<1000000x64xf32, #tpu.memory_space<hbm>> -> memref<1000000x64xf32, #tpu.memory_space<hbm>>
    tpu.wait_indirect_dma semaphore(%arg10 : memref<!tpu.dma_semaphore, #tpu.memory_space<semaphore_mem>>) src(%dma_wait3A_111 : memref<1000000x64xf32, #tpu.memory_space<hbm>>) dst(%arg8 : memref<800x64xf32, #tpu.memory_space<vmem>>)
    %dma_start3A_112 = arith.constant 4 : i32
    %dma_start3A_113 = arith.constant 0 : i32
    %dma_start3A_114 = tpu.memref_slice %arg7[%dma_start3A_112, %dma_start3A_113] : memref<8x800xi32, #tpu.memory_space<vmem>> -> memref<1x800xi32, #tpu.memory_space<vmem>>
    %dma_start3A_115 = tpu.memref_squeeze %dma_start3A_114 : memref<1x800xi32, #tpu.memory_space<vmem>> -> memref<800xi32, #tpu.memory_space<vmem>>
    %dma_start3A_116 = arith.constant 0 : i32
    %dma_start3A_117 = arith.constant 0 : i32
    %dma_start3A_118 = tpu.memref_slice %arg5[%dma_start3A_116, %dma_start3A_117] : memref<409600x64xf32, #tpu.memory_space<hbm>> -> memref<409600x64xf32, #tpu.memory_space<hbm>>
    tpu.enqueue_indirect_dma source(%arg8 : memref<800x64xf32, #tpu.memory_space<vmem>>) target(%dma_start3A_118 : memref<409600x64xf32, #tpu.memory_space<hbm>>) offsets(%dma_start3A_115 : memref<800xi32, #tpu.memory_space<vmem>>) semaphore(%arg12 : memref<!tpu.dma_semaphore, #tpu.memory_space<semaphore_mem>>)
    %dma_wait3A_119 = arith.constant 4 : i32
    %dma_wait3A_120 = arith.constant 0 : i32
    %dma_wait3A_121 = tpu.memref_slice %arg7[%dma_wait3A_119, %dma_wait3A_120] : memref<8x800xi32, #tpu.memory_space<vmem>> -> memref<1x800xi32, #tpu.memory_space<vmem>>
    %dma_wait3A_122 = tpu.memref_squeeze %dma_wait3A_121 : memref<1x800xi32, #tpu.memory_space<vmem>> -> memref<800xi32, #tpu.memory_space<vmem>>
    %dma_wait3A_123 = arith.constant 0 : i32
    %dma_wait3A_124 = arith.constant 0 : i32
    %dma_wait3A_125 = tpu.memref_slice %arg5[%dma_wait3A_123, %dma_wait3A_124] : memref<409600x64xf32, #tpu.memory_space<hbm>> -> memref<409600x64xf32, #tpu.memory_space<hbm>>
    tpu.wait_indirect_dma semaphore(%arg12 : memref<!tpu.dma_semaphore, #tpu.memory_space<semaphore_mem>>) src(%arg8 : memref<800x64xf32, #tpu.memory_space<vmem>>) dst(%dma_wait3A_125 : memref<409600x64xf32, #tpu.memory_space<hbm>>)
    %dma_start3A_126 = arith.constant 4800 : i32
    %dma_start3A_127 = tpu.memref_slice %arg6[%dma_start3A_126] : memref<6400xi32, #tpu.memory_space<vmem>> -> memref<800xi32, #tpu.memory_space<vmem>>
    %dma_start3A_128 = arith.constant 0 : i32
    %dma_start3A_129 = arith.constant 0 : i32
    %dma_start3A_130 = tpu.memref_slice %arg4[%dma_start3A_128, %dma_start3A_129] : memref<1000000x64xf32, #tpu.memory_space<hbm>> -> memref<1000000x64xf32, #tpu.memory_space<hbm>>
    tpu.enqueue_indirect_dma source(%dma_start3A_130 : memref<1000000x64xf32, #tpu.memory_space<hbm>>) target(%arg8 : memref<800x64xf32, #tpu.memory_space<vmem>>) offsets(%dma_start3A_127 : memref<800xi32, #tpu.memory_space<vmem>>) semaphore(%arg10 : memref<!tpu.dma_semaphore, #tpu.memory_space<semaphore_mem>>)
    %dma_wait3A_131 = arith.constant 4000 : i32
    %dma_wait3A_132 = tpu.memref_slice %arg6[%dma_wait3A_131] : memref<6400xi32, #tpu.memory_space<vmem>> -> memref<800xi32, #tpu.memory_space<vmem>>
    %dma_wait3A_133 = arith.constant 0 : i32
    %dma_wait3A_134 = arith.constant 0 : i32
    %dma_wait3A_135 = tpu.memref_slice %arg4[%dma_wait3A_133, %dma_wait3A_134] : memref<1000000x64xf32, #tpu.memory_space<hbm>> -> memref<1000000x64xf32, #tpu.memory_space<hbm>>
    tpu.wait_indirect_dma semaphore(%arg11 : memref<!tpu.dma_semaphore, #tpu.memory_space<semaphore_mem>>) src(%dma_wait3A_135 : memref<1000000x64xf32, #tpu.memory_space<hbm>>) dst(%arg9 : memref<800x64xf32, #tpu.memory_space<vmem>>)
    %dma_start3A_136 = arith.constant 5 : i32
    %dma_start3A_137 = arith.constant 0 : i32
    %dma_start3A_138 = tpu.memref_slice %arg7[%dma_start3A_136, %dma_start3A_137] : memref<8x800xi32, #tpu.memory_space<vmem>> -> memref<1x800xi32, #tpu.memory_space<vmem>>
    %dma_start3A_139 = tpu.memref_squeeze %dma_start3A_138 : memref<1x800xi32, #tpu.memory_space<vmem>> -> memref<800xi32, #tpu.memory_space<vmem>>
    %dma_start3A_140 = arith.constant 0 : i32
    %dma_start3A_141 = arith.constant 0 : i32
    %dma_start3A_142 = tpu.memref_slice %arg5[%dma_start3A_140, %dma_start3A_141] : memref<409600x64xf32, #tpu.memory_space<hbm>> -> memref<409600x64xf32, #tpu.memory_space<hbm>>
    tpu.enqueue_indirect_dma source(%arg9 : memref<800x64xf32, #tpu.memory_space<vmem>>) target(%dma_start3A_142 : memref<409600x64xf32, #tpu.memory_space<hbm>>) offsets(%dma_start3A_139 : memref<800xi32, #tpu.memory_space<vmem>>) semaphore(%arg13 : memref<!tpu.dma_semaphore, #tpu.memory_space<semaphore_mem>>)
    %dma_wait3A_143 = arith.constant 5 : i32
    %dma_wait3A_144 = arith.constant 0 : i32
    %dma_wait3A_145 = tpu.memref_slice %arg7[%dma_wait3A_143, %dma_wait3A_144] : memref<8x800xi32, #tpu.memory_space<vmem>> -> memref<1x800xi32, #tpu.memory_space<vmem>>
    %dma_wait3A_146 = tpu.memref_squeeze %dma_wait3A_145 : memref<1x800xi32, #tpu.memory_space<vmem>> -> memref<800xi32, #tpu.memory_space<vmem>>
    %dma_wait3A_147 = arith.constant 0 : i32
    %dma_wait3A_148 = arith.constant 0 : i32
    %dma_wait3A_149 = tpu.memref_slice %arg5[%dma_wait3A_147, %dma_wait3A_148] : memref<409600x64xf32, #tpu.memory_space<hbm>> -> memref<409600x64xf32, #tpu.memory_space<hbm>>
    tpu.wait_indirect_dma semaphore(%arg13 : memref<!tpu.dma_semaphore, #tpu.memory_space<semaphore_mem>>) src(%arg9 : memref<800x64xf32, #tpu.memory_space<vmem>>) dst(%dma_wait3A_149 : memref<409600x64xf32, #tpu.memory_space<hbm>>)
    %dma_start3A_150 = arith.constant 5600 : i32
    %dma_start3A_151 = tpu.memref_slice %arg6[%dma_start3A_150] : memref<6400xi32, #tpu.memory_space<vmem>> -> memref<800xi32, #tpu.memory_space<vmem>>
    %dma_start3A_152 = arith.constant 0 : i32
    %dma_start3A_153 = arith.constant 0 : i32
    %dma_start3A_154 = tpu.memref_slice %arg4[%dma_start3A_152, %dma_start3A_153] : memref<1000000x64xf32, #tpu.memory_space<hbm>> -> memref<1000000x64xf32, #tpu.memory_space<hbm>>
    tpu.enqueue_indirect_dma source(%dma_start3A_154 : memref<1000000x64xf32, #tpu.memory_space<hbm>>) target(%arg9 : memref<800x64xf32, #tpu.memory_space<vmem>>) offsets(%dma_start3A_151 : memref<800xi32, #tpu.memory_space<vmem>>) semaphore(%arg11 : memref<!tpu.dma_semaphore, #tpu.memory_space<semaphore_mem>>)
    %dma_wait3A_155 = arith.constant 4800 : i32
    %dma_wait3A_156 = tpu.memref_slice %arg6[%dma_wait3A_155] : memref<6400xi32, #tpu.memory_space<vmem>> -> memref<800xi32, #tpu.memory_space<vmem>>
    %dma_wait3A_157 = arith.constant 0 : i32
    %dma_wait3A_158 = arith.constant 0 : i32
    %dma_wait3A_159 = tpu.memref_slice %arg4[%dma_wait3A_157, %dma_wait3A_158] : memref<1000000x64xf32, #tpu.memory_space<hbm>> -> memref<1000000x64xf32, #tpu.memory_space<hbm>>
    tpu.wait_indirect_dma semaphore(%arg10 : memref<!tpu.dma_semaphore, #tpu.memory_space<semaphore_mem>>) src(%dma_wait3A_159 : memref<1000000x64xf32, #tpu.memory_space<hbm>>) dst(%arg8 : memref<800x64xf32, #tpu.memory_space<vmem>>)
    %dma_start3A_160 = arith.constant 6 : i32
    %dma_start3A_161 = arith.constant 0 : i32
    %dma_start3A_162 = tpu.memref_slice %arg7[%dma_start3A_160, %dma_start3A_161] : memref<8x800xi32, #tpu.memory_space<vmem>> -> memref<1x800xi32, #tpu.memory_space<vmem>>
    %dma_start3A_163 = tpu.memref_squeeze %dma_start3A_162 : memref<1x800xi32, #tpu.memory_space<vmem>> -> memref<800xi32, #tpu.memory_space<vmem>>
    %dma_start3A_164 = arith.constant 0 : i32
    %dma_start3A_165 = arith.constant 0 : i32
    %dma_start3A_166 = tpu.memref_slice %arg5[%dma_start3A_164, %dma_start3A_165] : memref<409600x64xf32, #tpu.memory_space<hbm>> -> memref<409600x64xf32, #tpu.memory_space<hbm>>
    tpu.enqueue_indirect_dma source(%arg8 : memref<800x64xf32, #tpu.memory_space<vmem>>) target(%dma_start3A_166 : memref<409600x64xf32, #tpu.memory_space<hbm>>) offsets(%dma_start3A_163 : memref<800xi32, #tpu.memory_space<vmem>>) semaphore(%arg12 : memref<!tpu.dma_semaphore, #tpu.memory_space<semaphore_mem>>)
    %dma_wait3A_167 = arith.constant 6 : i32
    %dma_wait3A_168 = arith.constant 0 : i32
    %dma_wait3A_169 = tpu.memref_slice %arg7[%dma_wait3A_167, %dma_wait3A_168] : memref<8x800xi32, #tpu.memory_space<vmem>> -> memref<1x800xi32, #tpu.memory_space<vmem>>
    %dma_wait3A_170 = tpu.memref_squeeze %dma_wait3A_169 : memref<1x800xi32, #tpu.memory_space<vmem>> -> memref<800xi32, #tpu.memory_space<vmem>>
    %dma_wait3A_171 = arith.constant 0 : i32
    %dma_wait3A_172 = arith.constant 0 : i32
    %dma_wait3A_173 = tpu.memref_slice %arg5[%dma_wait3A_171, %dma_wait3A_172] : memref<409600x64xf32, #tpu.memory_space<hbm>> -> memref<409600x64xf32, #tpu.memory_space<hbm>>
    tpu.wait_indirect_dma semaphore(%arg12 : memref<!tpu.dma_semaphore, #tpu.memory_space<semaphore_mem>>) src(%arg8 : memref<800x64xf32, #tpu.memory_space<vmem>>) dst(%dma_wait3A_173 : memref<409600x64xf32, #tpu.memory_space<hbm>>)
    %dma_wait3A_174 = arith.constant 5600 : i32
    %dma_wait3A_175 = tpu.memref_slice %arg6[%dma_wait3A_174] : memref<6400xi32, #tpu.memory_space<vmem>> -> memref<800xi32, #tpu.memory_space<vmem>>
    %dma_wait3A_176 = arith.constant 0 : i32
    %dma_wait3A_177 = arith.constant 0 : i32
    %dma_wait3A_178 = tpu.memref_slice %arg4[%dma_wait3A_176, %dma_wait3A_177] : memref<1000000x64xf32, #tpu.memory_space<hbm>> -> memref<1000000x64xf32, #tpu.memory_space<hbm>>
    tpu.wait_indirect_dma semaphore(%arg11 : memref<!tpu.dma_semaphore, #tpu.memory_space<semaphore_mem>>) src(%dma_wait3A_178 : memref<1000000x64xf32, #tpu.memory_space<hbm>>) dst(%arg9 : memref<800x64xf32, #tpu.memory_space<vmem>>)
    %dma_start3A_179 = arith.constant 7 : i32
    %dma_start3A_180 = arith.constant 0 : i32
    %dma_start3A_181 = tpu.memref_slice %arg7[%dma_start3A_179, %dma_start3A_180] : memref<8x800xi32, #tpu.memory_space<vmem>> -> memref<1x800xi32, #tpu.memory_space<vmem>>
    %dma_start3A_182 = tpu.memref_squeeze %dma_start3A_181 : memref<1x800xi32, #tpu.memory_space<vmem>> -> memref<800xi32, #tpu.memory_space<vmem>>
    %dma_start3A_183 = arith.constant 0 : i32
    %dma_start3A_184 = arith.constant 0 : i32
    %dma_start3A_185 = tpu.memref_slice %arg5[%dma_start3A_183, %dma_start3A_184] : memref<409600x64xf32, #tpu.memory_space<hbm>> -> memref<409600x64xf32, #tpu.memory_space<hbm>>
    tpu.enqueue_indirect_dma source(%arg9 : memref<800x64xf32, #tpu.memory_space<vmem>>) target(%dma_start3A_185 : memref<409600x64xf32, #tpu.memory_space<hbm>>) offsets(%dma_start3A_182 : memref<800xi32, #tpu.memory_space<vmem>>) semaphore(%arg13 : memref<!tpu.dma_semaphore, #tpu.memory_space<semaphore_mem>>)
    %dma_wait3A_186 = arith.constant 7 : i32
    %dma_wait3A_187 = arith.constant 0 : i32
    %dma_wait3A_188 = tpu.memref_slice %arg7[%dma_wait3A_186, %dma_wait3A_187] : memref<8x800xi32, #tpu.memory_space<vmem>> -> memref<1x800xi32, #tpu.memory_space<vmem>>
    %dma_wait3A_189 = tpu.memref_squeeze %dma_wait3A_188 : memref<1x800xi32, #tpu.memory_space<vmem>> -> memref<800xi32, #tpu.memory_space<vmem>>
    %dma_wait3A_190 = arith.constant 0 : i32
    %dma_wait3A_191 = arith.constant 0 : i32
    %dma_wait3A_192 = tpu.memref_slice %arg5[%dma_wait3A_190, %dma_wait3A_191] : memref<409600x64xf32, #tpu.memory_space<hbm>> -> memref<409600x64xf32, #tpu.memory_space<hbm>>
    tpu.wait_indirect_dma semaphore(%arg13 : memref<!tpu.dma_semaphore, #tpu.memory_space<semaphore_mem>>) src(%arg9 : memref<800x64xf32, #tpu.memory_space<vmem>>) dst(%dma_wait3A_192 : memref<409600x64xf32, #tpu.memory_space<hbm>>)
    return
  }
}

module attributes {stable_mosaic.version = 14 : i64} {
  func.func @_lstm_body(%arg0: i32, %arg1: memref<50x1024x128xf32, #tpu.memory_space<vmem>>, %arg2: memref<1024x50xi32, #tpu.memory_space<vmem>>, %arg3: memref<128x256xf32, #tpu.memory_space<vmem>>, %arg4: memref<1x256xf32, #tpu.memory_space<vmem>>, %arg5: memref<128x512xf32, #tpu.memory_space<vmem>>, %arg6: memref<1x512xf32, #tpu.memory_space<vmem>>, %arg7: memref<1024x512xf32, #tpu.memory_space<vmem>>) attributes {dimension_semantics = [#tpu.dimension_semantics<arbitrary>], iteration_bounds = array<i64: 4>, scalar_prefetch = 0 : i64, scratch_operands = 0 : i64, tpu.core_type = #tpu.core_type<tc>, window_params = [{transform_indices = @transform_0, window_bounds = array<i64: 50, 1024, 128>}, {transform_indices = @transform_1, window_bounds = array<i64: 1024, 50>}, {pipeline_mode = #tpu.pipeline_mode<synchronous>, transform_indices = @transform_2, window_bounds = array<i64: 128, 256>}, {pipeline_mode = #tpu.pipeline_mode<synchronous>, transform_indices = @transform_3, window_bounds = array<i64: 1, 256>}, {pipeline_mode = #tpu.pipeline_mode<synchronous>, transform_indices = @transform_4, window_bounds = array<i64: 128, 512>}, {pipeline_mode = #tpu.pipeline_mode<synchronous>, transform_indices = @transform_5, window_bounds = array<i64: 1, 512>}, {transform_indices = @transform_6, window_bounds = array<i64: 1024, 512>}]} {
    %iota3A = tpu.iota {dimensions = array<i32: 1>} : vector<1024x128xi32>
    %lt3A = arith.constant 64 : i32
    %lt3A_0 = vector.broadcast %lt3A : i32 to vector<1024x128xi32>
    %lt3A_1 = arith.cmpi slt, %iota3A, %lt3A_0 : vector<1024x128xi32>
    %broadcast_in_dim3A = arith.constant 0.000000e+00 : f32
    %broadcast_in_dim3A_2 = vector.broadcast %broadcast_in_dim3A : f32 to vector<1024x128xf32>
    %broadcast_in_dim3A_3 = arith.constant 0.000000e+00 : f32
    %broadcast_in_dim3A_4 = vector.broadcast %broadcast_in_dim3A_3 : f32 to vector<1024x128xf32>
    %get3A = arith.constant 0 : index
    %get3A_5 = arith.constant 0 : index
    %get3A_6 = vector.load %arg3[%get3A, %get3A_5] : memref<128x256xf32, #tpu.memory_space<vmem>>, vector<128x256xf32>
    %get3A_7 = arith.constant 0 : index
    %get3A_8 = arith.constant 0 : index
    %get3A_9 = vector.load %arg4[%get3A_7, %get3A_8] : memref<1x256xf32, #tpu.memory_space<vmem>>, vector<1x256xf32>
    %get3A_10 = arith.constant 0 : index
    %get3A_11 = arith.constant 0 : index
    %get3A_12 = arith.constant 0 : index
    %get3A_13 = vector.load %arg1[%get3A_10, %get3A_11, %get3A_12] : memref<50x1024x128xf32, #tpu.memory_space<vmem>>, vector<1x1024x128xf32>
    %get3A_14 = vector.shape_cast %get3A_13 : vector<1x1024x128xf32> to vector<1024x128xf32>
    %select_n3A = arith.select %lt3A_1, %get3A_14, %broadcast_in_dim3A_2 : vector<1024x128xi1>, vector<1024x128xf32>
    %dot_general3A = arith.constant dense<0.000000e+00> : vector<1024x256xf32>
    %dot_general3A_15 = tpu.matmul %select_n3A, %get3A_6, %dot_general3A {dimension_numbers = #tpu.dot_dimension_numbers<[1], [0], [0], [1], [0, 0, 1, 1], [], []>, transpose_lhs_hint = false} : vector<1024x128xf32>, vector<128x256xf32>, vector<1024x256xf32> -> vector<1024x256xf32>
    %add3A = vector.broadcast %get3A_9 : vector<1x256xf32> to vector<1024x256xf32>
    %add3A_16 = arith.addf %dot_general3A_15, %add3A : vector<1024x256xf32>
    %slice3A = vector.extract_strided_slice %add3A_16 {offsets = [0, 0], sizes = [1024, 128], strides = [1, 1]} : vector<1024x256xf32> to vector<1024x128xf32>
    %slice3A_17 = vector.extract_strided_slice %add3A_16 {offsets = [0, 128], sizes = [1024, 128], strides = [1, 1]} : vector<1024x256xf32> to vector<1024x128xf32>
    %mul3A = arith.constant 5.000000e-01 : f32
    %mul3A_18 = vector.broadcast %mul3A : f32 to vector<1024x128xf32>
    %mul3A_19 = arith.mulf %mul3A_18, %slice3A : vector<1024x128xf32>
    %tanh3A = math.tanh %mul3A_19 : vector<1024x128xf32>
    %mul3A_20 = arith.constant 5.000000e-01 : f32
    %mul3A_21 = vector.broadcast %mul3A_20 : f32 to vector<1024x128xf32>
    %mul3A_22 = arith.mulf %mul3A_21, %tanh3A : vector<1024x128xf32>
    %add3A_23 = arith.constant 5.000000e-01 : f32
    %add3A_24 = vector.broadcast %add3A_23 : f32 to vector<1024x128xf32>
    %add3A_25 = arith.addf %mul3A_22, %add3A_24 : vector<1024x128xf32>
    %max3A = arith.constant 0.000000e+00 : f32
    %max3A_26 = vector.broadcast %max3A : f32 to vector<1024x128xf32>
    %max3A_27 = arith.maximumf %slice3A_17, %max3A_26 : vector<1024x128xf32>
    %mul3A_28 = arith.constant 5.000000e-01 : f32
    %mul3A_29 = vector.broadcast %mul3A_28 : f32 to vector<1024x128xf32>
    %mul3A_30 = arith.mulf %mul3A_29, %slice3A_17 : vector<1024x128xf32>
    %tanh3A_31 = math.tanh %mul3A_30 : vector<1024x128xf32>
    %mul3A_32 = arith.constant 5.000000e-01 : f32
    %mul3A_33 = vector.broadcast %mul3A_32 : f32 to vector<1024x128xf32>
    %mul3A_34 = arith.mulf %mul3A_33, %tanh3A_31 : vector<1024x128xf32>
    %add3A_35 = arith.constant 5.000000e-01 : f32
    %add3A_36 = vector.broadcast %add3A_35 : f32 to vector<1024x128xf32>
    %add3A_37 = arith.addf %mul3A_34, %add3A_36 : vector<1024x128xf32>
    %select_n3A_38 = arith.select %lt3A_1, %max3A_27, %add3A_37 : vector<1024x128xi1>, vector<1024x128xf32>
    %mul3A_39 = arith.mulf %add3A_25, %select_n3A_38 : vector<1024x128xf32>
    %mul3A_40 = arith.mulf %add3A_25, %broadcast_in_dim3A_4 : vector<1024x128xf32>
    %roll3A = arith.constant 64 : i32
    %roll3A_41 = tpu.dynamic_rotate %mul3A_39 by %roll3A dim 1 : vector<1024x128xf32>, i32 -> vector<1024x128xf32>
    %add3A_42 = arith.addf %mul3A_40, %roll3A_41 : vector<1024x128xf32>
    %max3A_43 = arith.constant 0.000000e+00 : f32
    %max3A_44 = vector.broadcast %max3A_43 : f32 to vector<1024x128xf32>
    %max3A_45 = arith.maximumf %add3A_42, %max3A_44 : vector<1024x128xf32>
    %mul3A_46 = arith.mulf %select_n3A_38, %max3A_45 : vector<1024x128xf32>
    %get3A_47 = arith.constant 0 : index
    %get3A_48 = arith.constant 0 : index
    %get3A_49 = vector.load %arg2[%get3A_47, %get3A_48] : memref<1024x50xi32, #tpu.memory_space<vmem>>, vector<1024x1xi32>
    %ne3A = arith.constant 0 : i32
    %ne3A_50 = vector.broadcast %ne3A : i32 to vector<1024x1xi32>
    %ne3A_51 = arith.cmpi ne, %get3A_49, %ne3A_50 : vector<1024x1xi32>
    %broadcast_in_dim3A_52 = vector.shape_cast %ne3A_51 : vector<1024x1xi1> to vector<1024x1xi1>
    %broadcast_in_dim3A_53 = vector.broadcast %broadcast_in_dim3A_52 : vector<1024x1xi1> to vector<1024x128xi1>
    %select_n3A_54 = arith.select %broadcast_in_dim3A_53, %add3A_42, %broadcast_in_dim3A_4 : vector<1024x128xi1>, vector<1024x128xf32>
    %broadcast_in_dim3A_55 = vector.shape_cast %ne3A_51 : vector<1024x1xi1> to vector<1024x1xi1>
    %broadcast_in_dim3A_56 = vector.broadcast %broadcast_in_dim3A_55 : vector<1024x1xi1> to vector<1024x128xi1>
    %select_n3A_57 = arith.select %broadcast_in_dim3A_56, %mul3A_46, %broadcast_in_dim3A_2 : vector<1024x128xi1>, vector<1024x128xf32>
    %get3A_58 = arith.constant 1 : index
    %get3A_59 = arith.constant 0 : index
    %get3A_60 = arith.constant 0 : index
    %get3A_61 = vector.load %arg1[%get3A_58, %get3A_59, %get3A_60] : memref<50x1024x128xf32, #tpu.memory_space<vmem>>, vector<1x1024x128xf32>
    %get3A_62 = vector.shape_cast %get3A_61 : vector<1x1024x128xf32> to vector<1024x128xf32>
    %select_n3A_63 = arith.select %lt3A_1, %get3A_62, %select_n3A_57 : vector<1024x128xi1>, vector<1024x128xf32>
    %dot_general3A_64 = arith.constant dense<0.000000e+00> : vector<1024x256xf32>
    %dot_general3A_65 = tpu.matmul %select_n3A_63, %get3A_6, %dot_general3A_64 {dimension_numbers = #tpu.dot_dimension_numbers<[1], [0], [0], [1], [0, 0, 1, 1], [], []>, transpose_lhs_hint = false} : vector<1024x128xf32>, vector<128x256xf32>, vector<1024x256xf32> -> vector<1024x256xf32>
    %add3A_66 = vector.broadcast %get3A_9 : vector<1x256xf32> to vector<1024x256xf32>
    %add3A_67 = arith.addf %dot_general3A_65, %add3A_66 : vector<1024x256xf32>
    %slice3A_68 = vector.extract_strided_slice %add3A_67 {offsets = [0, 0], sizes = [1024, 128], strides = [1, 1]} : vector<1024x256xf32> to vector<1024x128xf32>
    %slice3A_69 = vector.extract_strided_slice %add3A_67 {offsets = [0, 128], sizes = [1024, 128], strides = [1, 1]} : vector<1024x256xf32> to vector<1024x128xf32>
    %mul3A_70 = arith.constant 5.000000e-01 : f32
    %mul3A_71 = vector.broadcast %mul3A_70 : f32 to vector<1024x128xf32>
    %mul3A_72 = arith.mulf %mul3A_71, %slice3A_68 : vector<1024x128xf32>
    %tanh3A_73 = math.tanh %mul3A_72 : vector<1024x128xf32>
    %mul3A_74 = arith.constant 5.000000e-01 : f32
    %mul3A_75 = vector.broadcast %mul3A_74 : f32 to vector<1024x128xf32>
    %mul3A_76 = arith.mulf %mul3A_75, %tanh3A_73 : vector<1024x128xf32>
    %add3A_77 = arith.constant 5.000000e-01 : f32
    %add3A_78 = vector.broadcast %add3A_77 : f32 to vector<1024x128xf32>
    %add3A_79 = arith.addf %mul3A_76, %add3A_78 : vector<1024x128xf32>
    %max3A_80 = arith.constant 0.000000e+00 : f32
    %max3A_81 = vector.broadcast %max3A_80 : f32 to vector<1024x128xf32>
    %max3A_82 = arith.maximumf %slice3A_69, %max3A_81 : vector<1024x128xf32>
    %mul3A_83 = arith.constant 5.000000e-01 : f32
    %mul3A_84 = vector.broadcast %mul3A_83 : f32 to vector<1024x128xf32>
    %mul3A_85 = arith.mulf %mul3A_84, %slice3A_69 : vector<1024x128xf32>
    %tanh3A_86 = math.tanh %mul3A_85 : vector<1024x128xf32>
    %mul3A_87 = arith.constant 5.000000e-01 : f32
    %mul3A_88 = vector.broadcast %mul3A_87 : f32 to vector<1024x128xf32>
    %mul3A_89 = arith.mulf %mul3A_88, %tanh3A_86 : vector<1024x128xf32>
    %add3A_90 = arith.constant 5.000000e-01 : f32
    %add3A_91 = vector.broadcast %add3A_90 : f32 to vector<1024x128xf32>
    %add3A_92 = arith.addf %mul3A_89, %add3A_91 : vector<1024x128xf32>
    %select_n3A_93 = arith.select %lt3A_1, %max3A_82, %add3A_92 : vector<1024x128xi1>, vector<1024x128xf32>
    %mul3A_94 = arith.mulf %add3A_79, %select_n3A_93 : vector<1024x128xf32>
    %mul3A_95 = arith.mulf %add3A_79, %select_n3A_54 : vector<1024x128xf32>
    %roll3A_96 = arith.constant 64 : i32
    %roll3A_97 = tpu.dynamic_rotate %mul3A_94 by %roll3A_96 dim 1 : vector<1024x128xf32>, i32 -> vector<1024x128xf32>
    %add3A_98 = arith.addf %mul3A_95, %roll3A_97 : vector<1024x128xf32>
    %max3A_99 = arith.constant 0.000000e+00 : f32
    %max3A_100 = vector.broadcast %max3A_99 : f32 to vector<1024x128xf32>
    %max3A_101 = arith.maximumf %add3A_98, %max3A_100 : vector<1024x128xf32>
    %mul3A_102 = arith.mulf %select_n3A_93, %max3A_101 : vector<1024x128xf32>
    %get3A_103 = arith.constant 0 : index
    %get3A_104 = arith.constant 1 : index
    %get3A_105 = vector.load %arg2[%get3A_103, %get3A_104] : memref<1024x50xi32, #tpu.memory_space<vmem>>, vector<1024x1xi32>
    %ne3A_106 = arith.constant 0 : i32
    %ne3A_107 = vector.broadcast %ne3A_106 : i32 to vector<1024x1xi32>
    %ne3A_108 = arith.cmpi ne, %get3A_105, %ne3A_107 : vector<1024x1xi32>
    %broadcast_in_dim3A_109 = vector.shape_cast %ne3A_108 : vector<1024x1xi1> to vector<1024x1xi1>
    %broadcast_in_dim3A_110 = vector.broadcast %broadcast_in_dim3A_109 : vector<1024x1xi1> to vector<1024x128xi1>
    %select_n3A_111 = arith.select %broadcast_in_dim3A_110, %add3A_98, %select_n3A_54 : vector<1024x128xi1>, vector<1024x128xf32>
    %broadcast_in_dim3A_112 = vector.shape_cast %ne3A_108 : vector<1024x1xi1> to vector<1024x1xi1>
    %broadcast_in_dim3A_113 = vector.broadcast %broadcast_in_dim3A_112 : vector<1024x1xi1> to vector<1024x128xi1>
    %select_n3A_114 = arith.select %broadcast_in_dim3A_113, %mul3A_102, %select_n3A_57 : vector<1024x128xi1>, vector<1024x128xf32>
    %get3A_115 = arith.constant 2 : index
    %get3A_116 = arith.constant 0 : index
    %get3A_117 = arith.constant 0 : index
    %get3A_118 = vector.load %arg1[%get3A_115, %get3A_116, %get3A_117] : memref<50x1024x128xf32, #tpu.memory_space<vmem>>, vector<1x1024x128xf32>
    %get3A_119 = vector.shape_cast %get3A_118 : vector<1x1024x128xf32> to vector<1024x128xf32>
    %select_n3A_120 = arith.select %lt3A_1, %get3A_119, %select_n3A_114 : vector<1024x128xi1>, vector<1024x128xf32>
    %dot_general3A_121 = arith.constant dense<0.000000e+00> : vector<1024x256xf32>
    %dot_general3A_122 = tpu.matmul %select_n3A_120, %get3A_6, %dot_general3A_121 {dimension_numbers = #tpu.dot_dimension_numbers<[1], [0], [0], [1], [0, 0, 1, 1], [], []>, transpose_lhs_hint = false} : vector<1024x128xf32>, vector<128x256xf32>, vector<1024x256xf32> -> vector<1024x256xf32>
    %add3A_123 = vector.broadcast %get3A_9 : vector<1x256xf32> to vector<1024x256xf32>
    %add3A_124 = arith.addf %dot_general3A_122, %add3A_123 : vector<1024x256xf32>
    %slice3A_125 = vector.extract_strided_slice %add3A_124 {offsets = [0, 0], sizes = [1024, 128], strides = [1, 1]} : vector<1024x256xf32> to vector<1024x128xf32>
    %slice3A_126 = vector.extract_strided_slice %add3A_124 {offsets = [0, 128], sizes = [1024, 128], strides = [1, 1]} : vector<1024x256xf32> to vector<1024x128xf32>
    %mul3A_127 = arith.constant 5.000000e-01 : f32
    %mul3A_128 = vector.broadcast %mul3A_127 : f32 to vector<1024x128xf32>
    %mul3A_129 = arith.mulf %mul3A_128, %slice3A_125 : vector<1024x128xf32>
    %tanh3A_130 = math.tanh %mul3A_129 : vector<1024x128xf32>
    %mul3A_131 = arith.constant 5.000000e-01 : f32
    %mul3A_132 = vector.broadcast %mul3A_131 : f32 to vector<1024x128xf32>
    %mul3A_133 = arith.mulf %mul3A_132, %tanh3A_130 : vector<1024x128xf32>
    %add3A_134 = arith.constant 5.000000e-01 : f32
    %add3A_135 = vector.broadcast %add3A_134 : f32 to vector<1024x128xf32>
    %add3A_136 = arith.addf %mul3A_133, %add3A_135 : vector<1024x128xf32>
    %max3A_137 = arith.constant 0.000000e+00 : f32
    %max3A_138 = vector.broadcast %max3A_137 : f32 to vector<1024x128xf32>
    %max3A_139 = arith.maximumf %slice3A_126, %max3A_138 : vector<1024x128xf32>
    %mul3A_140 = arith.constant 5.000000e-01 : f32
    %mul3A_141 = vector.broadcast %mul3A_140 : f32 to vector<1024x128xf32>
    %mul3A_142 = arith.mulf %mul3A_141, %slice3A_126 : vector<1024x128xf32>
    %tanh3A_143 = math.tanh %mul3A_142 : vector<1024x128xf32>
    %mul3A_144 = arith.constant 5.000000e-01 : f32
    %mul3A_145 = vector.broadcast %mul3A_144 : f32 to vector<1024x128xf32>
    %mul3A_146 = arith.mulf %mul3A_145, %tanh3A_143 : vector<1024x128xf32>
    %add3A_147 = arith.constant 5.000000e-01 : f32
    %add3A_148 = vector.broadcast %add3A_147 : f32 to vector<1024x128xf32>
    %add3A_149 = arith.addf %mul3A_146, %add3A_148 : vector<1024x128xf32>
    %select_n3A_150 = arith.select %lt3A_1, %max3A_139, %add3A_149 : vector<1024x128xi1>, vector<1024x128xf32>
    %mul3A_151 = arith.mulf %add3A_136, %select_n3A_150 : vector<1024x128xf32>
    %mul3A_152 = arith.mulf %add3A_136, %select_n3A_111 : vector<1024x128xf32>
    %roll3A_153 = arith.constant 64 : i32
    %roll3A_154 = tpu.dynamic_rotate %mul3A_151 by %roll3A_153 dim 1 : vector<1024x128xf32>, i32 -> vector<1024x128xf32>
    %add3A_155 = arith.addf %mul3A_152, %roll3A_154 : vector<1024x128xf32>
    %max3A_156 = arith.constant 0.000000e+00 : f32
    %max3A_157 = vector.broadcast %max3A_156 : f32 to vector<1024x128xf32>
    %max3A_158 = arith.maximumf %add3A_155, %max3A_157 : vector<1024x128xf32>
    %mul3A_159 = arith.mulf %select_n3A_150, %max3A_158 : vector<1024x128xf32>
    %get3A_160 = arith.constant 0 : index
    %get3A_161 = arith.constant 2 : index
    %get3A_162 = vector.load %arg2[%get3A_160, %get3A_161] : memref<1024x50xi32, #tpu.memory_space<vmem>>, vector<1024x1xi32>
    %ne3A_163 = arith.constant 0 : i32
    %ne3A_164 = vector.broadcast %ne3A_163 : i32 to vector<1024x1xi32>
    %ne3A_165 = arith.cmpi ne, %get3A_162, %ne3A_164 : vector<1024x1xi32>
    %broadcast_in_dim3A_166 = vector.shape_cast %ne3A_165 : vector<1024x1xi1> to vector<1024x1xi1>
    %broadcast_in_dim3A_167 = vector.broadcast %broadcast_in_dim3A_166 : vector<1024x1xi1> to vector<1024x128xi1>
    %select_n3A_168 = arith.select %broadcast_in_dim3A_167, %add3A_155, %select_n3A_111 : vector<1024x128xi1>, vector<1024x128xf32>
    %broadcast_in_dim3A_169 = vector.shape_cast %ne3A_165 : vector<1024x1xi1> to vector<1024x1xi1>
    %broadcast_in_dim3A_170 = vector.broadcast %broadcast_in_dim3A_169 : vector<1024x1xi1> to vector<1024x128xi1>
    %select_n3A_171 = arith.select %broadcast_in_dim3A_170, %mul3A_159, %select_n3A_114 : vector<1024x128xi1>, vector<1024x128xf32>
    %get3A_172 = arith.constant 3 : index
    %get3A_173 = arith.constant 0 : index
    %get3A_174 = arith.constant 0 : index
    %get3A_175 = vector.load %arg1[%get3A_172, %get3A_173, %get3A_174] : memref<50x1024x128xf32, #tpu.memory_space<vmem>>, vector<1x1024x128xf32>
    %get3A_176 = vector.shape_cast %get3A_175 : vector<1x1024x128xf32> to vector<1024x128xf32>
    %select_n3A_177 = arith.select %lt3A_1, %get3A_176, %select_n3A_171 : vector<1024x128xi1>, vector<1024x128xf32>
    %dot_general3A_178 = arith.constant dense<0.000000e+00> : vector<1024x256xf32>
    %dot_general3A_179 = tpu.matmul %select_n3A_177, %get3A_6, %dot_general3A_178 {dimension_numbers = #tpu.dot_dimension_numbers<[1], [0], [0], [1], [0, 0, 1, 1], [], []>, transpose_lhs_hint = false} : vector<1024x128xf32>, vector<128x256xf32>, vector<1024x256xf32> -> vector<1024x256xf32>
    %add3A_180 = vector.broadcast %get3A_9 : vector<1x256xf32> to vector<1024x256xf32>
    %add3A_181 = arith.addf %dot_general3A_179, %add3A_180 : vector<1024x256xf32>
    %slice3A_182 = vector.extract_strided_slice %add3A_181 {offsets = [0, 0], sizes = [1024, 128], strides = [1, 1]} : vector<1024x256xf32> to vector<1024x128xf32>
    %slice3A_183 = vector.extract_strided_slice %add3A_181 {offsets = [0, 128], sizes = [1024, 128], strides = [1, 1]} : vector<1024x256xf32> to vector<1024x128xf32>
    %mul3A_184 = arith.constant 5.000000e-01 : f32
    %mul3A_185 = vector.broadcast %mul3A_184 : f32 to vector<1024x128xf32>
    %mul3A_186 = arith.mulf %mul3A_185, %slice3A_182 : vector<1024x128xf32>
    %tanh3A_187 = math.tanh %mul3A_186 : vector<1024x128xf32>
    %mul3A_188 = arith.constant 5.000000e-01 : f32
    %mul3A_189 = vector.broadcast %mul3A_188 : f32 to vector<1024x128xf32>
    %mul3A_190 = arith.mulf %mul3A_189, %tanh3A_187 : vector<1024x128xf32>
    %add3A_191 = arith.constant 5.000000e-01 : f32
    %add3A_192 = vector.broadcast %add3A_191 : f32 to vector<1024x128xf32>
    %add3A_193 = arith.addf %mul3A_190, %add3A_192 : vector<1024x128xf32>
    %max3A_194 = arith.constant 0.000000e+00 : f32
    %max3A_195 = vector.broadcast %max3A_194 : f32 to vector<1024x128xf32>
    %max3A_196 = arith.maximumf %slice3A_183, %max3A_195 : vector<1024x128xf32>
    %mul3A_197 = arith.constant 5.000000e-01 : f32
    %mul3A_198 = vector.broadcast %mul3A_197 : f32 to vector<1024x128xf32>
    %mul3A_199 = arith.mulf %mul3A_198, %slice3A_183 : vector<1024x128xf32>
    %tanh3A_200 = math.tanh %mul3A_199 : vector<1024x128xf32>
    %mul3A_201 = arith.constant 5.000000e-01 : f32
    %mul3A_202 = vector.broadcast %mul3A_201 : f32 to vector<1024x128xf32>
    %mul3A_203 = arith.mulf %mul3A_202, %tanh3A_200 : vector<1024x128xf32>
    %add3A_204 = arith.constant 5.000000e-01 : f32
    %add3A_205 = vector.broadcast %add3A_204 : f32 to vector<1024x128xf32>
    %add3A_206 = arith.addf %mul3A_203, %add3A_205 : vector<1024x128xf32>
    %select_n3A_207 = arith.select %lt3A_1, %max3A_196, %add3A_206 : vector<1024x128xi1>, vector<1024x128xf32>
    %mul3A_208 = arith.mulf %add3A_193, %select_n3A_207 : vector<1024x128xf32>
    %mul3A_209 = arith.mulf %add3A_193, %select_n3A_168 : vector<1024x128xf32>
    %roll3A_210 = arith.constant 64 : i32
    %roll3A_211 = tpu.dynamic_rotate %mul3A_208 by %roll3A_210 dim 1 : vector<1024x128xf32>, i32 -> vector<1024x128xf32>
    %add3A_212 = arith.addf %mul3A_209, %roll3A_211 : vector<1024x128xf32>
    %max3A_213 = arith.constant 0.000000e+00 : f32
    %max3A_214 = vector.broadcast %max3A_213 : f32 to vector<1024x128xf32>
    %max3A_215 = arith.maximumf %add3A_212, %max3A_214 : vector<1024x128xf32>
    %mul3A_216 = arith.mulf %select_n3A_207, %max3A_215 : vector<1024x128xf32>
    %get3A_217 = arith.constant 0 : index
    %get3A_218 = arith.constant 3 : index
    %get3A_219 = vector.load %arg2[%get3A_217, %get3A_218] : memref<1024x50xi32, #tpu.memory_space<vmem>>, vector<1024x1xi32>
    %ne3A_220 = arith.constant 0 : i32
    %ne3A_221 = vector.broadcast %ne3A_220 : i32 to vector<1024x1xi32>
    %ne3A_222 = arith.cmpi ne, %get3A_219, %ne3A_221 : vector<1024x1xi32>
    %broadcast_in_dim3A_223 = vector.shape_cast %ne3A_222 : vector<1024x1xi1> to vector<1024x1xi1>
    %broadcast_in_dim3A_224 = vector.broadcast %broadcast_in_dim3A_223 : vector<1024x1xi1> to vector<1024x128xi1>
    %select_n3A_225 = arith.select %broadcast_in_dim3A_224, %add3A_212, %select_n3A_168 : vector<1024x128xi1>, vector<1024x128xf32>
    %broadcast_in_dim3A_226 = vector.shape_cast %ne3A_222 : vector<1024x1xi1> to vector<1024x1xi1>
    %broadcast_in_dim3A_227 = vector.broadcast %broadcast_in_dim3A_226 : vector<1024x1xi1> to vector<1024x128xi1>
    %select_n3A_228 = arith.select %broadcast_in_dim3A_227, %mul3A_216, %select_n3A_171 : vector<1024x128xi1>, vector<1024x128xf32>
    %get3A_229 = arith.constant 4 : index
    %get3A_230 = arith.constant 0 : index
    %get3A_231 = arith.constant 0 : index
    %get3A_232 = vector.load %arg1[%get3A_229, %get3A_230, %get3A_231] : memref<50x1024x128xf32, #tpu.memory_space<vmem>>, vector<1x1024x128xf32>
    %get3A_233 = vector.shape_cast %get3A_232 : vector<1x1024x128xf32> to vector<1024x128xf32>
    %select_n3A_234 = arith.select %lt3A_1, %get3A_233, %select_n3A_228 : vector<1024x128xi1>, vector<1024x128xf32>
    %dot_general3A_235 = arith.constant dense<0.000000e+00> : vector<1024x256xf32>
    %dot_general3A_236 = tpu.matmul %select_n3A_234, %get3A_6, %dot_general3A_235 {dimension_numbers = #tpu.dot_dimension_numbers<[1], [0], [0], [1], [0, 0, 1, 1], [], []>, transpose_lhs_hint = false} : vector<1024x128xf32>, vector<128x256xf32>, vector<1024x256xf32> -> vector<1024x256xf32>
    %add3A_237 = vector.broadcast %get3A_9 : vector<1x256xf32> to vector<1024x256xf32>
    %add3A_238 = arith.addf %dot_general3A_236, %add3A_237 : vector<1024x256xf32>
    %slice3A_239 = vector.extract_strided_slice %add3A_238 {offsets = [0, 0], sizes = [1024, 128], strides = [1, 1]} : vector<1024x256xf32> to vector<1024x128xf32>
    %slice3A_240 = vector.extract_strided_slice %add3A_238 {offsets = [0, 128], sizes = [1024, 128], strides = [1, 1]} : vector<1024x256xf32> to vector<1024x128xf32>
    %mul3A_241 = arith.constant 5.000000e-01 : f32
    %mul3A_242 = vector.broadcast %mul3A_241 : f32 to vector<1024x128xf32>
    %mul3A_243 = arith.mulf %mul3A_242, %slice3A_239 : vector<1024x128xf32>
    %tanh3A_244 = math.tanh %mul3A_243 : vector<1024x128xf32>
    %mul3A_245 = arith.constant 5.000000e-01 : f32
    %mul3A_246 = vector.broadcast %mul3A_245 : f32 to vector<1024x128xf32>
    %mul3A_247 = arith.mulf %mul3A_246, %tanh3A_244 : vector<1024x128xf32>
    %add3A_248 = arith.constant 5.000000e-01 : f32
    %add3A_249 = vector.broadcast %add3A_248 : f32 to vector<1024x128xf32>
    %add3A_250 = arith.addf %mul3A_247, %add3A_249 : vector<1024x128xf32>
    %max3A_251 = arith.constant 0.000000e+00 : f32
    %max3A_252 = vector.broadcast %max3A_251 : f32 to vector<1024x128xf32>
    %max3A_253 = arith.maximumf %slice3A_240, %max3A_252 : vector<1024x128xf32>
    %mul3A_254 = arith.constant 5.000000e-01 : f32
    %mul3A_255 = vector.broadcast %mul3A_254 : f32 to vector<1024x128xf32>
    %mul3A_256 = arith.mulf %mul3A_255, %slice3A_240 : vector<1024x128xf32>
    %tanh3A_257 = math.tanh %mul3A_256 : vector<1024x128xf32>
    %mul3A_258 = arith.constant 5.000000e-01 : f32
    %mul3A_259 = vector.broadcast %mul3A_258 : f32 to vector<1024x128xf32>
    %mul3A_260 = arith.mulf %mul3A_259, %tanh3A_257 : vector<1024x128xf32>
    %add3A_261 = arith.constant 5.000000e-01 : f32
    %add3A_262 = vector.broadcast %add3A_261 : f32 to vector<1024x128xf32>
    %add3A_263 = arith.addf %mul3A_260, %add3A_262 : vector<1024x128xf32>
    %select_n3A_264 = arith.select %lt3A_1, %max3A_253, %add3A_263 : vector<1024x128xi1>, vector<1024x128xf32>
    %mul3A_265 = arith.mulf %add3A_250, %select_n3A_264 : vector<1024x128xf32>
    %mul3A_266 = arith.mulf %add3A_250, %select_n3A_225 : vector<1024x128xf32>
    %roll3A_267 = arith.constant 64 : i32
    %roll3A_268 = tpu.dynamic_rotate %mul3A_265 by %roll3A_267 dim 1 : vector<1024x128xf32>, i32 -> vector<1024x128xf32>
    %add3A_269 = arith.addf %mul3A_266, %roll3A_268 : vector<1024x128xf32>
    %max3A_270 = arith.constant 0.000000e+00 : f32
    %max3A_271 = vector.broadcast %max3A_270 : f32 to vector<1024x128xf32>
    %max3A_272 = arith.maximumf %add3A_269, %max3A_271 : vector<1024x128xf32>
    %mul3A_273 = arith.mulf %select_n3A_264, %max3A_272 : vector<1024x128xf32>
    %get3A_274 = arith.constant 0 : index
    %get3A_275 = arith.constant 4 : index
    %get3A_276 = vector.load %arg2[%get3A_274, %get3A_275] : memref<1024x50xi32, #tpu.memory_space<vmem>>, vector<1024x1xi32>
    %ne3A_277 = arith.constant 0 : i32
    %ne3A_278 = vector.broadcast %ne3A_277 : i32 to vector<1024x1xi32>
    %ne3A_279 = arith.cmpi ne, %get3A_276, %ne3A_278 : vector<1024x1xi32>
    %broadcast_in_dim3A_280 = vector.shape_cast %ne3A_279 : vector<1024x1xi1> to vector<1024x1xi1>
    %broadcast_in_dim3A_281 = vector.broadcast %broadcast_in_dim3A_280 : vector<1024x1xi1> to vector<1024x128xi1>
    %select_n3A_282 = arith.select %broadcast_in_dim3A_281, %add3A_269, %select_n3A_225 : vector<1024x128xi1>, vector<1024x128xf32>
    %broadcast_in_dim3A_283 = vector.shape_cast %ne3A_279 : vector<1024x1xi1> to vector<1024x1xi1>
    %broadcast_in_dim3A_284 = vector.broadcast %broadcast_in_dim3A_283 : vector<1024x1xi1> to vector<1024x128xi1>
    %select_n3A_285 = arith.select %broadcast_in_dim3A_284, %mul3A_273, %select_n3A_228 : vector<1024x128xi1>, vector<1024x128xf32>
    %get3A_286 = arith.constant 5 : index
    %get3A_287 = arith.constant 0 : index
    %get3A_288 = arith.constant 0 : index
    %get3A_289 = vector.load %arg1[%get3A_286, %get3A_287, %get3A_288] : memref<50x1024x128xf32, #tpu.memory_space<vmem>>, vector<1x1024x128xf32>
    %get3A_290 = vector.shape_cast %get3A_289 : vector<1x1024x128xf32> to vector<1024x128xf32>
    %select_n3A_291 = arith.select %lt3A_1, %get3A_290, %select_n3A_285 : vector<1024x128xi1>, vector<1024x128xf32>
    %dot_general3A_292 = arith.constant dense<0.000000e+00> : vector<1024x256xf32>
    %dot_general3A_293 = tpu.matmul %select_n3A_291, %get3A_6, %dot_general3A_292 {dimension_numbers = #tpu.dot_dimension_numbers<[1], [0], [0], [1], [0, 0, 1, 1], [], []>, transpose_lhs_hint = false} : vector<1024x128xf32>, vector<128x256xf32>, vector<1024x256xf32> -> vector<1024x256xf32>
    %add3A_294 = vector.broadcast %get3A_9 : vector<1x256xf32> to vector<1024x256xf32>
    %add3A_295 = arith.addf %dot_general3A_293, %add3A_294 : vector<1024x256xf32>
    %slice3A_296 = vector.extract_strided_slice %add3A_295 {offsets = [0, 0], sizes = [1024, 128], strides = [1, 1]} : vector<1024x256xf32> to vector<1024x128xf32>
    %slice3A_297 = vector.extract_strided_slice %add3A_295 {offsets = [0, 128], sizes = [1024, 128], strides = [1, 1]} : vector<1024x256xf32> to vector<1024x128xf32>
    %mul3A_298 = arith.constant 5.000000e-01 : f32
    %mul3A_299 = vector.broadcast %mul3A_298 : f32 to vector<1024x128xf32>
    %mul3A_300 = arith.mulf %mul3A_299, %slice3A_296 : vector<1024x128xf32>
    %tanh3A_301 = math.tanh %mul3A_300 : vector<1024x128xf32>
    %mul3A_302 = arith.constant 5.000000e-01 : f32
    %mul3A_303 = vector.broadcast %mul3A_302 : f32 to vector<1024x128xf32>
    %mul3A_304 = arith.mulf %mul3A_303, %tanh3A_301 : vector<1024x128xf32>
    %add3A_305 = arith.constant 5.000000e-01 : f32
    %add3A_306 = vector.broadcast %add3A_305 : f32 to vector<1024x128xf32>
    %add3A_307 = arith.addf %mul3A_304, %add3A_306 : vector<1024x128xf32>
    %max3A_308 = arith.constant 0.000000e+00 : f32
    %max3A_309 = vector.broadcast %max3A_308 : f32 to vector<1024x128xf32>
    %max3A_310 = arith.maximumf %slice3A_297, %max3A_309 : vector<1024x128xf32>
    %mul3A_311 = arith.constant 5.000000e-01 : f32
    %mul3A_312 = vector.broadcast %mul3A_311 : f32 to vector<1024x128xf32>
    %mul3A_313 = arith.mulf %mul3A_312, %slice3A_297 : vector<1024x128xf32>
    %tanh3A_314 = math.tanh %mul3A_313 : vector<1024x128xf32>
    %mul3A_315 = arith.constant 5.000000e-01 : f32
    %mul3A_316 = vector.broadcast %mul3A_315 : f32 to vector<1024x128xf32>
    %mul3A_317 = arith.mulf %mul3A_316, %tanh3A_314 : vector<1024x128xf32>
    %add3A_318 = arith.constant 5.000000e-01 : f32
    %add3A_319 = vector.broadcast %add3A_318 : f32 to vector<1024x128xf32>
    %add3A_320 = arith.addf %mul3A_317, %add3A_319 : vector<1024x128xf32>
    %select_n3A_321 = arith.select %lt3A_1, %max3A_310, %add3A_320 : vector<1024x128xi1>, vector<1024x128xf32>
    %mul3A_322 = arith.mulf %add3A_307, %select_n3A_321 : vector<1024x128xf32>
    %mul3A_323 = arith.mulf %add3A_307, %select_n3A_282 : vector<1024x128xf32>
    %roll3A_324 = arith.constant 64 : i32
    %roll3A_325 = tpu.dynamic_rotate %mul3A_322 by %roll3A_324 dim 1 : vector<1024x128xf32>, i32 -> vector<1024x128xf32>
    %add3A_326 = arith.addf %mul3A_323, %roll3A_325 : vector<1024x128xf32>
    %max3A_327 = arith.constant 0.000000e+00 : f32
    %max3A_328 = vector.broadcast %max3A_327 : f32 to vector<1024x128xf32>
    %max3A_329 = arith.maximumf %add3A_326, %max3A_328 : vector<1024x128xf32>
    %mul3A_330 = arith.mulf %select_n3A_321, %max3A_329 : vector<1024x128xf32>
    %get3A_331 = arith.constant 0 : index
    %get3A_332 = arith.constant 5 : index
    %get3A_333 = vector.load %arg2[%get3A_331, %get3A_332] : memref<1024x50xi32, #tpu.memory_space<vmem>>, vector<1024x1xi32>
    %ne3A_334 = arith.constant 0 : i32
    %ne3A_335 = vector.broadcast %ne3A_334 : i32 to vector<1024x1xi32>
    %ne3A_336 = arith.cmpi ne, %get3A_333, %ne3A_335 : vector<1024x1xi32>
    %broadcast_in_dim3A_337 = vector.shape_cast %ne3A_336 : vector<1024x1xi1> to vector<1024x1xi1>
    %broadcast_in_dim3A_338 = vector.broadcast %broadcast_in_dim3A_337 : vector<1024x1xi1> to vector<1024x128xi1>
    %select_n3A_339 = arith.select %broadcast_in_dim3A_338, %add3A_326, %select_n3A_282 : vector<1024x128xi1>, vector<1024x128xf32>
    %broadcast_in_dim3A_340 = vector.shape_cast %ne3A_336 : vector<1024x1xi1> to vector<1024x1xi1>
    %broadcast_in_dim3A_341 = vector.broadcast %broadcast_in_dim3A_340 : vector<1024x1xi1> to vector<1024x128xi1>
    %select_n3A_342 = arith.select %broadcast_in_dim3A_341, %mul3A_330, %select_n3A_285 : vector<1024x128xi1>, vector<1024x128xf32>
    %get3A_343 = arith.constant 6 : index
    %get3A_344 = arith.constant 0 : index
    %get3A_345 = arith.constant 0 : index
    %get3A_346 = vector.load %arg1[%get3A_343, %get3A_344, %get3A_345] : memref<50x1024x128xf32, #tpu.memory_space<vmem>>, vector<1x1024x128xf32>
    %get3A_347 = vector.shape_cast %get3A_346 : vector<1x1024x128xf32> to vector<1024x128xf32>
    %select_n3A_348 = arith.select %lt3A_1, %get3A_347, %select_n3A_342 : vector<1024x128xi1>, vector<1024x128xf32>
    %dot_general3A_349 = arith.constant dense<0.000000e+00> : vector<1024x256xf32>
    %dot_general3A_350 = tpu.matmul %select_n3A_348, %get3A_6, %dot_general3A_349 {dimension_numbers = #tpu.dot_dimension_numbers<[1], [0], [0], [1], [0, 0, 1, 1], [], []>, transpose_lhs_hint = false} : vector<1024x128xf32>, vector<128x256xf32>, vector<1024x256xf32> -> vector<1024x256xf32>
    %add3A_351 = vector.broadcast %get3A_9 : vector<1x256xf32> to vector<1024x256xf32>
    %add3A_352 = arith.addf %dot_general3A_350, %add3A_351 : vector<1024x256xf32>
    %slice3A_353 = vector.extract_strided_slice %add3A_352 {offsets = [0, 0], sizes = [1024, 128], strides = [1, 1]} : vector<1024x256xf32> to vector<1024x128xf32>
    %slice3A_354 = vector.extract_strided_slice %add3A_352 {offsets = [0, 128], sizes = [1024, 128], strides = [1, 1]} : vector<1024x256xf32> to vector<1024x128xf32>
    %mul3A_355 = arith.constant 5.000000e-01 : f32
    %mul3A_356 = vector.broadcast %mul3A_355 : f32 to vector<1024x128xf32>
    %mul3A_357 = arith.mulf %mul3A_356, %slice3A_353 : vector<1024x128xf32>
    %tanh3A_358 = math.tanh %mul3A_357 : vector<1024x128xf32>
    %mul3A_359 = arith.constant 5.000000e-01 : f32
    %mul3A_360 = vector.broadcast %mul3A_359 : f32 to vector<1024x128xf32>
    %mul3A_361 = arith.mulf %mul3A_360, %tanh3A_358 : vector<1024x128xf32>
    %add3A_362 = arith.constant 5.000000e-01 : f32
    %add3A_363 = vector.broadcast %add3A_362 : f32 to vector<1024x128xf32>
    %add3A_364 = arith.addf %mul3A_361, %add3A_363 : vector<1024x128xf32>
    %max3A_365 = arith.constant 0.000000e+00 : f32
    %max3A_366 = vector.broadcast %max3A_365 : f32 to vector<1024x128xf32>
    %max3A_367 = arith.maximumf %slice3A_354, %max3A_366 : vector<1024x128xf32>
    %mul3A_368 = arith.constant 5.000000e-01 : f32
    %mul3A_369 = vector.broadcast %mul3A_368 : f32 to vector<1024x128xf32>
    %mul3A_370 = arith.mulf %mul3A_369, %slice3A_354 : vector<1024x128xf32>
    %tanh3A_371 = math.tanh %mul3A_370 : vector<1024x128xf32>
    %mul3A_372 = arith.constant 5.000000e-01 : f32
    %mul3A_373 = vector.broadcast %mul3A_372 : f32 to vector<1024x128xf32>
    %mul3A_374 = arith.mulf %mul3A_373, %tanh3A_371 : vector<1024x128xf32>
    %add3A_375 = arith.constant 5.000000e-01 : f32
    %add3A_376 = vector.broadcast %add3A_375 : f32 to vector<1024x128xf32>
    %add3A_377 = arith.addf %mul3A_374, %add3A_376 : vector<1024x128xf32>
    %select_n3A_378 = arith.select %lt3A_1, %max3A_367, %add3A_377 : vector<1024x128xi1>, vector<1024x128xf32>
    %mul3A_379 = arith.mulf %add3A_364, %select_n3A_378 : vector<1024x128xf32>
    %mul3A_380 = arith.mulf %add3A_364, %select_n3A_339 : vector<1024x128xf32>
    %roll3A_381 = arith.constant 64 : i32
    %roll3A_382 = tpu.dynamic_rotate %mul3A_379 by %roll3A_381 dim 1 : vector<1024x128xf32>, i32 -> vector<1024x128xf32>
    %add3A_383 = arith.addf %mul3A_380, %roll3A_382 : vector<1024x128xf32>
    %max3A_384 = arith.constant 0.000000e+00 : f32
    %max3A_385 = vector.broadcast %max3A_384 : f32 to vector<1024x128xf32>
    %max3A_386 = arith.maximumf %add3A_383, %max3A_385 : vector<1024x128xf32>
    %mul3A_387 = arith.mulf %select_n3A_378, %max3A_386 : vector<1024x128xf32>
    %get3A_388 = arith.constant 0 : index
    %get3A_389 = arith.constant 6 : index
    %get3A_390 = vector.load %arg2[%get3A_388, %get3A_389] : memref<1024x50xi32, #tpu.memory_space<vmem>>, vector<1024x1xi32>
    %ne3A_391 = arith.constant 0 : i32
    %ne3A_392 = vector.broadcast %ne3A_391 : i32 to vector<1024x1xi32>
    %ne3A_393 = arith.cmpi ne, %get3A_390, %ne3A_392 : vector<1024x1xi32>
    %broadcast_in_dim3A_394 = vector.shape_cast %ne3A_393 : vector<1024x1xi1> to vector<1024x1xi1>
    %broadcast_in_dim3A_395 = vector.broadcast %broadcast_in_dim3A_394 : vector<1024x1xi1> to vector<1024x128xi1>
    %select_n3A_396 = arith.select %broadcast_in_dim3A_395, %add3A_383, %select_n3A_339 : vector<1024x128xi1>, vector<1024x128xf32>
    %broadcast_in_dim3A_397 = vector.shape_cast %ne3A_393 : vector<1024x1xi1> to vector<1024x1xi1>
    %broadcast_in_dim3A_398 = vector.broadcast %broadcast_in_dim3A_397 : vector<1024x1xi1> to vector<1024x128xi1>
    %select_n3A_399 = arith.select %broadcast_in_dim3A_398, %mul3A_387, %select_n3A_342 : vector<1024x128xi1>, vector<1024x128xf32>
    %get3A_400 = arith.constant 7 : index
    %get3A_401 = arith.constant 0 : index
    %get3A_402 = arith.constant 0 : index
    %get3A_403 = vector.load %arg1[%get3A_400, %get3A_401, %get3A_402] : memref<50x1024x128xf32, #tpu.memory_space<vmem>>, vector<1x1024x128xf32>
    %get3A_404 = vector.shape_cast %get3A_403 : vector<1x1024x128xf32> to vector<1024x128xf32>
    %select_n3A_405 = arith.select %lt3A_1, %get3A_404, %select_n3A_399 : vector<1024x128xi1>, vector<1024x128xf32>
    %dot_general3A_406 = arith.constant dense<0.000000e+00> : vector<1024x256xf32>
    %dot_general3A_407 = tpu.matmul %select_n3A_405, %get3A_6, %dot_general3A_406 {dimension_numbers = #tpu.dot_dimension_numbers<[1], [0], [0], [1], [0, 0, 1, 1], [], []>, transpose_lhs_hint = false} : vector<1024x128xf32>, vector<128x256xf32>, vector<1024x256xf32> -> vector<1024x256xf32>
    %add3A_408 = vector.broadcast %get3A_9 : vector<1x256xf32> to vector<1024x256xf32>
    %add3A_409 = arith.addf %dot_general3A_407, %add3A_408 : vector<1024x256xf32>
    %slice3A_410 = vector.extract_strided_slice %add3A_409 {offsets = [0, 0], sizes = [1024, 128], strides = [1, 1]} : vector<1024x256xf32> to vector<1024x128xf32>
    %slice3A_411 = vector.extract_strided_slice %add3A_409 {offsets = [0, 128], sizes = [1024, 128], strides = [1, 1]} : vector<1024x256xf32> to vector<1024x128xf32>
    %mul3A_412 = arith.constant 5.000000e-01 : f32
    %mul3A_413 = vector.broadcast %mul3A_412 : f32 to vector<1024x128xf32>
    %mul3A_414 = arith.mulf %mul3A_413, %slice3A_410 : vector<1024x128xf32>
    %tanh3A_415 = math.tanh %mul3A_414 : vector<1024x128xf32>
    %mul3A_416 = arith.constant 5.000000e-01 : f32
    %mul3A_417 = vector.broadcast %mul3A_416 : f32 to vector<1024x128xf32>
    %mul3A_418 = arith.mulf %mul3A_417, %tanh3A_415 : vector<1024x128xf32>
    %add3A_419 = arith.constant 5.000000e-01 : f32
    %add3A_420 = vector.broadcast %add3A_419 : f32 to vector<1024x128xf32>
    %add3A_421 = arith.addf %mul3A_418, %add3A_420 : vector<1024x128xf32>
    %max3A_422 = arith.constant 0.000000e+00 : f32
    %max3A_423 = vector.broadcast %max3A_422 : f32 to vector<1024x128xf32>
    %max3A_424 = arith.maximumf %slice3A_411, %max3A_423 : vector<1024x128xf32>
    %mul3A_425 = arith.constant 5.000000e-01 : f32
    %mul3A_426 = vector.broadcast %mul3A_425 : f32 to vector<1024x128xf32>
    %mul3A_427 = arith.mulf %mul3A_426, %slice3A_411 : vector<1024x128xf32>
    %tanh3A_428 = math.tanh %mul3A_427 : vector<1024x128xf32>
    %mul3A_429 = arith.constant 5.000000e-01 : f32
    %mul3A_430 = vector.broadcast %mul3A_429 : f32 to vector<1024x128xf32>
    %mul3A_431 = arith.mulf %mul3A_430, %tanh3A_428 : vector<1024x128xf32>
    %add3A_432 = arith.constant 5.000000e-01 : f32
    %add3A_433 = vector.broadcast %add3A_432 : f32 to vector<1024x128xf32>
    %add3A_434 = arith.addf %mul3A_431, %add3A_433 : vector<1024x128xf32>
    %select_n3A_435 = arith.select %lt3A_1, %max3A_424, %add3A_434 : vector<1024x128xi1>, vector<1024x128xf32>
    %mul3A_436 = arith.mulf %add3A_421, %select_n3A_435 : vector<1024x128xf32>
    %mul3A_437 = arith.mulf %add3A_421, %select_n3A_396 : vector<1024x128xf32>
    %roll3A_438 = arith.constant 64 : i32
    %roll3A_439 = tpu.dynamic_rotate %mul3A_436 by %roll3A_438 dim 1 : vector<1024x128xf32>, i32 -> vector<1024x128xf32>
    %add3A_440 = arith.addf %mul3A_437, %roll3A_439 : vector<1024x128xf32>
    %max3A_441 = arith.constant 0.000000e+00 : f32
    %max3A_442 = vector.broadcast %max3A_441 : f32 to vector<1024x128xf32>
    %max3A_443 = arith.maximumf %add3A_440, %max3A_442 : vector<1024x128xf32>
    %mul3A_444 = arith.mulf %select_n3A_435, %max3A_443 : vector<1024x128xf32>
    %get3A_445 = arith.constant 0 : index
    %get3A_446 = arith.constant 7 : index
    %get3A_447 = vector.load %arg2[%get3A_445, %get3A_446] : memref<1024x50xi32, #tpu.memory_space<vmem>>, vector<1024x1xi32>
    %ne3A_448 = arith.constant 0 : i32
    %ne3A_449 = vector.broadcast %ne3A_448 : i32 to vector<1024x1xi32>
    %ne3A_450 = arith.cmpi ne, %get3A_447, %ne3A_449 : vector<1024x1xi32>
    %broadcast_in_dim3A_451 = vector.shape_cast %ne3A_450 : vector<1024x1xi1> to vector<1024x1xi1>
    %broadcast_in_dim3A_452 = vector.broadcast %broadcast_in_dim3A_451 : vector<1024x1xi1> to vector<1024x128xi1>
    %select_n3A_453 = arith.select %broadcast_in_dim3A_452, %add3A_440, %select_n3A_396 : vector<1024x128xi1>, vector<1024x128xf32>
    %broadcast_in_dim3A_454 = vector.shape_cast %ne3A_450 : vector<1024x1xi1> to vector<1024x1xi1>
    %broadcast_in_dim3A_455 = vector.broadcast %broadcast_in_dim3A_454 : vector<1024x1xi1> to vector<1024x128xi1>
    %select_n3A_456 = arith.select %broadcast_in_dim3A_455, %mul3A_444, %select_n3A_399 : vector<1024x128xi1>, vector<1024x128xf32>
    %get3A_457 = arith.constant 8 : index
    %get3A_458 = arith.constant 0 : index
    %get3A_459 = arith.constant 0 : index
    %get3A_460 = vector.load %arg1[%get3A_457, %get3A_458, %get3A_459] : memref<50x1024x128xf32, #tpu.memory_space<vmem>>, vector<1x1024x128xf32>
    %get3A_461 = vector.shape_cast %get3A_460 : vector<1x1024x128xf32> to vector<1024x128xf32>
    %select_n3A_462 = arith.select %lt3A_1, %get3A_461, %select_n3A_456 : vector<1024x128xi1>, vector<1024x128xf32>
    %dot_general3A_463 = arith.constant dense<0.000000e+00> : vector<1024x256xf32>
    %dot_general3A_464 = tpu.matmul %select_n3A_462, %get3A_6, %dot_general3A_463 {dimension_numbers = #tpu.dot_dimension_numbers<[1], [0], [0], [1], [0, 0, 1, 1], [], []>, transpose_lhs_hint = false} : vector<1024x128xf32>, vector<128x256xf32>, vector<1024x256xf32> -> vector<1024x256xf32>
    %add3A_465 = vector.broadcast %get3A_9 : vector<1x256xf32> to vector<1024x256xf32>
    %add3A_466 = arith.addf %dot_general3A_464, %add3A_465 : vector<1024x256xf32>
    %slice3A_467 = vector.extract_strided_slice %add3A_466 {offsets = [0, 0], sizes = [1024, 128], strides = [1, 1]} : vector<1024x256xf32> to vector<1024x128xf32>
    %slice3A_468 = vector.extract_strided_slice %add3A_466 {offsets = [0, 128], sizes = [1024, 128], strides = [1, 1]} : vector<1024x256xf32> to vector<1024x128xf32>
    %mul3A_469 = arith.constant 5.000000e-01 : f32
    %mul3A_470 = vector.broadcast %mul3A_469 : f32 to vector<1024x128xf32>
    %mul3A_471 = arith.mulf %mul3A_470, %slice3A_467 : vector<1024x128xf32>
    %tanh3A_472 = math.tanh %mul3A_471 : vector<1024x128xf32>
    %mul3A_473 = arith.constant 5.000000e-01 : f32
    %mul3A_474 = vector.broadcast %mul3A_473 : f32 to vector<1024x128xf32>
    %mul3A_475 = arith.mulf %mul3A_474, %tanh3A_472 : vector<1024x128xf32>
    %add3A_476 = arith.constant 5.000000e-01 : f32
    %add3A_477 = vector.broadcast %add3A_476 : f32 to vector<1024x128xf32>
    %add3A_478 = arith.addf %mul3A_475, %add3A_477 : vector<1024x128xf32>
    %max3A_479 = arith.constant 0.000000e+00 : f32
    %max3A_480 = vector.broadcast %max3A_479 : f32 to vector<1024x128xf32>
    %max3A_481 = arith.maximumf %slice3A_468, %max3A_480 : vector<1024x128xf32>
    %mul3A_482 = arith.constant 5.000000e-01 : f32
    %mul3A_483 = vector.broadcast %mul3A_482 : f32 to vector<1024x128xf32>
    %mul3A_484 = arith.mulf %mul3A_483, %slice3A_468 : vector<1024x128xf32>
    %tanh3A_485 = math.tanh %mul3A_484 : vector<1024x128xf32>
    %mul3A_486 = arith.constant 5.000000e-01 : f32
    %mul3A_487 = vector.broadcast %mul3A_486 : f32 to vector<1024x128xf32>
    %mul3A_488 = arith.mulf %mul3A_487, %tanh3A_485 : vector<1024x128xf32>
    %add3A_489 = arith.constant 5.000000e-01 : f32
    %add3A_490 = vector.broadcast %add3A_489 : f32 to vector<1024x128xf32>
    %add3A_491 = arith.addf %mul3A_488, %add3A_490 : vector<1024x128xf32>
    %select_n3A_492 = arith.select %lt3A_1, %max3A_481, %add3A_491 : vector<1024x128xi1>, vector<1024x128xf32>
    %mul3A_493 = arith.mulf %add3A_478, %select_n3A_492 : vector<1024x128xf32>
    %mul3A_494 = arith.mulf %add3A_478, %select_n3A_453 : vector<1024x128xf32>
    %roll3A_495 = arith.constant 64 : i32
    %roll3A_496 = tpu.dynamic_rotate %mul3A_493 by %roll3A_495 dim 1 : vector<1024x128xf32>, i32 -> vector<1024x128xf32>
    %add3A_497 = arith.addf %mul3A_494, %roll3A_496 : vector<1024x128xf32>
    %max3A_498 = arith.constant 0.000000e+00 : f32
    %max3A_499 = vector.broadcast %max3A_498 : f32 to vector<1024x128xf32>
    %max3A_500 = arith.maximumf %add3A_497, %max3A_499 : vector<1024x128xf32>
    %mul3A_501 = arith.mulf %select_n3A_492, %max3A_500 : vector<1024x128xf32>
    %get3A_502 = arith.constant 0 : index
    %get3A_503 = arith.constant 8 : index
    %get3A_504 = vector.load %arg2[%get3A_502, %get3A_503] : memref<1024x50xi32, #tpu.memory_space<vmem>>, vector<1024x1xi32>
    %ne3A_505 = arith.constant 0 : i32
    %ne3A_506 = vector.broadcast %ne3A_505 : i32 to vector<1024x1xi32>
    %ne3A_507 = arith.cmpi ne, %get3A_504, %ne3A_506 : vector<1024x1xi32>
    %broadcast_in_dim3A_508 = vector.shape_cast %ne3A_507 : vector<1024x1xi1> to vector<1024x1xi1>
    %broadcast_in_dim3A_509 = vector.broadcast %broadcast_in_dim3A_508 : vector<1024x1xi1> to vector<1024x128xi1>
    %select_n3A_510 = arith.select %broadcast_in_dim3A_509, %add3A_497, %select_n3A_453 : vector<1024x128xi1>, vector<1024x128xf32>
    %broadcast_in_dim3A_511 = vector.shape_cast %ne3A_507 : vector<1024x1xi1> to vector<1024x1xi1>
    %broadcast_in_dim3A_512 = vector.broadcast %broadcast_in_dim3A_511 : vector<1024x1xi1> to vector<1024x128xi1>
    %select_n3A_513 = arith.select %broadcast_in_dim3A_512, %mul3A_501, %select_n3A_456 : vector<1024x128xi1>, vector<1024x128xf32>
    %get3A_514 = arith.constant 9 : index
    %get3A_515 = arith.constant 0 : index
    %get3A_516 = arith.constant 0 : index
    %get3A_517 = vector.load %arg1[%get3A_514, %get3A_515, %get3A_516] : memref<50x1024x128xf32, #tpu.memory_space<vmem>>, vector<1x1024x128xf32>
    %get3A_518 = vector.shape_cast %get3A_517 : vector<1x1024x128xf32> to vector<1024x128xf32>
    %select_n3A_519 = arith.select %lt3A_1, %get3A_518, %select_n3A_513 : vector<1024x128xi1>, vector<1024x128xf32>
    %dot_general3A_520 = arith.constant dense<0.000000e+00> : vector<1024x256xf32>
    %dot_general3A_521 = tpu.matmul %select_n3A_519, %get3A_6, %dot_general3A_520 {dimension_numbers = #tpu.dot_dimension_numbers<[1], [0], [0], [1], [0, 0, 1, 1], [], []>, transpose_lhs_hint = false} : vector<1024x128xf32>, vector<128x256xf32>, vector<1024x256xf32> -> vector<1024x256xf32>
    %add3A_522 = vector.broadcast %get3A_9 : vector<1x256xf32> to vector<1024x256xf32>
    %add3A_523 = arith.addf %dot_general3A_521, %add3A_522 : vector<1024x256xf32>
    %slice3A_524 = vector.extract_strided_slice %add3A_523 {offsets = [0, 0], sizes = [1024, 128], strides = [1, 1]} : vector<1024x256xf32> to vector<1024x128xf32>
    %slice3A_525 = vector.extract_strided_slice %add3A_523 {offsets = [0, 128], sizes = [1024, 128], strides = [1, 1]} : vector<1024x256xf32> to vector<1024x128xf32>
    %mul3A_526 = arith.constant 5.000000e-01 : f32
    %mul3A_527 = vector.broadcast %mul3A_526 : f32 to vector<1024x128xf32>
    %mul3A_528 = arith.mulf %mul3A_527, %slice3A_524 : vector<1024x128xf32>
    %tanh3A_529 = math.tanh %mul3A_528 : vector<1024x128xf32>
    %mul3A_530 = arith.constant 5.000000e-01 : f32
    %mul3A_531 = vector.broadcast %mul3A_530 : f32 to vector<1024x128xf32>
    %mul3A_532 = arith.mulf %mul3A_531, %tanh3A_529 : vector<1024x128xf32>
    %add3A_533 = arith.constant 5.000000e-01 : f32
    %add3A_534 = vector.broadcast %add3A_533 : f32 to vector<1024x128xf32>
    %add3A_535 = arith.addf %mul3A_532, %add3A_534 : vector<1024x128xf32>
    %max3A_536 = arith.constant 0.000000e+00 : f32
    %max3A_537 = vector.broadcast %max3A_536 : f32 to vector<1024x128xf32>
    %max3A_538 = arith.maximumf %slice3A_525, %max3A_537 : vector<1024x128xf32>
    %mul3A_539 = arith.constant 5.000000e-01 : f32
    %mul3A_540 = vector.broadcast %mul3A_539 : f32 to vector<1024x128xf32>
    %mul3A_541 = arith.mulf %mul3A_540, %slice3A_525 : vector<1024x128xf32>
    %tanh3A_542 = math.tanh %mul3A_541 : vector<1024x128xf32>
    %mul3A_543 = arith.constant 5.000000e-01 : f32
    %mul3A_544 = vector.broadcast %mul3A_543 : f32 to vector<1024x128xf32>
    %mul3A_545 = arith.mulf %mul3A_544, %tanh3A_542 : vector<1024x128xf32>
    %add3A_546 = arith.constant 5.000000e-01 : f32
    %add3A_547 = vector.broadcast %add3A_546 : f32 to vector<1024x128xf32>
    %add3A_548 = arith.addf %mul3A_545, %add3A_547 : vector<1024x128xf32>
    %select_n3A_549 = arith.select %lt3A_1, %max3A_538, %add3A_548 : vector<1024x128xi1>, vector<1024x128xf32>
    %mul3A_550 = arith.mulf %add3A_535, %select_n3A_549 : vector<1024x128xf32>
    %mul3A_551 = arith.mulf %add3A_535, %select_n3A_510 : vector<1024x128xf32>
    %roll3A_552 = arith.constant 64 : i32
    %roll3A_553 = tpu.dynamic_rotate %mul3A_550 by %roll3A_552 dim 1 : vector<1024x128xf32>, i32 -> vector<1024x128xf32>
    %add3A_554 = arith.addf %mul3A_551, %roll3A_553 : vector<1024x128xf32>
    %max3A_555 = arith.constant 0.000000e+00 : f32
    %max3A_556 = vector.broadcast %max3A_555 : f32 to vector<1024x128xf32>
    %max3A_557 = arith.maximumf %add3A_554, %max3A_556 : vector<1024x128xf32>
    %mul3A_558 = arith.mulf %select_n3A_549, %max3A_557 : vector<1024x128xf32>
    %get3A_559 = arith.constant 0 : index
    %get3A_560 = arith.constant 9 : index
    %get3A_561 = vector.load %arg2[%get3A_559, %get3A_560] : memref<1024x50xi32, #tpu.memory_space<vmem>>, vector<1024x1xi32>
    %ne3A_562 = arith.constant 0 : i32
    %ne3A_563 = vector.broadcast %ne3A_562 : i32 to vector<1024x1xi32>
    %ne3A_564 = arith.cmpi ne, %get3A_561, %ne3A_563 : vector<1024x1xi32>
    %broadcast_in_dim3A_565 = vector.shape_cast %ne3A_564 : vector<1024x1xi1> to vector<1024x1xi1>
    %broadcast_in_dim3A_566 = vector.broadcast %broadcast_in_dim3A_565 : vector<1024x1xi1> to vector<1024x128xi1>
    %select_n3A_567 = arith.select %broadcast_in_dim3A_566, %add3A_554, %select_n3A_510 : vector<1024x128xi1>, vector<1024x128xf32>
    %broadcast_in_dim3A_568 = vector.shape_cast %ne3A_564 : vector<1024x1xi1> to vector<1024x1xi1>
    %broadcast_in_dim3A_569 = vector.broadcast %broadcast_in_dim3A_568 : vector<1024x1xi1> to vector<1024x128xi1>
    %select_n3A_570 = arith.select %broadcast_in_dim3A_569, %mul3A_558, %select_n3A_513 : vector<1024x128xi1>, vector<1024x128xf32>
    %get3A_571 = arith.constant 10 : index
    %get3A_572 = arith.constant 0 : index
    %get3A_573 = arith.constant 0 : index
    %get3A_574 = vector.load %arg1[%get3A_571, %get3A_572, %get3A_573] : memref<50x1024x128xf32, #tpu.memory_space<vmem>>, vector<1x1024x128xf32>
    %get3A_575 = vector.shape_cast %get3A_574 : vector<1x1024x128xf32> to vector<1024x128xf32>
    %select_n3A_576 = arith.select %lt3A_1, %get3A_575, %select_n3A_570 : vector<1024x128xi1>, vector<1024x128xf32>
    %dot_general3A_577 = arith.constant dense<0.000000e+00> : vector<1024x256xf32>
    %dot_general3A_578 = tpu.matmul %select_n3A_576, %get3A_6, %dot_general3A_577 {dimension_numbers = #tpu.dot_dimension_numbers<[1], [0], [0], [1], [0, 0, 1, 1], [], []>, transpose_lhs_hint = false} : vector<1024x128xf32>, vector<128x256xf32>, vector<1024x256xf32> -> vector<1024x256xf32>
    %add3A_579 = vector.broadcast %get3A_9 : vector<1x256xf32> to vector<1024x256xf32>
    %add3A_580 = arith.addf %dot_general3A_578, %add3A_579 : vector<1024x256xf32>
    %slice3A_581 = vector.extract_strided_slice %add3A_580 {offsets = [0, 0], sizes = [1024, 128], strides = [1, 1]} : vector<1024x256xf32> to vector<1024x128xf32>
    %slice3A_582 = vector.extract_strided_slice %add3A_580 {offsets = [0, 128], sizes = [1024, 128], strides = [1, 1]} : vector<1024x256xf32> to vector<1024x128xf32>
    %mul3A_583 = arith.constant 5.000000e-01 : f32
    %mul3A_584 = vector.broadcast %mul3A_583 : f32 to vector<1024x128xf32>
    %mul3A_585 = arith.mulf %mul3A_584, %slice3A_581 : vector<1024x128xf32>
    %tanh3A_586 = math.tanh %mul3A_585 : vector<1024x128xf32>
    %mul3A_587 = arith.constant 5.000000e-01 : f32
    %mul3A_588 = vector.broadcast %mul3A_587 : f32 to vector<1024x128xf32>
    %mul3A_589 = arith.mulf %mul3A_588, %tanh3A_586 : vector<1024x128xf32>
    %add3A_590 = arith.constant 5.000000e-01 : f32
    %add3A_591 = vector.broadcast %add3A_590 : f32 to vector<1024x128xf32>
    %add3A_592 = arith.addf %mul3A_589, %add3A_591 : vector<1024x128xf32>
    %max3A_593 = arith.constant 0.000000e+00 : f32
    %max3A_594 = vector.broadcast %max3A_593 : f32 to vector<1024x128xf32>
    %max3A_595 = arith.maximumf %slice3A_582, %max3A_594 : vector<1024x128xf32>
    %mul3A_596 = arith.constant 5.000000e-01 : f32
    %mul3A_597 = vector.broadcast %mul3A_596 : f32 to vector<1024x128xf32>
    %mul3A_598 = arith.mulf %mul3A_597, %slice3A_582 : vector<1024x128xf32>
    %tanh3A_599 = math.tanh %mul3A_598 : vector<1024x128xf32>
    %mul3A_600 = arith.constant 5.000000e-01 : f32
    %mul3A_601 = vector.broadcast %mul3A_600 : f32 to vector<1024x128xf32>
    %mul3A_602 = arith.mulf %mul3A_601, %tanh3A_599 : vector<1024x128xf32>
    %add3A_603 = arith.constant 5.000000e-01 : f32
    %add3A_604 = vector.broadcast %add3A_603 : f32 to vector<1024x128xf32>
    %add3A_605 = arith.addf %mul3A_602, %add3A_604 : vector<1024x128xf32>
    %select_n3A_606 = arith.select %lt3A_1, %max3A_595, %add3A_605 : vector<1024x128xi1>, vector<1024x128xf32>
    %mul3A_607 = arith.mulf %add3A_592, %select_n3A_606 : vector<1024x128xf32>
    %mul3A_608 = arith.mulf %add3A_592, %select_n3A_567 : vector<1024x128xf32>
    %roll3A_609 = arith.constant 64 : i32
    %roll3A_610 = tpu.dynamic_rotate %mul3A_607 by %roll3A_609 dim 1 : vector<1024x128xf32>, i32 -> vector<1024x128xf32>
    %add3A_611 = arith.addf %mul3A_608, %roll3A_610 : vector<1024x128xf32>
    %max3A_612 = arith.constant 0.000000e+00 : f32
    %max3A_613 = vector.broadcast %max3A_612 : f32 to vector<1024x128xf32>
    %max3A_614 = arith.maximumf %add3A_611, %max3A_613 : vector<1024x128xf32>
    %mul3A_615 = arith.mulf %select_n3A_606, %max3A_614 : vector<1024x128xf32>
    %get3A_616 = arith.constant 0 : index
    %get3A_617 = arith.constant 10 : index
    %get3A_618 = vector.load %arg2[%get3A_616, %get3A_617] : memref<1024x50xi32, #tpu.memory_space<vmem>>, vector<1024x1xi32>
    %ne3A_619 = arith.constant 0 : i32
    %ne3A_620 = vector.broadcast %ne3A_619 : i32 to vector<1024x1xi32>
    %ne3A_621 = arith.cmpi ne, %get3A_618, %ne3A_620 : vector<1024x1xi32>
    %broadcast_in_dim3A_622 = vector.shape_cast %ne3A_621 : vector<1024x1xi1> to vector<1024x1xi1>
    %broadcast_in_dim3A_623 = vector.broadcast %broadcast_in_dim3A_622 : vector<1024x1xi1> to vector<1024x128xi1>
    %select_n3A_624 = arith.select %broadcast_in_dim3A_623, %add3A_611, %select_n3A_567 : vector<1024x128xi1>, vector<1024x128xf32>
    %broadcast_in_dim3A_625 = vector.shape_cast %ne3A_621 : vector<1024x1xi1> to vector<1024x1xi1>
    %broadcast_in_dim3A_626 = vector.broadcast %broadcast_in_dim3A_625 : vector<1024x1xi1> to vector<1024x128xi1>
    %select_n3A_627 = arith.select %broadcast_in_dim3A_626, %mul3A_615, %select_n3A_570 : vector<1024x128xi1>, vector<1024x128xf32>
    %get3A_628 = arith.constant 11 : index
    %get3A_629 = arith.constant 0 : index
    %get3A_630 = arith.constant 0 : index
    %get3A_631 = vector.load %arg1[%get3A_628, %get3A_629, %get3A_630] : memref<50x1024x128xf32, #tpu.memory_space<vmem>>, vector<1x1024x128xf32>
    %get3A_632 = vector.shape_cast %get3A_631 : vector<1x1024x128xf32> to vector<1024x128xf32>
    %select_n3A_633 = arith.select %lt3A_1, %get3A_632, %select_n3A_627 : vector<1024x128xi1>, vector<1024x128xf32>
    %dot_general3A_634 = arith.constant dense<0.000000e+00> : vector<1024x256xf32>
    %dot_general3A_635 = tpu.matmul %select_n3A_633, %get3A_6, %dot_general3A_634 {dimension_numbers = #tpu.dot_dimension_numbers<[1], [0], [0], [1], [0, 0, 1, 1], [], []>, transpose_lhs_hint = false} : vector<1024x128xf32>, vector<128x256xf32>, vector<1024x256xf32> -> vector<1024x256xf32>
    %add3A_636 = vector.broadcast %get3A_9 : vector<1x256xf32> to vector<1024x256xf32>
    %add3A_637 = arith.addf %dot_general3A_635, %add3A_636 : vector<1024x256xf32>
    %slice3A_638 = vector.extract_strided_slice %add3A_637 {offsets = [0, 0], sizes = [1024, 128], strides = [1, 1]} : vector<1024x256xf32> to vector<1024x128xf32>
    %slice3A_639 = vector.extract_strided_slice %add3A_637 {offsets = [0, 128], sizes = [1024, 128], strides = [1, 1]} : vector<1024x256xf32> to vector<1024x128xf32>
    %mul3A_640 = arith.constant 5.000000e-01 : f32
    %mul3A_641 = vector.broadcast %mul3A_640 : f32 to vector<1024x128xf32>
    %mul3A_642 = arith.mulf %mul3A_641, %slice3A_638 : vector<1024x128xf32>
    %tanh3A_643 = math.tanh %mul3A_642 : vector<1024x128xf32>
    %mul3A_644 = arith.constant 5.000000e-01 : f32
    %mul3A_645 = vector.broadcast %mul3A_644 : f32 to vector<1024x128xf32>
    %mul3A_646 = arith.mulf %mul3A_645, %tanh3A_643 : vector<1024x128xf32>
    %add3A_647 = arith.constant 5.000000e-01 : f32
    %add3A_648 = vector.broadcast %add3A_647 : f32 to vector<1024x128xf32>
    %add3A_649 = arith.addf %mul3A_646, %add3A_648 : vector<1024x128xf32>
    %max3A_650 = arith.constant 0.000000e+00 : f32
    %max3A_651 = vector.broadcast %max3A_650 : f32 to vector<1024x128xf32>
    %max3A_652 = arith.maximumf %slice3A_639, %max3A_651 : vector<1024x128xf32>
    %mul3A_653 = arith.constant 5.000000e-01 : f32
    %mul3A_654 = vector.broadcast %mul3A_653 : f32 to vector<1024x128xf32>
    %mul3A_655 = arith.mulf %mul3A_654, %slice3A_639 : vector<1024x128xf32>
    %tanh3A_656 = math.tanh %mul3A_655 : vector<1024x128xf32>
    %mul3A_657 = arith.constant 5.000000e-01 : f32
    %mul3A_658 = vector.broadcast %mul3A_657 : f32 to vector<1024x128xf32>
    %mul3A_659 = arith.mulf %mul3A_658, %tanh3A_656 : vector<1024x128xf32>
    %add3A_660 = arith.constant 5.000000e-01 : f32
    %add3A_661 = vector.broadcast %add3A_660 : f32 to vector<1024x128xf32>
    %add3A_662 = arith.addf %mul3A_659, %add3A_661 : vector<1024x128xf32>
    %select_n3A_663 = arith.select %lt3A_1, %max3A_652, %add3A_662 : vector<1024x128xi1>, vector<1024x128xf32>
    %mul3A_664 = arith.mulf %add3A_649, %select_n3A_663 : vector<1024x128xf32>
    %mul3A_665 = arith.mulf %add3A_649, %select_n3A_624 : vector<1024x128xf32>
    %roll3A_666 = arith.constant 64 : i32
    %roll3A_667 = tpu.dynamic_rotate %mul3A_664 by %roll3A_666 dim 1 : vector<1024x128xf32>, i32 -> vector<1024x128xf32>
    %add3A_668 = arith.addf %mul3A_665, %roll3A_667 : vector<1024x128xf32>
    %max3A_669 = arith.constant 0.000000e+00 : f32
    %max3A_670 = vector.broadcast %max3A_669 : f32 to vector<1024x128xf32>
    %max3A_671 = arith.maximumf %add3A_668, %max3A_670 : vector<1024x128xf32>
    %mul3A_672 = arith.mulf %select_n3A_663, %max3A_671 : vector<1024x128xf32>
    %get3A_673 = arith.constant 0 : index
    %get3A_674 = arith.constant 11 : index
    %get3A_675 = vector.load %arg2[%get3A_673, %get3A_674] : memref<1024x50xi32, #tpu.memory_space<vmem>>, vector<1024x1xi32>
    %ne3A_676 = arith.constant 0 : i32
    %ne3A_677 = vector.broadcast %ne3A_676 : i32 to vector<1024x1xi32>
    %ne3A_678 = arith.cmpi ne, %get3A_675, %ne3A_677 : vector<1024x1xi32>
    %broadcast_in_dim3A_679 = vector.shape_cast %ne3A_678 : vector<1024x1xi1> to vector<1024x1xi1>
    %broadcast_in_dim3A_680 = vector.broadcast %broadcast_in_dim3A_679 : vector<1024x1xi1> to vector<1024x128xi1>
    %select_n3A_681 = arith.select %broadcast_in_dim3A_680, %add3A_668, %select_n3A_624 : vector<1024x128xi1>, vector<1024x128xf32>
    %broadcast_in_dim3A_682 = vector.shape_cast %ne3A_678 : vector<1024x1xi1> to vector<1024x1xi1>
    %broadcast_in_dim3A_683 = vector.broadcast %broadcast_in_dim3A_682 : vector<1024x1xi1> to vector<1024x128xi1>
    %select_n3A_684 = arith.select %broadcast_in_dim3A_683, %mul3A_672, %select_n3A_627 : vector<1024x128xi1>, vector<1024x128xf32>
    %get3A_685 = arith.constant 12 : index
    %get3A_686 = arith.constant 0 : index
    %get3A_687 = arith.constant 0 : index
    %get3A_688 = vector.load %arg1[%get3A_685, %get3A_686, %get3A_687] : memref<50x1024x128xf32, #tpu.memory_space<vmem>>, vector<1x1024x128xf32>
    %get3A_689 = vector.shape_cast %get3A_688 : vector<1x1024x128xf32> to vector<1024x128xf32>
    %select_n3A_690 = arith.select %lt3A_1, %get3A_689, %select_n3A_684 : vector<1024x128xi1>, vector<1024x128xf32>
    %dot_general3A_691 = arith.constant dense<0.000000e+00> : vector<1024x256xf32>
    %dot_general3A_692 = tpu.matmul %select_n3A_690, %get3A_6, %dot_general3A_691 {dimension_numbers = #tpu.dot_dimension_numbers<[1], [0], [0], [1], [0, 0, 1, 1], [], []>, transpose_lhs_hint = false} : vector<1024x128xf32>, vector<128x256xf32>, vector<1024x256xf32> -> vector<1024x256xf32>
    %add3A_693 = vector.broadcast %get3A_9 : vector<1x256xf32> to vector<1024x256xf32>
    %add3A_694 = arith.addf %dot_general3A_692, %add3A_693 : vector<1024x256xf32>
    %slice3A_695 = vector.extract_strided_slice %add3A_694 {offsets = [0, 0], sizes = [1024, 128], strides = [1, 1]} : vector<1024x256xf32> to vector<1024x128xf32>
    %slice3A_696 = vector.extract_strided_slice %add3A_694 {offsets = [0, 128], sizes = [1024, 128], strides = [1, 1]} : vector<1024x256xf32> to vector<1024x128xf32>
    %mul3A_697 = arith.constant 5.000000e-01 : f32
    %mul3A_698 = vector.broadcast %mul3A_697 : f32 to vector<1024x128xf32>
    %mul3A_699 = arith.mulf %mul3A_698, %slice3A_695 : vector<1024x128xf32>
    %tanh3A_700 = math.tanh %mul3A_699 : vector<1024x128xf32>
    %mul3A_701 = arith.constant 5.000000e-01 : f32
    %mul3A_702 = vector.broadcast %mul3A_701 : f32 to vector<1024x128xf32>
    %mul3A_703 = arith.mulf %mul3A_702, %tanh3A_700 : vector<1024x128xf32>
    %add3A_704 = arith.constant 5.000000e-01 : f32
    %add3A_705 = vector.broadcast %add3A_704 : f32 to vector<1024x128xf32>
    %add3A_706 = arith.addf %mul3A_703, %add3A_705 : vector<1024x128xf32>
    %max3A_707 = arith.constant 0.000000e+00 : f32
    %max3A_708 = vector.broadcast %max3A_707 : f32 to vector<1024x128xf32>
    %max3A_709 = arith.maximumf %slice3A_696, %max3A_708 : vector<1024x128xf32>
    %mul3A_710 = arith.constant 5.000000e-01 : f32
    %mul3A_711 = vector.broadcast %mul3A_710 : f32 to vector<1024x128xf32>
    %mul3A_712 = arith.mulf %mul3A_711, %slice3A_696 : vector<1024x128xf32>
    %tanh3A_713 = math.tanh %mul3A_712 : vector<1024x128xf32>
    %mul3A_714 = arith.constant 5.000000e-01 : f32
    %mul3A_715 = vector.broadcast %mul3A_714 : f32 to vector<1024x128xf32>
    %mul3A_716 = arith.mulf %mul3A_715, %tanh3A_713 : vector<1024x128xf32>
    %add3A_717 = arith.constant 5.000000e-01 : f32
    %add3A_718 = vector.broadcast %add3A_717 : f32 to vector<1024x128xf32>
    %add3A_719 = arith.addf %mul3A_716, %add3A_718 : vector<1024x128xf32>
    %select_n3A_720 = arith.select %lt3A_1, %max3A_709, %add3A_719 : vector<1024x128xi1>, vector<1024x128xf32>
    %mul3A_721 = arith.mulf %add3A_706, %select_n3A_720 : vector<1024x128xf32>
    %mul3A_722 = arith.mulf %add3A_706, %select_n3A_681 : vector<1024x128xf32>
    %roll3A_723 = arith.constant 64 : i32
    %roll3A_724 = tpu.dynamic_rotate %mul3A_721 by %roll3A_723 dim 1 : vector<1024x128xf32>, i32 -> vector<1024x128xf32>
    %add3A_725 = arith.addf %mul3A_722, %roll3A_724 : vector<1024x128xf32>
    %max3A_726 = arith.constant 0.000000e+00 : f32
    %max3A_727 = vector.broadcast %max3A_726 : f32 to vector<1024x128xf32>
    %max3A_728 = arith.maximumf %add3A_725, %max3A_727 : vector<1024x128xf32>
    %mul3A_729 = arith.mulf %select_n3A_720, %max3A_728 : vector<1024x128xf32>
    %get3A_730 = arith.constant 0 : index
    %get3A_731 = arith.constant 12 : index
    %get3A_732 = vector.load %arg2[%get3A_730, %get3A_731] : memref<1024x50xi32, #tpu.memory_space<vmem>>, vector<1024x1xi32>
    %ne3A_733 = arith.constant 0 : i32
    %ne3A_734 = vector.broadcast %ne3A_733 : i32 to vector<1024x1xi32>
    %ne3A_735 = arith.cmpi ne, %get3A_732, %ne3A_734 : vector<1024x1xi32>
    %broadcast_in_dim3A_736 = vector.shape_cast %ne3A_735 : vector<1024x1xi1> to vector<1024x1xi1>
    %broadcast_in_dim3A_737 = vector.broadcast %broadcast_in_dim3A_736 : vector<1024x1xi1> to vector<1024x128xi1>
    %select_n3A_738 = arith.select %broadcast_in_dim3A_737, %add3A_725, %select_n3A_681 : vector<1024x128xi1>, vector<1024x128xf32>
    %broadcast_in_dim3A_739 = vector.shape_cast %ne3A_735 : vector<1024x1xi1> to vector<1024x1xi1>
    %broadcast_in_dim3A_740 = vector.broadcast %broadcast_in_dim3A_739 : vector<1024x1xi1> to vector<1024x128xi1>
    %select_n3A_741 = arith.select %broadcast_in_dim3A_740, %mul3A_729, %select_n3A_684 : vector<1024x128xi1>, vector<1024x128xf32>
    %get3A_742 = arith.constant 13 : index
    %get3A_743 = arith.constant 0 : index
    %get3A_744 = arith.constant 0 : index
    %get3A_745 = vector.load %arg1[%get3A_742, %get3A_743, %get3A_744] : memref<50x1024x128xf32, #tpu.memory_space<vmem>>, vector<1x1024x128xf32>
    %get3A_746 = vector.shape_cast %get3A_745 : vector<1x1024x128xf32> to vector<1024x128xf32>
    %select_n3A_747 = arith.select %lt3A_1, %get3A_746, %select_n3A_741 : vector<1024x128xi1>, vector<1024x128xf32>
    %dot_general3A_748 = arith.constant dense<0.000000e+00> : vector<1024x256xf32>
    %dot_general3A_749 = tpu.matmul %select_n3A_747, %get3A_6, %dot_general3A_748 {dimension_numbers = #tpu.dot_dimension_numbers<[1], [0], [0], [1], [0, 0, 1, 1], [], []>, transpose_lhs_hint = false} : vector<1024x128xf32>, vector<128x256xf32>, vector<1024x256xf32> -> vector<1024x256xf32>
    %add3A_750 = vector.broadcast %get3A_9 : vector<1x256xf32> to vector<1024x256xf32>
    %add3A_751 = arith.addf %dot_general3A_749, %add3A_750 : vector<1024x256xf32>
    %slice3A_752 = vector.extract_strided_slice %add3A_751 {offsets = [0, 0], sizes = [1024, 128], strides = [1, 1]} : vector<1024x256xf32> to vector<1024x128xf32>
    %slice3A_753 = vector.extract_strided_slice %add3A_751 {offsets = [0, 128], sizes = [1024, 128], strides = [1, 1]} : vector<1024x256xf32> to vector<1024x128xf32>
    %mul3A_754 = arith.constant 5.000000e-01 : f32
    %mul3A_755 = vector.broadcast %mul3A_754 : f32 to vector<1024x128xf32>
    %mul3A_756 = arith.mulf %mul3A_755, %slice3A_752 : vector<1024x128xf32>
    %tanh3A_757 = math.tanh %mul3A_756 : vector<1024x128xf32>
    %mul3A_758 = arith.constant 5.000000e-01 : f32
    %mul3A_759 = vector.broadcast %mul3A_758 : f32 to vector<1024x128xf32>
    %mul3A_760 = arith.mulf %mul3A_759, %tanh3A_757 : vector<1024x128xf32>
    %add3A_761 = arith.constant 5.000000e-01 : f32
    %add3A_762 = vector.broadcast %add3A_761 : f32 to vector<1024x128xf32>
    %add3A_763 = arith.addf %mul3A_760, %add3A_762 : vector<1024x128xf32>
    %max3A_764 = arith.constant 0.000000e+00 : f32
    %max3A_765 = vector.broadcast %max3A_764 : f32 to vector<1024x128xf32>
    %max3A_766 = arith.maximumf %slice3A_753, %max3A_765 : vector<1024x128xf32>
    %mul3A_767 = arith.constant 5.000000e-01 : f32
    %mul3A_768 = vector.broadcast %mul3A_767 : f32 to vector<1024x128xf32>
    %mul3A_769 = arith.mulf %mul3A_768, %slice3A_753 : vector<1024x128xf32>
    %tanh3A_770 = math.tanh %mul3A_769 : vector<1024x128xf32>
    %mul3A_771 = arith.constant 5.000000e-01 : f32
    %mul3A_772 = vector.broadcast %mul3A_771 : f32 to vector<1024x128xf32>
    %mul3A_773 = arith.mulf %mul3A_772, %tanh3A_770 : vector<1024x128xf32>
    %add3A_774 = arith.constant 5.000000e-01 : f32
    %add3A_775 = vector.broadcast %add3A_774 : f32 to vector<1024x128xf32>
    %add3A_776 = arith.addf %mul3A_773, %add3A_775 : vector<1024x128xf32>
    %select_n3A_777 = arith.select %lt3A_1, %max3A_766, %add3A_776 : vector<1024x128xi1>, vector<1024x128xf32>
    %mul3A_778 = arith.mulf %add3A_763, %select_n3A_777 : vector<1024x128xf32>
    %mul3A_779 = arith.mulf %add3A_763, %select_n3A_738 : vector<1024x128xf32>
    %roll3A_780 = arith.constant 64 : i32
    %roll3A_781 = tpu.dynamic_rotate %mul3A_778 by %roll3A_780 dim 1 : vector<1024x128xf32>, i32 -> vector<1024x128xf32>
    %add3A_782 = arith.addf %mul3A_779, %roll3A_781 : vector<1024x128xf32>
    %max3A_783 = arith.constant 0.000000e+00 : f32
    %max3A_784 = vector.broadcast %max3A_783 : f32 to vector<1024x128xf32>
    %max3A_785 = arith.maximumf %add3A_782, %max3A_784 : vector<1024x128xf32>
    %mul3A_786 = arith.mulf %select_n3A_777, %max3A_785 : vector<1024x128xf32>
    %get3A_787 = arith.constant 0 : index
    %get3A_788 = arith.constant 13 : index
    %get3A_789 = vector.load %arg2[%get3A_787, %get3A_788] : memref<1024x50xi32, #tpu.memory_space<vmem>>, vector<1024x1xi32>
    %ne3A_790 = arith.constant 0 : i32
    %ne3A_791 = vector.broadcast %ne3A_790 : i32 to vector<1024x1xi32>
    %ne3A_792 = arith.cmpi ne, %get3A_789, %ne3A_791 : vector<1024x1xi32>
    %broadcast_in_dim3A_793 = vector.shape_cast %ne3A_792 : vector<1024x1xi1> to vector<1024x1xi1>
    %broadcast_in_dim3A_794 = vector.broadcast %broadcast_in_dim3A_793 : vector<1024x1xi1> to vector<1024x128xi1>
    %select_n3A_795 = arith.select %broadcast_in_dim3A_794, %add3A_782, %select_n3A_738 : vector<1024x128xi1>, vector<1024x128xf32>
    %broadcast_in_dim3A_796 = vector.shape_cast %ne3A_792 : vector<1024x1xi1> to vector<1024x1xi1>
    %broadcast_in_dim3A_797 = vector.broadcast %broadcast_in_dim3A_796 : vector<1024x1xi1> to vector<1024x128xi1>
    %select_n3A_798 = arith.select %broadcast_in_dim3A_797, %mul3A_786, %select_n3A_741 : vector<1024x128xi1>, vector<1024x128xf32>
    %get3A_799 = arith.constant 14 : index
    %get3A_800 = arith.constant 0 : index
    %get3A_801 = arith.constant 0 : index
    %get3A_802 = vector.load %arg1[%get3A_799, %get3A_800, %get3A_801] : memref<50x1024x128xf32, #tpu.memory_space<vmem>>, vector<1x1024x128xf32>
    %get3A_803 = vector.shape_cast %get3A_802 : vector<1x1024x128xf32> to vector<1024x128xf32>
    %select_n3A_804 = arith.select %lt3A_1, %get3A_803, %select_n3A_798 : vector<1024x128xi1>, vector<1024x128xf32>
    %dot_general3A_805 = arith.constant dense<0.000000e+00> : vector<1024x256xf32>
    %dot_general3A_806 = tpu.matmul %select_n3A_804, %get3A_6, %dot_general3A_805 {dimension_numbers = #tpu.dot_dimension_numbers<[1], [0], [0], [1], [0, 0, 1, 1], [], []>, transpose_lhs_hint = false} : vector<1024x128xf32>, vector<128x256xf32>, vector<1024x256xf32> -> vector<1024x256xf32>
    %add3A_807 = vector.broadcast %get3A_9 : vector<1x256xf32> to vector<1024x256xf32>
    %add3A_808 = arith.addf %dot_general3A_806, %add3A_807 : vector<1024x256xf32>
    %slice3A_809 = vector.extract_strided_slice %add3A_808 {offsets = [0, 0], sizes = [1024, 128], strides = [1, 1]} : vector<1024x256xf32> to vector<1024x128xf32>
    %slice3A_810 = vector.extract_strided_slice %add3A_808 {offsets = [0, 128], sizes = [1024, 128], strides = [1, 1]} : vector<1024x256xf32> to vector<1024x128xf32>
    %mul3A_811 = arith.constant 5.000000e-01 : f32
    %mul3A_812 = vector.broadcast %mul3A_811 : f32 to vector<1024x128xf32>
    %mul3A_813 = arith.mulf %mul3A_812, %slice3A_809 : vector<1024x128xf32>
    %tanh3A_814 = math.tanh %mul3A_813 : vector<1024x128xf32>
    %mul3A_815 = arith.constant 5.000000e-01 : f32
    %mul3A_816 = vector.broadcast %mul3A_815 : f32 to vector<1024x128xf32>
    %mul3A_817 = arith.mulf %mul3A_816, %tanh3A_814 : vector<1024x128xf32>
    %add3A_818 = arith.constant 5.000000e-01 : f32
    %add3A_819 = vector.broadcast %add3A_818 : f32 to vector<1024x128xf32>
    %add3A_820 = arith.addf %mul3A_817, %add3A_819 : vector<1024x128xf32>
    %max3A_821 = arith.constant 0.000000e+00 : f32
    %max3A_822 = vector.broadcast %max3A_821 : f32 to vector<1024x128xf32>
    %max3A_823 = arith.maximumf %slice3A_810, %max3A_822 : vector<1024x128xf32>
    %mul3A_824 = arith.constant 5.000000e-01 : f32
    %mul3A_825 = vector.broadcast %mul3A_824 : f32 to vector<1024x128xf32>
    %mul3A_826 = arith.mulf %mul3A_825, %slice3A_810 : vector<1024x128xf32>
    %tanh3A_827 = math.tanh %mul3A_826 : vector<1024x128xf32>
    %mul3A_828 = arith.constant 5.000000e-01 : f32
    %mul3A_829 = vector.broadcast %mul3A_828 : f32 to vector<1024x128xf32>
    %mul3A_830 = arith.mulf %mul3A_829, %tanh3A_827 : vector<1024x128xf32>
    %add3A_831 = arith.constant 5.000000e-01 : f32
    %add3A_832 = vector.broadcast %add3A_831 : f32 to vector<1024x128xf32>
    %add3A_833 = arith.addf %mul3A_830, %add3A_832 : vector<1024x128xf32>
    %select_n3A_834 = arith.select %lt3A_1, %max3A_823, %add3A_833 : vector<1024x128xi1>, vector<1024x128xf32>
    %mul3A_835 = arith.mulf %add3A_820, %select_n3A_834 : vector<1024x128xf32>
    %mul3A_836 = arith.mulf %add3A_820, %select_n3A_795 : vector<1024x128xf32>
    %roll3A_837 = arith.constant 64 : i32
    %roll3A_838 = tpu.dynamic_rotate %mul3A_835 by %roll3A_837 dim 1 : vector<1024x128xf32>, i32 -> vector<1024x128xf32>
    %add3A_839 = arith.addf %mul3A_836, %roll3A_838 : vector<1024x128xf32>
    %max3A_840 = arith.constant 0.000000e+00 : f32
    %max3A_841 = vector.broadcast %max3A_840 : f32 to vector<1024x128xf32>
    %max3A_842 = arith.maximumf %add3A_839, %max3A_841 : vector<1024x128xf32>
    %mul3A_843 = arith.mulf %select_n3A_834, %max3A_842 : vector<1024x128xf32>
    %get3A_844 = arith.constant 0 : index
    %get3A_845 = arith.constant 14 : index
    %get3A_846 = vector.load %arg2[%get3A_844, %get3A_845] : memref<1024x50xi32, #tpu.memory_space<vmem>>, vector<1024x1xi32>
    %ne3A_847 = arith.constant 0 : i32
    %ne3A_848 = vector.broadcast %ne3A_847 : i32 to vector<1024x1xi32>
    %ne3A_849 = arith.cmpi ne, %get3A_846, %ne3A_848 : vector<1024x1xi32>
    %broadcast_in_dim3A_850 = vector.shape_cast %ne3A_849 : vector<1024x1xi1> to vector<1024x1xi1>
    %broadcast_in_dim3A_851 = vector.broadcast %broadcast_in_dim3A_850 : vector<1024x1xi1> to vector<1024x128xi1>
    %select_n3A_852 = arith.select %broadcast_in_dim3A_851, %add3A_839, %select_n3A_795 : vector<1024x128xi1>, vector<1024x128xf32>
    %broadcast_in_dim3A_853 = vector.shape_cast %ne3A_849 : vector<1024x1xi1> to vector<1024x1xi1>
    %broadcast_in_dim3A_854 = vector.broadcast %broadcast_in_dim3A_853 : vector<1024x1xi1> to vector<1024x128xi1>
    %select_n3A_855 = arith.select %broadcast_in_dim3A_854, %mul3A_843, %select_n3A_798 : vector<1024x128xi1>, vector<1024x128xf32>
    %get3A_856 = arith.constant 15 : index
    %get3A_857 = arith.constant 0 : index
    %get3A_858 = arith.constant 0 : index
    %get3A_859 = vector.load %arg1[%get3A_856, %get3A_857, %get3A_858] : memref<50x1024x128xf32, #tpu.memory_space<vmem>>, vector<1x1024x128xf32>
    %get3A_860 = vector.shape_cast %get3A_859 : vector<1x1024x128xf32> to vector<1024x128xf32>
    %select_n3A_861 = arith.select %lt3A_1, %get3A_860, %select_n3A_855 : vector<1024x128xi1>, vector<1024x128xf32>
    %dot_general3A_862 = arith.constant dense<0.000000e+00> : vector<1024x256xf32>
    %dot_general3A_863 = tpu.matmul %select_n3A_861, %get3A_6, %dot_general3A_862 {dimension_numbers = #tpu.dot_dimension_numbers<[1], [0], [0], [1], [0, 0, 1, 1], [], []>, transpose_lhs_hint = false} : vector<1024x128xf32>, vector<128x256xf32>, vector<1024x256xf32> -> vector<1024x256xf32>
    %add3A_864 = vector.broadcast %get3A_9 : vector<1x256xf32> to vector<1024x256xf32>
    %add3A_865 = arith.addf %dot_general3A_863, %add3A_864 : vector<1024x256xf32>
    %slice3A_866 = vector.extract_strided_slice %add3A_865 {offsets = [0, 0], sizes = [1024, 128], strides = [1, 1]} : vector<1024x256xf32> to vector<1024x128xf32>
    %slice3A_867 = vector.extract_strided_slice %add3A_865 {offsets = [0, 128], sizes = [1024, 128], strides = [1, 1]} : vector<1024x256xf32> to vector<1024x128xf32>
    %mul3A_868 = arith.constant 5.000000e-01 : f32
    %mul3A_869 = vector.broadcast %mul3A_868 : f32 to vector<1024x128xf32>
    %mul3A_870 = arith.mulf %mul3A_869, %slice3A_866 : vector<1024x128xf32>
    %tanh3A_871 = math.tanh %mul3A_870 : vector<1024x128xf32>
    %mul3A_872 = arith.constant 5.000000e-01 : f32
    %mul3A_873 = vector.broadcast %mul3A_872 : f32 to vector<1024x128xf32>
    %mul3A_874 = arith.mulf %mul3A_873, %tanh3A_871 : vector<1024x128xf32>
    %add3A_875 = arith.constant 5.000000e-01 : f32
    %add3A_876 = vector.broadcast %add3A_875 : f32 to vector<1024x128xf32>
    %add3A_877 = arith.addf %mul3A_874, %add3A_876 : vector<1024x128xf32>
    %max3A_878 = arith.constant 0.000000e+00 : f32
    %max3A_879 = vector.broadcast %max3A_878 : f32 to vector<1024x128xf32>
    %max3A_880 = arith.maximumf %slice3A_867, %max3A_879 : vector<1024x128xf32>
    %mul3A_881 = arith.constant 5.000000e-01 : f32
    %mul3A_882 = vector.broadcast %mul3A_881 : f32 to vector<1024x128xf32>
    %mul3A_883 = arith.mulf %mul3A_882, %slice3A_867 : vector<1024x128xf32>
    %tanh3A_884 = math.tanh %mul3A_883 : vector<1024x128xf32>
    %mul3A_885 = arith.constant 5.000000e-01 : f32
    %mul3A_886 = vector.broadcast %mul3A_885 : f32 to vector<1024x128xf32>
    %mul3A_887 = arith.mulf %mul3A_886, %tanh3A_884 : vector<1024x128xf32>
    %add3A_888 = arith.constant 5.000000e-01 : f32
    %add3A_889 = vector.broadcast %add3A_888 : f32 to vector<1024x128xf32>
    %add3A_890 = arith.addf %mul3A_887, %add3A_889 : vector<1024x128xf32>
    %select_n3A_891 = arith.select %lt3A_1, %max3A_880, %add3A_890 : vector<1024x128xi1>, vector<1024x128xf32>
    %mul3A_892 = arith.mulf %add3A_877, %select_n3A_891 : vector<1024x128xf32>
    %mul3A_893 = arith.mulf %add3A_877, %select_n3A_852 : vector<1024x128xf32>
    %roll3A_894 = arith.constant 64 : i32
    %roll3A_895 = tpu.dynamic_rotate %mul3A_892 by %roll3A_894 dim 1 : vector<1024x128xf32>, i32 -> vector<1024x128xf32>
    %add3A_896 = arith.addf %mul3A_893, %roll3A_895 : vector<1024x128xf32>
    %max3A_897 = arith.constant 0.000000e+00 : f32
    %max3A_898 = vector.broadcast %max3A_897 : f32 to vector<1024x128xf32>
    %max3A_899 = arith.maximumf %add3A_896, %max3A_898 : vector<1024x128xf32>
    %mul3A_900 = arith.mulf %select_n3A_891, %max3A_899 : vector<1024x128xf32>
    %get3A_901 = arith.constant 0 : index
    %get3A_902 = arith.constant 15 : index
    %get3A_903 = vector.load %arg2[%get3A_901, %get3A_902] : memref<1024x50xi32, #tpu.memory_space<vmem>>, vector<1024x1xi32>
    %ne3A_904 = arith.constant 0 : i32
    %ne3A_905 = vector.broadcast %ne3A_904 : i32 to vector<1024x1xi32>
    %ne3A_906 = arith.cmpi ne, %get3A_903, %ne3A_905 : vector<1024x1xi32>
    %broadcast_in_dim3A_907 = vector.shape_cast %ne3A_906 : vector<1024x1xi1> to vector<1024x1xi1>
    %broadcast_in_dim3A_908 = vector.broadcast %broadcast_in_dim3A_907 : vector<1024x1xi1> to vector<1024x128xi1>
    %select_n3A_909 = arith.select %broadcast_in_dim3A_908, %add3A_896, %select_n3A_852 : vector<1024x128xi1>, vector<1024x128xf32>
    %broadcast_in_dim3A_910 = vector.shape_cast %ne3A_906 : vector<1024x1xi1> to vector<1024x1xi1>
    %broadcast_in_dim3A_911 = vector.broadcast %broadcast_in_dim3A_910 : vector<1024x1xi1> to vector<1024x128xi1>
    %select_n3A_912 = arith.select %broadcast_in_dim3A_911, %mul3A_900, %select_n3A_855 : vector<1024x128xi1>, vector<1024x128xf32>
    %get3A_913 = arith.constant 16 : index
    %get3A_914 = arith.constant 0 : index
    %get3A_915 = arith.constant 0 : index
    %get3A_916 = vector.load %arg1[%get3A_913, %get3A_914, %get3A_915] : memref<50x1024x128xf32, #tpu.memory_space<vmem>>, vector<1x1024x128xf32>
    %get3A_917 = vector.shape_cast %get3A_916 : vector<1x1024x128xf32> to vector<1024x128xf32>
    %select_n3A_918 = arith.select %lt3A_1, %get3A_917, %select_n3A_912 : vector<1024x128xi1>, vector<1024x128xf32>
    %dot_general3A_919 = arith.constant dense<0.000000e+00> : vector<1024x256xf32>
    %dot_general3A_920 = tpu.matmul %select_n3A_918, %get3A_6, %dot_general3A_919 {dimension_numbers = #tpu.dot_dimension_numbers<[1], [0], [0], [1], [0, 0, 1, 1], [], []>, transpose_lhs_hint = false} : vector<1024x128xf32>, vector<128x256xf32>, vector<1024x256xf32> -> vector<1024x256xf32>
    %add3A_921 = vector.broadcast %get3A_9 : vector<1x256xf32> to vector<1024x256xf32>
    %add3A_922 = arith.addf %dot_general3A_920, %add3A_921 : vector<1024x256xf32>
    %slice3A_923 = vector.extract_strided_slice %add3A_922 {offsets = [0, 0], sizes = [1024, 128], strides = [1, 1]} : vector<1024x256xf32> to vector<1024x128xf32>
    %slice3A_924 = vector.extract_strided_slice %add3A_922 {offsets = [0, 128], sizes = [1024, 128], strides = [1, 1]} : vector<1024x256xf32> to vector<1024x128xf32>
    %mul3A_925 = arith.constant 5.000000e-01 : f32
    %mul3A_926 = vector.broadcast %mul3A_925 : f32 to vector<1024x128xf32>
    %mul3A_927 = arith.mulf %mul3A_926, %slice3A_923 : vector<1024x128xf32>
    %tanh3A_928 = math.tanh %mul3A_927 : vector<1024x128xf32>
    %mul3A_929 = arith.constant 5.000000e-01 : f32
    %mul3A_930 = vector.broadcast %mul3A_929 : f32 to vector<1024x128xf32>
    %mul3A_931 = arith.mulf %mul3A_930, %tanh3A_928 : vector<1024x128xf32>
    %add3A_932 = arith.constant 5.000000e-01 : f32
    %add3A_933 = vector.broadcast %add3A_932 : f32 to vector<1024x128xf32>
    %add3A_934 = arith.addf %mul3A_931, %add3A_933 : vector<1024x128xf32>
    %max3A_935 = arith.constant 0.000000e+00 : f32
    %max3A_936 = vector.broadcast %max3A_935 : f32 to vector<1024x128xf32>
    %max3A_937 = arith.maximumf %slice3A_924, %max3A_936 : vector<1024x128xf32>
    %mul3A_938 = arith.constant 5.000000e-01 : f32
    %mul3A_939 = vector.broadcast %mul3A_938 : f32 to vector<1024x128xf32>
    %mul3A_940 = arith.mulf %mul3A_939, %slice3A_924 : vector<1024x128xf32>
    %tanh3A_941 = math.tanh %mul3A_940 : vector<1024x128xf32>
    %mul3A_942 = arith.constant 5.000000e-01 : f32
    %mul3A_943 = vector.broadcast %mul3A_942 : f32 to vector<1024x128xf32>
    %mul3A_944 = arith.mulf %mul3A_943, %tanh3A_941 : vector<1024x128xf32>
    %add3A_945 = arith.constant 5.000000e-01 : f32
    %add3A_946 = vector.broadcast %add3A_945 : f32 to vector<1024x128xf32>
    %add3A_947 = arith.addf %mul3A_944, %add3A_946 : vector<1024x128xf32>
    %select_n3A_948 = arith.select %lt3A_1, %max3A_937, %add3A_947 : vector<1024x128xi1>, vector<1024x128xf32>
    %mul3A_949 = arith.mulf %add3A_934, %select_n3A_948 : vector<1024x128xf32>
    %mul3A_950 = arith.mulf %add3A_934, %select_n3A_909 : vector<1024x128xf32>
    %roll3A_951 = arith.constant 64 : i32
    %roll3A_952 = tpu.dynamic_rotate %mul3A_949 by %roll3A_951 dim 1 : vector<1024x128xf32>, i32 -> vector<1024x128xf32>
    %add3A_953 = arith.addf %mul3A_950, %roll3A_952 : vector<1024x128xf32>
    %max3A_954 = arith.constant 0.000000e+00 : f32
    %max3A_955 = vector.broadcast %max3A_954 : f32 to vector<1024x128xf32>
    %max3A_956 = arith.maximumf %add3A_953, %max3A_955 : vector<1024x128xf32>
    %mul3A_957 = arith.mulf %select_n3A_948, %max3A_956 : vector<1024x128xf32>
    %get3A_958 = arith.constant 0 : index
    %get3A_959 = arith.constant 16 : index
    %get3A_960 = vector.load %arg2[%get3A_958, %get3A_959] : memref<1024x50xi32, #tpu.memory_space<vmem>>, vector<1024x1xi32>
    %ne3A_961 = arith.constant 0 : i32
    %ne3A_962 = vector.broadcast %ne3A_961 : i32 to vector<1024x1xi32>
    %ne3A_963 = arith.cmpi ne, %get3A_960, %ne3A_962 : vector<1024x1xi32>
    %broadcast_in_dim3A_964 = vector.shape_cast %ne3A_963 : vector<1024x1xi1> to vector<1024x1xi1>
    %broadcast_in_dim3A_965 = vector.broadcast %broadcast_in_dim3A_964 : vector<1024x1xi1> to vector<1024x128xi1>
    %select_n3A_966 = arith.select %broadcast_in_dim3A_965, %add3A_953, %select_n3A_909 : vector<1024x128xi1>, vector<1024x128xf32>
    %broadcast_in_dim3A_967 = vector.shape_cast %ne3A_963 : vector<1024x1xi1> to vector<1024x1xi1>
    %broadcast_in_dim3A_968 = vector.broadcast %broadcast_in_dim3A_967 : vector<1024x1xi1> to vector<1024x128xi1>
    %select_n3A_969 = arith.select %broadcast_in_dim3A_968, %mul3A_957, %select_n3A_912 : vector<1024x128xi1>, vector<1024x128xf32>
    %get3A_970 = arith.constant 17 : index
    %get3A_971 = arith.constant 0 : index
    %get3A_972 = arith.constant 0 : index
    %get3A_973 = vector.load %arg1[%get3A_970, %get3A_971, %get3A_972] : memref<50x1024x128xf32, #tpu.memory_space<vmem>>, vector<1x1024x128xf32>
    %get3A_974 = vector.shape_cast %get3A_973 : vector<1x1024x128xf32> to vector<1024x128xf32>
    %select_n3A_975 = arith.select %lt3A_1, %get3A_974, %select_n3A_969 : vector<1024x128xi1>, vector<1024x128xf32>
    %dot_general3A_976 = arith.constant dense<0.000000e+00> : vector<1024x256xf32>
    %dot_general3A_977 = tpu.matmul %select_n3A_975, %get3A_6, %dot_general3A_976 {dimension_numbers = #tpu.dot_dimension_numbers<[1], [0], [0], [1], [0, 0, 1, 1], [], []>, transpose_lhs_hint = false} : vector<1024x128xf32>, vector<128x256xf32>, vector<1024x256xf32> -> vector<1024x256xf32>
    %add3A_978 = vector.broadcast %get3A_9 : vector<1x256xf32> to vector<1024x256xf32>
    %add3A_979 = arith.addf %dot_general3A_977, %add3A_978 : vector<1024x256xf32>
    %slice3A_980 = vector.extract_strided_slice %add3A_979 {offsets = [0, 0], sizes = [1024, 128], strides = [1, 1]} : vector<1024x256xf32> to vector<1024x128xf32>
    %slice3A_981 = vector.extract_strided_slice %add3A_979 {offsets = [0, 128], sizes = [1024, 128], strides = [1, 1]} : vector<1024x256xf32> to vector<1024x128xf32>
    %mul3A_982 = arith.constant 5.000000e-01 : f32
    %mul3A_983 = vector.broadcast %mul3A_982 : f32 to vector<1024x128xf32>
    %mul3A_984 = arith.mulf %mul3A_983, %slice3A_980 : vector<1024x128xf32>
    %tanh3A_985 = math.tanh %mul3A_984 : vector<1024x128xf32>
    %mul3A_986 = arith.constant 5.000000e-01 : f32
    %mul3A_987 = vector.broadcast %mul3A_986 : f32 to vector<1024x128xf32>
    %mul3A_988 = arith.mulf %mul3A_987, %tanh3A_985 : vector<1024x128xf32>
    %add3A_989 = arith.constant 5.000000e-01 : f32
    %add3A_990 = vector.broadcast %add3A_989 : f32 to vector<1024x128xf32>
    %add3A_991 = arith.addf %mul3A_988, %add3A_990 : vector<1024x128xf32>
    %max3A_992 = arith.constant 0.000000e+00 : f32
    %max3A_993 = vector.broadcast %max3A_992 : f32 to vector<1024x128xf32>
    %max3A_994 = arith.maximumf %slice3A_981, %max3A_993 : vector<1024x128xf32>
    %mul3A_995 = arith.constant 5.000000e-01 : f32
    %mul3A_996 = vector.broadcast %mul3A_995 : f32 to vector<1024x128xf32>
    %mul3A_997 = arith.mulf %mul3A_996, %slice3A_981 : vector<1024x128xf32>
    %tanh3A_998 = math.tanh %mul3A_997 : vector<1024x128xf32>
    %mul3A_999 = arith.constant 5.000000e-01 : f32
    %mul3A_1000 = vector.broadcast %mul3A_999 : f32 to vector<1024x128xf32>
    %mul3A_1001 = arith.mulf %mul3A_1000, %tanh3A_998 : vector<1024x128xf32>
    %add3A_1002 = arith.constant 5.000000e-01 : f32
    %add3A_1003 = vector.broadcast %add3A_1002 : f32 to vector<1024x128xf32>
    %add3A_1004 = arith.addf %mul3A_1001, %add3A_1003 : vector<1024x128xf32>
    %select_n3A_1005 = arith.select %lt3A_1, %max3A_994, %add3A_1004 : vector<1024x128xi1>, vector<1024x128xf32>
    %mul3A_1006 = arith.mulf %add3A_991, %select_n3A_1005 : vector<1024x128xf32>
    %mul3A_1007 = arith.mulf %add3A_991, %select_n3A_966 : vector<1024x128xf32>
    %roll3A_1008 = arith.constant 64 : i32
    %roll3A_1009 = tpu.dynamic_rotate %mul3A_1006 by %roll3A_1008 dim 1 : vector<1024x128xf32>, i32 -> vector<1024x128xf32>
    %add3A_1010 = arith.addf %mul3A_1007, %roll3A_1009 : vector<1024x128xf32>
    %max3A_1011 = arith.constant 0.000000e+00 : f32
    %max3A_1012 = vector.broadcast %max3A_1011 : f32 to vector<1024x128xf32>
    %max3A_1013 = arith.maximumf %add3A_1010, %max3A_1012 : vector<1024x128xf32>
    %mul3A_1014 = arith.mulf %select_n3A_1005, %max3A_1013 : vector<1024x128xf32>
    %get3A_1015 = arith.constant 0 : index
    %get3A_1016 = arith.constant 17 : index
    %get3A_1017 = vector.load %arg2[%get3A_1015, %get3A_1016] : memref<1024x50xi32, #tpu.memory_space<vmem>>, vector<1024x1xi32>
    %ne3A_1018 = arith.constant 0 : i32
    %ne3A_1019 = vector.broadcast %ne3A_1018 : i32 to vector<1024x1xi32>
    %ne3A_1020 = arith.cmpi ne, %get3A_1017, %ne3A_1019 : vector<1024x1xi32>
    %broadcast_in_dim3A_1021 = vector.shape_cast %ne3A_1020 : vector<1024x1xi1> to vector<1024x1xi1>
    %broadcast_in_dim3A_1022 = vector.broadcast %broadcast_in_dim3A_1021 : vector<1024x1xi1> to vector<1024x128xi1>
    %select_n3A_1023 = arith.select %broadcast_in_dim3A_1022, %add3A_1010, %select_n3A_966 : vector<1024x128xi1>, vector<1024x128xf32>
    %broadcast_in_dim3A_1024 = vector.shape_cast %ne3A_1020 : vector<1024x1xi1> to vector<1024x1xi1>
    %broadcast_in_dim3A_1025 = vector.broadcast %broadcast_in_dim3A_1024 : vector<1024x1xi1> to vector<1024x128xi1>
    %select_n3A_1026 = arith.select %broadcast_in_dim3A_1025, %mul3A_1014, %select_n3A_969 : vector<1024x128xi1>, vector<1024x128xf32>
    %get3A_1027 = arith.constant 18 : index
    %get3A_1028 = arith.constant 0 : index
    %get3A_1029 = arith.constant 0 : index
    %get3A_1030 = vector.load %arg1[%get3A_1027, %get3A_1028, %get3A_1029] : memref<50x1024x128xf32, #tpu.memory_space<vmem>>, vector<1x1024x128xf32>
    %get3A_1031 = vector.shape_cast %get3A_1030 : vector<1x1024x128xf32> to vector<1024x128xf32>
    %select_n3A_1032 = arith.select %lt3A_1, %get3A_1031, %select_n3A_1026 : vector<1024x128xi1>, vector<1024x128xf32>
    %dot_general3A_1033 = arith.constant dense<0.000000e+00> : vector<1024x256xf32>
    %dot_general3A_1034 = tpu.matmul %select_n3A_1032, %get3A_6, %dot_general3A_1033 {dimension_numbers = #tpu.dot_dimension_numbers<[1], [0], [0], [1], [0, 0, 1, 1], [], []>, transpose_lhs_hint = false} : vector<1024x128xf32>, vector<128x256xf32>, vector<1024x256xf32> -> vector<1024x256xf32>
    %add3A_1035 = vector.broadcast %get3A_9 : vector<1x256xf32> to vector<1024x256xf32>
    %add3A_1036 = arith.addf %dot_general3A_1034, %add3A_1035 : vector<1024x256xf32>
    %slice3A_1037 = vector.extract_strided_slice %add3A_1036 {offsets = [0, 0], sizes = [1024, 128], strides = [1, 1]} : vector<1024x256xf32> to vector<1024x128xf32>
    %slice3A_1038 = vector.extract_strided_slice %add3A_1036 {offsets = [0, 128], sizes = [1024, 128], strides = [1, 1]} : vector<1024x256xf32> to vector<1024x128xf32>
    %mul3A_1039 = arith.constant 5.000000e-01 : f32
    %mul3A_1040 = vector.broadcast %mul3A_1039 : f32 to vector<1024x128xf32>
    %mul3A_1041 = arith.mulf %mul3A_1040, %slice3A_1037 : vector<1024x128xf32>
    %tanh3A_1042 = math.tanh %mul3A_1041 : vector<1024x128xf32>
    %mul3A_1043 = arith.constant 5.000000e-01 : f32
    %mul3A_1044 = vector.broadcast %mul3A_1043 : f32 to vector<1024x128xf32>
    %mul3A_1045 = arith.mulf %mul3A_1044, %tanh3A_1042 : vector<1024x128xf32>
    %add3A_1046 = arith.constant 5.000000e-01 : f32
    %add3A_1047 = vector.broadcast %add3A_1046 : f32 to vector<1024x128xf32>
    %add3A_1048 = arith.addf %mul3A_1045, %add3A_1047 : vector<1024x128xf32>
    %max3A_1049 = arith.constant 0.000000e+00 : f32
    %max3A_1050 = vector.broadcast %max3A_1049 : f32 to vector<1024x128xf32>
    %max3A_1051 = arith.maximumf %slice3A_1038, %max3A_1050 : vector<1024x128xf32>
    %mul3A_1052 = arith.constant 5.000000e-01 : f32
    %mul3A_1053 = vector.broadcast %mul3A_1052 : f32 to vector<1024x128xf32>
    %mul3A_1054 = arith.mulf %mul3A_1053, %slice3A_1038 : vector<1024x128xf32>
    %tanh3A_1055 = math.tanh %mul3A_1054 : vector<1024x128xf32>
    %mul3A_1056 = arith.constant 5.000000e-01 : f32
    %mul3A_1057 = vector.broadcast %mul3A_1056 : f32 to vector<1024x128xf32>
    %mul3A_1058 = arith.mulf %mul3A_1057, %tanh3A_1055 : vector<1024x128xf32>
    %add3A_1059 = arith.constant 5.000000e-01 : f32
    %add3A_1060 = vector.broadcast %add3A_1059 : f32 to vector<1024x128xf32>
    %add3A_1061 = arith.addf %mul3A_1058, %add3A_1060 : vector<1024x128xf32>
    %select_n3A_1062 = arith.select %lt3A_1, %max3A_1051, %add3A_1061 : vector<1024x128xi1>, vector<1024x128xf32>
    %mul3A_1063 = arith.mulf %add3A_1048, %select_n3A_1062 : vector<1024x128xf32>
    %mul3A_1064 = arith.mulf %add3A_1048, %select_n3A_1023 : vector<1024x128xf32>
    %roll3A_1065 = arith.constant 64 : i32
    %roll3A_1066 = tpu.dynamic_rotate %mul3A_1063 by %roll3A_1065 dim 1 : vector<1024x128xf32>, i32 -> vector<1024x128xf32>
    %add3A_1067 = arith.addf %mul3A_1064, %roll3A_1066 : vector<1024x128xf32>
    %max3A_1068 = arith.constant 0.000000e+00 : f32
    %max3A_1069 = vector.broadcast %max3A_1068 : f32 to vector<1024x128xf32>
    %max3A_1070 = arith.maximumf %add3A_1067, %max3A_1069 : vector<1024x128xf32>
    %mul3A_1071 = arith.mulf %select_n3A_1062, %max3A_1070 : vector<1024x128xf32>
    %get3A_1072 = arith.constant 0 : index
    %get3A_1073 = arith.constant 18 : index
    %get3A_1074 = vector.load %arg2[%get3A_1072, %get3A_1073] : memref<1024x50xi32, #tpu.memory_space<vmem>>, vector<1024x1xi32>
    %ne3A_1075 = arith.constant 0 : i32
    %ne3A_1076 = vector.broadcast %ne3A_1075 : i32 to vector<1024x1xi32>
    %ne3A_1077 = arith.cmpi ne, %get3A_1074, %ne3A_1076 : vector<1024x1xi32>
    %broadcast_in_dim3A_1078 = vector.shape_cast %ne3A_1077 : vector<1024x1xi1> to vector<1024x1xi1>
    %broadcast_in_dim3A_1079 = vector.broadcast %broadcast_in_dim3A_1078 : vector<1024x1xi1> to vector<1024x128xi1>
    %select_n3A_1080 = arith.select %broadcast_in_dim3A_1079, %add3A_1067, %select_n3A_1023 : vector<1024x128xi1>, vector<1024x128xf32>
    %broadcast_in_dim3A_1081 = vector.shape_cast %ne3A_1077 : vector<1024x1xi1> to vector<1024x1xi1>
    %broadcast_in_dim3A_1082 = vector.broadcast %broadcast_in_dim3A_1081 : vector<1024x1xi1> to vector<1024x128xi1>
    %select_n3A_1083 = arith.select %broadcast_in_dim3A_1082, %mul3A_1071, %select_n3A_1026 : vector<1024x128xi1>, vector<1024x128xf32>
    %get3A_1084 = arith.constant 19 : index
    %get3A_1085 = arith.constant 0 : index
    %get3A_1086 = arith.constant 0 : index
    %get3A_1087 = vector.load %arg1[%get3A_1084, %get3A_1085, %get3A_1086] : memref<50x1024x128xf32, #tpu.memory_space<vmem>>, vector<1x1024x128xf32>
    %get3A_1088 = vector.shape_cast %get3A_1087 : vector<1x1024x128xf32> to vector<1024x128xf32>
    %select_n3A_1089 = arith.select %lt3A_1, %get3A_1088, %select_n3A_1083 : vector<1024x128xi1>, vector<1024x128xf32>
    %dot_general3A_1090 = arith.constant dense<0.000000e+00> : vector<1024x256xf32>
    %dot_general3A_1091 = tpu.matmul %select_n3A_1089, %get3A_6, %dot_general3A_1090 {dimension_numbers = #tpu.dot_dimension_numbers<[1], [0], [0], [1], [0, 0, 1, 1], [], []>, transpose_lhs_hint = false} : vector<1024x128xf32>, vector<128x256xf32>, vector<1024x256xf32> -> vector<1024x256xf32>
    %add3A_1092 = vector.broadcast %get3A_9 : vector<1x256xf32> to vector<1024x256xf32>
    %add3A_1093 = arith.addf %dot_general3A_1091, %add3A_1092 : vector<1024x256xf32>
    %slice3A_1094 = vector.extract_strided_slice %add3A_1093 {offsets = [0, 0], sizes = [1024, 128], strides = [1, 1]} : vector<1024x256xf32> to vector<1024x128xf32>
    %slice3A_1095 = vector.extract_strided_slice %add3A_1093 {offsets = [0, 128], sizes = [1024, 128], strides = [1, 1]} : vector<1024x256xf32> to vector<1024x128xf32>
    %mul3A_1096 = arith.constant 5.000000e-01 : f32
    %mul3A_1097 = vector.broadcast %mul3A_1096 : f32 to vector<1024x128xf32>
    %mul3A_1098 = arith.mulf %mul3A_1097, %slice3A_1094 : vector<1024x128xf32>
    %tanh3A_1099 = math.tanh %mul3A_1098 : vector<1024x128xf32>
    %mul3A_1100 = arith.constant 5.000000e-01 : f32
    %mul3A_1101 = vector.broadcast %mul3A_1100 : f32 to vector<1024x128xf32>
    %mul3A_1102 = arith.mulf %mul3A_1101, %tanh3A_1099 : vector<1024x128xf32>
    %add3A_1103 = arith.constant 5.000000e-01 : f32
    %add3A_1104 = vector.broadcast %add3A_1103 : f32 to vector<1024x128xf32>
    %add3A_1105 = arith.addf %mul3A_1102, %add3A_1104 : vector<1024x128xf32>
    %max3A_1106 = arith.constant 0.000000e+00 : f32
    %max3A_1107 = vector.broadcast %max3A_1106 : f32 to vector<1024x128xf32>
    %max3A_1108 = arith.maximumf %slice3A_1095, %max3A_1107 : vector<1024x128xf32>
    %mul3A_1109 = arith.constant 5.000000e-01 : f32
    %mul3A_1110 = vector.broadcast %mul3A_1109 : f32 to vector<1024x128xf32>
    %mul3A_1111 = arith.mulf %mul3A_1110, %slice3A_1095 : vector<1024x128xf32>
    %tanh3A_1112 = math.tanh %mul3A_1111 : vector<1024x128xf32>
    %mul3A_1113 = arith.constant 5.000000e-01 : f32
    %mul3A_1114 = vector.broadcast %mul3A_1113 : f32 to vector<1024x128xf32>
    %mul3A_1115 = arith.mulf %mul3A_1114, %tanh3A_1112 : vector<1024x128xf32>
    %add3A_1116 = arith.constant 5.000000e-01 : f32
    %add3A_1117 = vector.broadcast %add3A_1116 : f32 to vector<1024x128xf32>
    %add3A_1118 = arith.addf %mul3A_1115, %add3A_1117 : vector<1024x128xf32>
    %select_n3A_1119 = arith.select %lt3A_1, %max3A_1108, %add3A_1118 : vector<1024x128xi1>, vector<1024x128xf32>
    %mul3A_1120 = arith.mulf %add3A_1105, %select_n3A_1119 : vector<1024x128xf32>
    %mul3A_1121 = arith.mulf %add3A_1105, %select_n3A_1080 : vector<1024x128xf32>
    %roll3A_1122 = arith.constant 64 : i32
    %roll3A_1123 = tpu.dynamic_rotate %mul3A_1120 by %roll3A_1122 dim 1 : vector<1024x128xf32>, i32 -> vector<1024x128xf32>
    %add3A_1124 = arith.addf %mul3A_1121, %roll3A_1123 : vector<1024x128xf32>
    %max3A_1125 = arith.constant 0.000000e+00 : f32
    %max3A_1126 = vector.broadcast %max3A_1125 : f32 to vector<1024x128xf32>
    %max3A_1127 = arith.maximumf %add3A_1124, %max3A_1126 : vector<1024x128xf32>
    %mul3A_1128 = arith.mulf %select_n3A_1119, %max3A_1127 : vector<1024x128xf32>
    %get3A_1129 = arith.constant 0 : index
    %get3A_1130 = arith.constant 19 : index
    %get3A_1131 = vector.load %arg2[%get3A_1129, %get3A_1130] : memref<1024x50xi32, #tpu.memory_space<vmem>>, vector<1024x1xi32>
    %ne3A_1132 = arith.constant 0 : i32
    %ne3A_1133 = vector.broadcast %ne3A_1132 : i32 to vector<1024x1xi32>
    %ne3A_1134 = arith.cmpi ne, %get3A_1131, %ne3A_1133 : vector<1024x1xi32>
    %broadcast_in_dim3A_1135 = vector.shape_cast %ne3A_1134 : vector<1024x1xi1> to vector<1024x1xi1>
    %broadcast_in_dim3A_1136 = vector.broadcast %broadcast_in_dim3A_1135 : vector<1024x1xi1> to vector<1024x128xi1>
    %select_n3A_1137 = arith.select %broadcast_in_dim3A_1136, %add3A_1124, %select_n3A_1080 : vector<1024x128xi1>, vector<1024x128xf32>
    %broadcast_in_dim3A_1138 = vector.shape_cast %ne3A_1134 : vector<1024x1xi1> to vector<1024x1xi1>
    %broadcast_in_dim3A_1139 = vector.broadcast %broadcast_in_dim3A_1138 : vector<1024x1xi1> to vector<1024x128xi1>
    %select_n3A_1140 = arith.select %broadcast_in_dim3A_1139, %mul3A_1128, %select_n3A_1083 : vector<1024x128xi1>, vector<1024x128xf32>
    %get3A_1141 = arith.constant 20 : index
    %get3A_1142 = arith.constant 0 : index
    %get3A_1143 = arith.constant 0 : index
    %get3A_1144 = vector.load %arg1[%get3A_1141, %get3A_1142, %get3A_1143] : memref<50x1024x128xf32, #tpu.memory_space<vmem>>, vector<1x1024x128xf32>
    %get3A_1145 = vector.shape_cast %get3A_1144 : vector<1x1024x128xf32> to vector<1024x128xf32>
    %select_n3A_1146 = arith.select %lt3A_1, %get3A_1145, %select_n3A_1140 : vector<1024x128xi1>, vector<1024x128xf32>
    %dot_general3A_1147 = arith.constant dense<0.000000e+00> : vector<1024x256xf32>
    %dot_general3A_1148 = tpu.matmul %select_n3A_1146, %get3A_6, %dot_general3A_1147 {dimension_numbers = #tpu.dot_dimension_numbers<[1], [0], [0], [1], [0, 0, 1, 1], [], []>, transpose_lhs_hint = false} : vector<1024x128xf32>, vector<128x256xf32>, vector<1024x256xf32> -> vector<1024x256xf32>
    %add3A_1149 = vector.broadcast %get3A_9 : vector<1x256xf32> to vector<1024x256xf32>
    %add3A_1150 = arith.addf %dot_general3A_1148, %add3A_1149 : vector<1024x256xf32>
    %slice3A_1151 = vector.extract_strided_slice %add3A_1150 {offsets = [0, 0], sizes = [1024, 128], strides = [1, 1]} : vector<1024x256xf32> to vector<1024x128xf32>
    %slice3A_1152 = vector.extract_strided_slice %add3A_1150 {offsets = [0, 128], sizes = [1024, 128], strides = [1, 1]} : vector<1024x256xf32> to vector<1024x128xf32>
    %mul3A_1153 = arith.constant 5.000000e-01 : f32
    %mul3A_1154 = vector.broadcast %mul3A_1153 : f32 to vector<1024x128xf32>
    %mul3A_1155 = arith.mulf %mul3A_1154, %slice3A_1151 : vector<1024x128xf32>
    %tanh3A_1156 = math.tanh %mul3A_1155 : vector<1024x128xf32>
    %mul3A_1157 = arith.constant 5.000000e-01 : f32
    %mul3A_1158 = vector.broadcast %mul3A_1157 : f32 to vector<1024x128xf32>
    %mul3A_1159 = arith.mulf %mul3A_1158, %tanh3A_1156 : vector<1024x128xf32>
    %add3A_1160 = arith.constant 5.000000e-01 : f32
    %add3A_1161 = vector.broadcast %add3A_1160 : f32 to vector<1024x128xf32>
    %add3A_1162 = arith.addf %mul3A_1159, %add3A_1161 : vector<1024x128xf32>
    %max3A_1163 = arith.constant 0.000000e+00 : f32
    %max3A_1164 = vector.broadcast %max3A_1163 : f32 to vector<1024x128xf32>
    %max3A_1165 = arith.maximumf %slice3A_1152, %max3A_1164 : vector<1024x128xf32>
    %mul3A_1166 = arith.constant 5.000000e-01 : f32
    %mul3A_1167 = vector.broadcast %mul3A_1166 : f32 to vector<1024x128xf32>
    %mul3A_1168 = arith.mulf %mul3A_1167, %slice3A_1152 : vector<1024x128xf32>
    %tanh3A_1169 = math.tanh %mul3A_1168 : vector<1024x128xf32>
    %mul3A_1170 = arith.constant 5.000000e-01 : f32
    %mul3A_1171 = vector.broadcast %mul3A_1170 : f32 to vector<1024x128xf32>
    %mul3A_1172 = arith.mulf %mul3A_1171, %tanh3A_1169 : vector<1024x128xf32>
    %add3A_1173 = arith.constant 5.000000e-01 : f32
    %add3A_1174 = vector.broadcast %add3A_1173 : f32 to vector<1024x128xf32>
    %add3A_1175 = arith.addf %mul3A_1172, %add3A_1174 : vector<1024x128xf32>
    %select_n3A_1176 = arith.select %lt3A_1, %max3A_1165, %add3A_1175 : vector<1024x128xi1>, vector<1024x128xf32>
    %mul3A_1177 = arith.mulf %add3A_1162, %select_n3A_1176 : vector<1024x128xf32>
    %mul3A_1178 = arith.mulf %add3A_1162, %select_n3A_1137 : vector<1024x128xf32>
    %roll3A_1179 = arith.constant 64 : i32
    %roll3A_1180 = tpu.dynamic_rotate %mul3A_1177 by %roll3A_1179 dim 1 : vector<1024x128xf32>, i32 -> vector<1024x128xf32>
    %add3A_1181 = arith.addf %mul3A_1178, %roll3A_1180 : vector<1024x128xf32>
    %max3A_1182 = arith.constant 0.000000e+00 : f32
    %max3A_1183 = vector.broadcast %max3A_1182 : f32 to vector<1024x128xf32>
    %max3A_1184 = arith.maximumf %add3A_1181, %max3A_1183 : vector<1024x128xf32>
    %mul3A_1185 = arith.mulf %select_n3A_1176, %max3A_1184 : vector<1024x128xf32>
    %get3A_1186 = arith.constant 0 : index
    %get3A_1187 = arith.constant 20 : index
    %get3A_1188 = vector.load %arg2[%get3A_1186, %get3A_1187] : memref<1024x50xi32, #tpu.memory_space<vmem>>, vector<1024x1xi32>
    %ne3A_1189 = arith.constant 0 : i32
    %ne3A_1190 = vector.broadcast %ne3A_1189 : i32 to vector<1024x1xi32>
    %ne3A_1191 = arith.cmpi ne, %get3A_1188, %ne3A_1190 : vector<1024x1xi32>
    %broadcast_in_dim3A_1192 = vector.shape_cast %ne3A_1191 : vector<1024x1xi1> to vector<1024x1xi1>
    %broadcast_in_dim3A_1193 = vector.broadcast %broadcast_in_dim3A_1192 : vector<1024x1xi1> to vector<1024x128xi1>
    %select_n3A_1194 = arith.select %broadcast_in_dim3A_1193, %add3A_1181, %select_n3A_1137 : vector<1024x128xi1>, vector<1024x128xf32>
    %broadcast_in_dim3A_1195 = vector.shape_cast %ne3A_1191 : vector<1024x1xi1> to vector<1024x1xi1>
    %broadcast_in_dim3A_1196 = vector.broadcast %broadcast_in_dim3A_1195 : vector<1024x1xi1> to vector<1024x128xi1>
    %select_n3A_1197 = arith.select %broadcast_in_dim3A_1196, %mul3A_1185, %select_n3A_1140 : vector<1024x128xi1>, vector<1024x128xf32>
    %get3A_1198 = arith.constant 21 : index
    %get3A_1199 = arith.constant 0 : index
    %get3A_1200 = arith.constant 0 : index
    %get3A_1201 = vector.load %arg1[%get3A_1198, %get3A_1199, %get3A_1200] : memref<50x1024x128xf32, #tpu.memory_space<vmem>>, vector<1x1024x128xf32>
    %get3A_1202 = vector.shape_cast %get3A_1201 : vector<1x1024x128xf32> to vector<1024x128xf32>
    %select_n3A_1203 = arith.select %lt3A_1, %get3A_1202, %select_n3A_1197 : vector<1024x128xi1>, vector<1024x128xf32>
    %dot_general3A_1204 = arith.constant dense<0.000000e+00> : vector<1024x256xf32>
    %dot_general3A_1205 = tpu.matmul %select_n3A_1203, %get3A_6, %dot_general3A_1204 {dimension_numbers = #tpu.dot_dimension_numbers<[1], [0], [0], [1], [0, 0, 1, 1], [], []>, transpose_lhs_hint = false} : vector<1024x128xf32>, vector<128x256xf32>, vector<1024x256xf32> -> vector<1024x256xf32>
    %add3A_1206 = vector.broadcast %get3A_9 : vector<1x256xf32> to vector<1024x256xf32>
    %add3A_1207 = arith.addf %dot_general3A_1205, %add3A_1206 : vector<1024x256xf32>
    %slice3A_1208 = vector.extract_strided_slice %add3A_1207 {offsets = [0, 0], sizes = [1024, 128], strides = [1, 1]} : vector<1024x256xf32> to vector<1024x128xf32>
    %slice3A_1209 = vector.extract_strided_slice %add3A_1207 {offsets = [0, 128], sizes = [1024, 128], strides = [1, 1]} : vector<1024x256xf32> to vector<1024x128xf32>
    %mul3A_1210 = arith.constant 5.000000e-01 : f32
    %mul3A_1211 = vector.broadcast %mul3A_1210 : f32 to vector<1024x128xf32>
    %mul3A_1212 = arith.mulf %mul3A_1211, %slice3A_1208 : vector<1024x128xf32>
    %tanh3A_1213 = math.tanh %mul3A_1212 : vector<1024x128xf32>
    %mul3A_1214 = arith.constant 5.000000e-01 : f32
    %mul3A_1215 = vector.broadcast %mul3A_1214 : f32 to vector<1024x128xf32>
    %mul3A_1216 = arith.mulf %mul3A_1215, %tanh3A_1213 : vector<1024x128xf32>
    %add3A_1217 = arith.constant 5.000000e-01 : f32
    %add3A_1218 = vector.broadcast %add3A_1217 : f32 to vector<1024x128xf32>
    %add3A_1219 = arith.addf %mul3A_1216, %add3A_1218 : vector<1024x128xf32>
    %max3A_1220 = arith.constant 0.000000e+00 : f32
    %max3A_1221 = vector.broadcast %max3A_1220 : f32 to vector<1024x128xf32>
    %max3A_1222 = arith.maximumf %slice3A_1209, %max3A_1221 : vector<1024x128xf32>
    %mul3A_1223 = arith.constant 5.000000e-01 : f32
    %mul3A_1224 = vector.broadcast %mul3A_1223 : f32 to vector<1024x128xf32>
    %mul3A_1225 = arith.mulf %mul3A_1224, %slice3A_1209 : vector<1024x128xf32>
    %tanh3A_1226 = math.tanh %mul3A_1225 : vector<1024x128xf32>
    %mul3A_1227 = arith.constant 5.000000e-01 : f32
    %mul3A_1228 = vector.broadcast %mul3A_1227 : f32 to vector<1024x128xf32>
    %mul3A_1229 = arith.mulf %mul3A_1228, %tanh3A_1226 : vector<1024x128xf32>
    %add3A_1230 = arith.constant 5.000000e-01 : f32
    %add3A_1231 = vector.broadcast %add3A_1230 : f32 to vector<1024x128xf32>
    %add3A_1232 = arith.addf %mul3A_1229, %add3A_1231 : vector<1024x128xf32>
    %select_n3A_1233 = arith.select %lt3A_1, %max3A_1222, %add3A_1232 : vector<1024x128xi1>, vector<1024x128xf32>
    %mul3A_1234 = arith.mulf %add3A_1219, %select_n3A_1233 : vector<1024x128xf32>
    %mul3A_1235 = arith.mulf %add3A_1219, %select_n3A_1194 : vector<1024x128xf32>
    %roll3A_1236 = arith.constant 64 : i32
    %roll3A_1237 = tpu.dynamic_rotate %mul3A_1234 by %roll3A_1236 dim 1 : vector<1024x128xf32>, i32 -> vector<1024x128xf32>
    %add3A_1238 = arith.addf %mul3A_1235, %roll3A_1237 : vector<1024x128xf32>
    %max3A_1239 = arith.constant 0.000000e+00 : f32
    %max3A_1240 = vector.broadcast %max3A_1239 : f32 to vector<1024x128xf32>
    %max3A_1241 = arith.maximumf %add3A_1238, %max3A_1240 : vector<1024x128xf32>
    %mul3A_1242 = arith.mulf %select_n3A_1233, %max3A_1241 : vector<1024x128xf32>
    %get3A_1243 = arith.constant 0 : index
    %get3A_1244 = arith.constant 21 : index
    %get3A_1245 = vector.load %arg2[%get3A_1243, %get3A_1244] : memref<1024x50xi32, #tpu.memory_space<vmem>>, vector<1024x1xi32>
    %ne3A_1246 = arith.constant 0 : i32
    %ne3A_1247 = vector.broadcast %ne3A_1246 : i32 to vector<1024x1xi32>
    %ne3A_1248 = arith.cmpi ne, %get3A_1245, %ne3A_1247 : vector<1024x1xi32>
    %broadcast_in_dim3A_1249 = vector.shape_cast %ne3A_1248 : vector<1024x1xi1> to vector<1024x1xi1>
    %broadcast_in_dim3A_1250 = vector.broadcast %broadcast_in_dim3A_1249 : vector<1024x1xi1> to vector<1024x128xi1>
    %select_n3A_1251 = arith.select %broadcast_in_dim3A_1250, %add3A_1238, %select_n3A_1194 : vector<1024x128xi1>, vector<1024x128xf32>
    %broadcast_in_dim3A_1252 = vector.shape_cast %ne3A_1248 : vector<1024x1xi1> to vector<1024x1xi1>
    %broadcast_in_dim3A_1253 = vector.broadcast %broadcast_in_dim3A_1252 : vector<1024x1xi1> to vector<1024x128xi1>
    %select_n3A_1254 = arith.select %broadcast_in_dim3A_1253, %mul3A_1242, %select_n3A_1197 : vector<1024x128xi1>, vector<1024x128xf32>
    %get3A_1255 = arith.constant 22 : index
    %get3A_1256 = arith.constant 0 : index
    %get3A_1257 = arith.constant 0 : index
    %get3A_1258 = vector.load %arg1[%get3A_1255, %get3A_1256, %get3A_1257] : memref<50x1024x128xf32, #tpu.memory_space<vmem>>, vector<1x1024x128xf32>
    %get3A_1259 = vector.shape_cast %get3A_1258 : vector<1x1024x128xf32> to vector<1024x128xf32>
    %select_n3A_1260 = arith.select %lt3A_1, %get3A_1259, %select_n3A_1254 : vector<1024x128xi1>, vector<1024x128xf32>
    %dot_general3A_1261 = arith.constant dense<0.000000e+00> : vector<1024x256xf32>
    %dot_general3A_1262 = tpu.matmul %select_n3A_1260, %get3A_6, %dot_general3A_1261 {dimension_numbers = #tpu.dot_dimension_numbers<[1], [0], [0], [1], [0, 0, 1, 1], [], []>, transpose_lhs_hint = false} : vector<1024x128xf32>, vector<128x256xf32>, vector<1024x256xf32> -> vector<1024x256xf32>
    %add3A_1263 = vector.broadcast %get3A_9 : vector<1x256xf32> to vector<1024x256xf32>
    %add3A_1264 = arith.addf %dot_general3A_1262, %add3A_1263 : vector<1024x256xf32>
    %slice3A_1265 = vector.extract_strided_slice %add3A_1264 {offsets = [0, 0], sizes = [1024, 128], strides = [1, 1]} : vector<1024x256xf32> to vector<1024x128xf32>
    %slice3A_1266 = vector.extract_strided_slice %add3A_1264 {offsets = [0, 128], sizes = [1024, 128], strides = [1, 1]} : vector<1024x256xf32> to vector<1024x128xf32>
    %mul3A_1267 = arith.constant 5.000000e-01 : f32
    %mul3A_1268 = vector.broadcast %mul3A_1267 : f32 to vector<1024x128xf32>
    %mul3A_1269 = arith.mulf %mul3A_1268, %slice3A_1265 : vector<1024x128xf32>
    %tanh3A_1270 = math.tanh %mul3A_1269 : vector<1024x128xf32>
    %mul3A_1271 = arith.constant 5.000000e-01 : f32
    %mul3A_1272 = vector.broadcast %mul3A_1271 : f32 to vector<1024x128xf32>
    %mul3A_1273 = arith.mulf %mul3A_1272, %tanh3A_1270 : vector<1024x128xf32>
    %add3A_1274 = arith.constant 5.000000e-01 : f32
    %add3A_1275 = vector.broadcast %add3A_1274 : f32 to vector<1024x128xf32>
    %add3A_1276 = arith.addf %mul3A_1273, %add3A_1275 : vector<1024x128xf32>
    %max3A_1277 = arith.constant 0.000000e+00 : f32
    %max3A_1278 = vector.broadcast %max3A_1277 : f32 to vector<1024x128xf32>
    %max3A_1279 = arith.maximumf %slice3A_1266, %max3A_1278 : vector<1024x128xf32>
    %mul3A_1280 = arith.constant 5.000000e-01 : f32
    %mul3A_1281 = vector.broadcast %mul3A_1280 : f32 to vector<1024x128xf32>
    %mul3A_1282 = arith.mulf %mul3A_1281, %slice3A_1266 : vector<1024x128xf32>
    %tanh3A_1283 = math.tanh %mul3A_1282 : vector<1024x128xf32>
    %mul3A_1284 = arith.constant 5.000000e-01 : f32
    %mul3A_1285 = vector.broadcast %mul3A_1284 : f32 to vector<1024x128xf32>
    %mul3A_1286 = arith.mulf %mul3A_1285, %tanh3A_1283 : vector<1024x128xf32>
    %add3A_1287 = arith.constant 5.000000e-01 : f32
    %add3A_1288 = vector.broadcast %add3A_1287 : f32 to vector<1024x128xf32>
    %add3A_1289 = arith.addf %mul3A_1286, %add3A_1288 : vector<1024x128xf32>
    %select_n3A_1290 = arith.select %lt3A_1, %max3A_1279, %add3A_1289 : vector<1024x128xi1>, vector<1024x128xf32>
    %mul3A_1291 = arith.mulf %add3A_1276, %select_n3A_1290 : vector<1024x128xf32>
    %mul3A_1292 = arith.mulf %add3A_1276, %select_n3A_1251 : vector<1024x128xf32>
    %roll3A_1293 = arith.constant 64 : i32
    %roll3A_1294 = tpu.dynamic_rotate %mul3A_1291 by %roll3A_1293 dim 1 : vector<1024x128xf32>, i32 -> vector<1024x128xf32>
    %add3A_1295 = arith.addf %mul3A_1292, %roll3A_1294 : vector<1024x128xf32>
    %max3A_1296 = arith.constant 0.000000e+00 : f32
    %max3A_1297 = vector.broadcast %max3A_1296 : f32 to vector<1024x128xf32>
    %max3A_1298 = arith.maximumf %add3A_1295, %max3A_1297 : vector<1024x128xf32>
    %mul3A_1299 = arith.mulf %select_n3A_1290, %max3A_1298 : vector<1024x128xf32>
    %get3A_1300 = arith.constant 0 : index
    %get3A_1301 = arith.constant 22 : index
    %get3A_1302 = vector.load %arg2[%get3A_1300, %get3A_1301] : memref<1024x50xi32, #tpu.memory_space<vmem>>, vector<1024x1xi32>
    %ne3A_1303 = arith.constant 0 : i32
    %ne3A_1304 = vector.broadcast %ne3A_1303 : i32 to vector<1024x1xi32>
    %ne3A_1305 = arith.cmpi ne, %get3A_1302, %ne3A_1304 : vector<1024x1xi32>
    %broadcast_in_dim3A_1306 = vector.shape_cast %ne3A_1305 : vector<1024x1xi1> to vector<1024x1xi1>
    %broadcast_in_dim3A_1307 = vector.broadcast %broadcast_in_dim3A_1306 : vector<1024x1xi1> to vector<1024x128xi1>
    %select_n3A_1308 = arith.select %broadcast_in_dim3A_1307, %add3A_1295, %select_n3A_1251 : vector<1024x128xi1>, vector<1024x128xf32>
    %broadcast_in_dim3A_1309 = vector.shape_cast %ne3A_1305 : vector<1024x1xi1> to vector<1024x1xi1>
    %broadcast_in_dim3A_1310 = vector.broadcast %broadcast_in_dim3A_1309 : vector<1024x1xi1> to vector<1024x128xi1>
    %select_n3A_1311 = arith.select %broadcast_in_dim3A_1310, %mul3A_1299, %select_n3A_1254 : vector<1024x128xi1>, vector<1024x128xf32>
    %get3A_1312 = arith.constant 23 : index
    %get3A_1313 = arith.constant 0 : index
    %get3A_1314 = arith.constant 0 : index
    %get3A_1315 = vector.load %arg1[%get3A_1312, %get3A_1313, %get3A_1314] : memref<50x1024x128xf32, #tpu.memory_space<vmem>>, vector<1x1024x128xf32>
    %get3A_1316 = vector.shape_cast %get3A_1315 : vector<1x1024x128xf32> to vector<1024x128xf32>
    %select_n3A_1317 = arith.select %lt3A_1, %get3A_1316, %select_n3A_1311 : vector<1024x128xi1>, vector<1024x128xf32>
    %dot_general3A_1318 = arith.constant dense<0.000000e+00> : vector<1024x256xf32>
    %dot_general3A_1319 = tpu.matmul %select_n3A_1317, %get3A_6, %dot_general3A_1318 {dimension_numbers = #tpu.dot_dimension_numbers<[1], [0], [0], [1], [0, 0, 1, 1], [], []>, transpose_lhs_hint = false} : vector<1024x128xf32>, vector<128x256xf32>, vector<1024x256xf32> -> vector<1024x256xf32>
    %add3A_1320 = vector.broadcast %get3A_9 : vector<1x256xf32> to vector<1024x256xf32>
    %add3A_1321 = arith.addf %dot_general3A_1319, %add3A_1320 : vector<1024x256xf32>
    %slice3A_1322 = vector.extract_strided_slice %add3A_1321 {offsets = [0, 0], sizes = [1024, 128], strides = [1, 1]} : vector<1024x256xf32> to vector<1024x128xf32>
    %slice3A_1323 = vector.extract_strided_slice %add3A_1321 {offsets = [0, 128], sizes = [1024, 128], strides = [1, 1]} : vector<1024x256xf32> to vector<1024x128xf32>
    %mul3A_1324 = arith.constant 5.000000e-01 : f32
    %mul3A_1325 = vector.broadcast %mul3A_1324 : f32 to vector<1024x128xf32>
    %mul3A_1326 = arith.mulf %mul3A_1325, %slice3A_1322 : vector<1024x128xf32>
    %tanh3A_1327 = math.tanh %mul3A_1326 : vector<1024x128xf32>
    %mul3A_1328 = arith.constant 5.000000e-01 : f32
    %mul3A_1329 = vector.broadcast %mul3A_1328 : f32 to vector<1024x128xf32>
    %mul3A_1330 = arith.mulf %mul3A_1329, %tanh3A_1327 : vector<1024x128xf32>
    %add3A_1331 = arith.constant 5.000000e-01 : f32
    %add3A_1332 = vector.broadcast %add3A_1331 : f32 to vector<1024x128xf32>
    %add3A_1333 = arith.addf %mul3A_1330, %add3A_1332 : vector<1024x128xf32>
    %max3A_1334 = arith.constant 0.000000e+00 : f32
    %max3A_1335 = vector.broadcast %max3A_1334 : f32 to vector<1024x128xf32>
    %max3A_1336 = arith.maximumf %slice3A_1323, %max3A_1335 : vector<1024x128xf32>
    %mul3A_1337 = arith.constant 5.000000e-01 : f32
    %mul3A_1338 = vector.broadcast %mul3A_1337 : f32 to vector<1024x128xf32>
    %mul3A_1339 = arith.mulf %mul3A_1338, %slice3A_1323 : vector<1024x128xf32>
    %tanh3A_1340 = math.tanh %mul3A_1339 : vector<1024x128xf32>
    %mul3A_1341 = arith.constant 5.000000e-01 : f32
    %mul3A_1342 = vector.broadcast %mul3A_1341 : f32 to vector<1024x128xf32>
    %mul3A_1343 = arith.mulf %mul3A_1342, %tanh3A_1340 : vector<1024x128xf32>
    %add3A_1344 = arith.constant 5.000000e-01 : f32
    %add3A_1345 = vector.broadcast %add3A_1344 : f32 to vector<1024x128xf32>
    %add3A_1346 = arith.addf %mul3A_1343, %add3A_1345 : vector<1024x128xf32>
    %select_n3A_1347 = arith.select %lt3A_1, %max3A_1336, %add3A_1346 : vector<1024x128xi1>, vector<1024x128xf32>
    %mul3A_1348 = arith.mulf %add3A_1333, %select_n3A_1347 : vector<1024x128xf32>
    %mul3A_1349 = arith.mulf %add3A_1333, %select_n3A_1308 : vector<1024x128xf32>
    %roll3A_1350 = arith.constant 64 : i32
    %roll3A_1351 = tpu.dynamic_rotate %mul3A_1348 by %roll3A_1350 dim 1 : vector<1024x128xf32>, i32 -> vector<1024x128xf32>
    %add3A_1352 = arith.addf %mul3A_1349, %roll3A_1351 : vector<1024x128xf32>
    %max3A_1353 = arith.constant 0.000000e+00 : f32
    %max3A_1354 = vector.broadcast %max3A_1353 : f32 to vector<1024x128xf32>
    %max3A_1355 = arith.maximumf %add3A_1352, %max3A_1354 : vector<1024x128xf32>
    %mul3A_1356 = arith.mulf %select_n3A_1347, %max3A_1355 : vector<1024x128xf32>
    %get3A_1357 = arith.constant 0 : index
    %get3A_1358 = arith.constant 23 : index
    %get3A_1359 = vector.load %arg2[%get3A_1357, %get3A_1358] : memref<1024x50xi32, #tpu.memory_space<vmem>>, vector<1024x1xi32>
    %ne3A_1360 = arith.constant 0 : i32
    %ne3A_1361 = vector.broadcast %ne3A_1360 : i32 to vector<1024x1xi32>
    %ne3A_1362 = arith.cmpi ne, %get3A_1359, %ne3A_1361 : vector<1024x1xi32>
    %broadcast_in_dim3A_1363 = vector.shape_cast %ne3A_1362 : vector<1024x1xi1> to vector<1024x1xi1>
    %broadcast_in_dim3A_1364 = vector.broadcast %broadcast_in_dim3A_1363 : vector<1024x1xi1> to vector<1024x128xi1>
    %select_n3A_1365 = arith.select %broadcast_in_dim3A_1364, %add3A_1352, %select_n3A_1308 : vector<1024x128xi1>, vector<1024x128xf32>
    %broadcast_in_dim3A_1366 = vector.shape_cast %ne3A_1362 : vector<1024x1xi1> to vector<1024x1xi1>
    %broadcast_in_dim3A_1367 = vector.broadcast %broadcast_in_dim3A_1366 : vector<1024x1xi1> to vector<1024x128xi1>
    %select_n3A_1368 = arith.select %broadcast_in_dim3A_1367, %mul3A_1356, %select_n3A_1311 : vector<1024x128xi1>, vector<1024x128xf32>
    %get3A_1369 = arith.constant 24 : index
    %get3A_1370 = arith.constant 0 : index
    %get3A_1371 = arith.constant 0 : index
    %get3A_1372 = vector.load %arg1[%get3A_1369, %get3A_1370, %get3A_1371] : memref<50x1024x128xf32, #tpu.memory_space<vmem>>, vector<1x1024x128xf32>
    %get3A_1373 = vector.shape_cast %get3A_1372 : vector<1x1024x128xf32> to vector<1024x128xf32>
    %select_n3A_1374 = arith.select %lt3A_1, %get3A_1373, %select_n3A_1368 : vector<1024x128xi1>, vector<1024x128xf32>
    %dot_general3A_1375 = arith.constant dense<0.000000e+00> : vector<1024x256xf32>
    %dot_general3A_1376 = tpu.matmul %select_n3A_1374, %get3A_6, %dot_general3A_1375 {dimension_numbers = #tpu.dot_dimension_numbers<[1], [0], [0], [1], [0, 0, 1, 1], [], []>, transpose_lhs_hint = false} : vector<1024x128xf32>, vector<128x256xf32>, vector<1024x256xf32> -> vector<1024x256xf32>
    %add3A_1377 = vector.broadcast %get3A_9 : vector<1x256xf32> to vector<1024x256xf32>
    %add3A_1378 = arith.addf %dot_general3A_1376, %add3A_1377 : vector<1024x256xf32>
    %slice3A_1379 = vector.extract_strided_slice %add3A_1378 {offsets = [0, 0], sizes = [1024, 128], strides = [1, 1]} : vector<1024x256xf32> to vector<1024x128xf32>
    %slice3A_1380 = vector.extract_strided_slice %add3A_1378 {offsets = [0, 128], sizes = [1024, 128], strides = [1, 1]} : vector<1024x256xf32> to vector<1024x128xf32>
    %mul3A_1381 = arith.constant 5.000000e-01 : f32
    %mul3A_1382 = vector.broadcast %mul3A_1381 : f32 to vector<1024x128xf32>
    %mul3A_1383 = arith.mulf %mul3A_1382, %slice3A_1379 : vector<1024x128xf32>
    %tanh3A_1384 = math.tanh %mul3A_1383 : vector<1024x128xf32>
    %mul3A_1385 = arith.constant 5.000000e-01 : f32
    %mul3A_1386 = vector.broadcast %mul3A_1385 : f32 to vector<1024x128xf32>
    %mul3A_1387 = arith.mulf %mul3A_1386, %tanh3A_1384 : vector<1024x128xf32>
    %add3A_1388 = arith.constant 5.000000e-01 : f32
    %add3A_1389 = vector.broadcast %add3A_1388 : f32 to vector<1024x128xf32>
    %add3A_1390 = arith.addf %mul3A_1387, %add3A_1389 : vector<1024x128xf32>
    %max3A_1391 = arith.constant 0.000000e+00 : f32
    %max3A_1392 = vector.broadcast %max3A_1391 : f32 to vector<1024x128xf32>
    %max3A_1393 = arith.maximumf %slice3A_1380, %max3A_1392 : vector<1024x128xf32>
    %mul3A_1394 = arith.constant 5.000000e-01 : f32
    %mul3A_1395 = vector.broadcast %mul3A_1394 : f32 to vector<1024x128xf32>
    %mul3A_1396 = arith.mulf %mul3A_1395, %slice3A_1380 : vector<1024x128xf32>
    %tanh3A_1397 = math.tanh %mul3A_1396 : vector<1024x128xf32>
    %mul3A_1398 = arith.constant 5.000000e-01 : f32
    %mul3A_1399 = vector.broadcast %mul3A_1398 : f32 to vector<1024x128xf32>
    %mul3A_1400 = arith.mulf %mul3A_1399, %tanh3A_1397 : vector<1024x128xf32>
    %add3A_1401 = arith.constant 5.000000e-01 : f32
    %add3A_1402 = vector.broadcast %add3A_1401 : f32 to vector<1024x128xf32>
    %add3A_1403 = arith.addf %mul3A_1400, %add3A_1402 : vector<1024x128xf32>
    %select_n3A_1404 = arith.select %lt3A_1, %max3A_1393, %add3A_1403 : vector<1024x128xi1>, vector<1024x128xf32>
    %mul3A_1405 = arith.mulf %add3A_1390, %select_n3A_1404 : vector<1024x128xf32>
    %mul3A_1406 = arith.mulf %add3A_1390, %select_n3A_1365 : vector<1024x128xf32>
    %roll3A_1407 = arith.constant 64 : i32
    %roll3A_1408 = tpu.dynamic_rotate %mul3A_1405 by %roll3A_1407 dim 1 : vector<1024x128xf32>, i32 -> vector<1024x128xf32>
    %add3A_1409 = arith.addf %mul3A_1406, %roll3A_1408 : vector<1024x128xf32>
    %max3A_1410 = arith.constant 0.000000e+00 : f32
    %max3A_1411 = vector.broadcast %max3A_1410 : f32 to vector<1024x128xf32>
    %max3A_1412 = arith.maximumf %add3A_1409, %max3A_1411 : vector<1024x128xf32>
    %mul3A_1413 = arith.mulf %select_n3A_1404, %max3A_1412 : vector<1024x128xf32>
    %get3A_1414 = arith.constant 0 : index
    %get3A_1415 = arith.constant 24 : index
    %get3A_1416 = vector.load %arg2[%get3A_1414, %get3A_1415] : memref<1024x50xi32, #tpu.memory_space<vmem>>, vector<1024x1xi32>
    %ne3A_1417 = arith.constant 0 : i32
    %ne3A_1418 = vector.broadcast %ne3A_1417 : i32 to vector<1024x1xi32>
    %ne3A_1419 = arith.cmpi ne, %get3A_1416, %ne3A_1418 : vector<1024x1xi32>
    %broadcast_in_dim3A_1420 = vector.shape_cast %ne3A_1419 : vector<1024x1xi1> to vector<1024x1xi1>
    %broadcast_in_dim3A_1421 = vector.broadcast %broadcast_in_dim3A_1420 : vector<1024x1xi1> to vector<1024x128xi1>
    %select_n3A_1422 = arith.select %broadcast_in_dim3A_1421, %add3A_1409, %select_n3A_1365 : vector<1024x128xi1>, vector<1024x128xf32>
    %broadcast_in_dim3A_1423 = vector.shape_cast %ne3A_1419 : vector<1024x1xi1> to vector<1024x1xi1>
    %broadcast_in_dim3A_1424 = vector.broadcast %broadcast_in_dim3A_1423 : vector<1024x1xi1> to vector<1024x128xi1>
    %select_n3A_1425 = arith.select %broadcast_in_dim3A_1424, %mul3A_1413, %select_n3A_1368 : vector<1024x128xi1>, vector<1024x128xf32>
    %get3A_1426 = arith.constant 25 : index
    %get3A_1427 = arith.constant 0 : index
    %get3A_1428 = arith.constant 0 : index
    %get3A_1429 = vector.load %arg1[%get3A_1426, %get3A_1427, %get3A_1428] : memref<50x1024x128xf32, #tpu.memory_space<vmem>>, vector<1x1024x128xf32>
    %get3A_1430 = vector.shape_cast %get3A_1429 : vector<1x1024x128xf32> to vector<1024x128xf32>
    %select_n3A_1431 = arith.select %lt3A_1, %get3A_1430, %select_n3A_1425 : vector<1024x128xi1>, vector<1024x128xf32>
    %dot_general3A_1432 = arith.constant dense<0.000000e+00> : vector<1024x256xf32>
    %dot_general3A_1433 = tpu.matmul %select_n3A_1431, %get3A_6, %dot_general3A_1432 {dimension_numbers = #tpu.dot_dimension_numbers<[1], [0], [0], [1], [0, 0, 1, 1], [], []>, transpose_lhs_hint = false} : vector<1024x128xf32>, vector<128x256xf32>, vector<1024x256xf32> -> vector<1024x256xf32>
    %add3A_1434 = vector.broadcast %get3A_9 : vector<1x256xf32> to vector<1024x256xf32>
    %add3A_1435 = arith.addf %dot_general3A_1433, %add3A_1434 : vector<1024x256xf32>
    %slice3A_1436 = vector.extract_strided_slice %add3A_1435 {offsets = [0, 0], sizes = [1024, 128], strides = [1, 1]} : vector<1024x256xf32> to vector<1024x128xf32>
    %slice3A_1437 = vector.extract_strided_slice %add3A_1435 {offsets = [0, 128], sizes = [1024, 128], strides = [1, 1]} : vector<1024x256xf32> to vector<1024x128xf32>
    %mul3A_1438 = arith.constant 5.000000e-01 : f32
    %mul3A_1439 = vector.broadcast %mul3A_1438 : f32 to vector<1024x128xf32>
    %mul3A_1440 = arith.mulf %mul3A_1439, %slice3A_1436 : vector<1024x128xf32>
    %tanh3A_1441 = math.tanh %mul3A_1440 : vector<1024x128xf32>
    %mul3A_1442 = arith.constant 5.000000e-01 : f32
    %mul3A_1443 = vector.broadcast %mul3A_1442 : f32 to vector<1024x128xf32>
    %mul3A_1444 = arith.mulf %mul3A_1443, %tanh3A_1441 : vector<1024x128xf32>
    %add3A_1445 = arith.constant 5.000000e-01 : f32
    %add3A_1446 = vector.broadcast %add3A_1445 : f32 to vector<1024x128xf32>
    %add3A_1447 = arith.addf %mul3A_1444, %add3A_1446 : vector<1024x128xf32>
    %max3A_1448 = arith.constant 0.000000e+00 : f32
    %max3A_1449 = vector.broadcast %max3A_1448 : f32 to vector<1024x128xf32>
    %max3A_1450 = arith.maximumf %slice3A_1437, %max3A_1449 : vector<1024x128xf32>
    %mul3A_1451 = arith.constant 5.000000e-01 : f32
    %mul3A_1452 = vector.broadcast %mul3A_1451 : f32 to vector<1024x128xf32>
    %mul3A_1453 = arith.mulf %mul3A_1452, %slice3A_1437 : vector<1024x128xf32>
    %tanh3A_1454 = math.tanh %mul3A_1453 : vector<1024x128xf32>
    %mul3A_1455 = arith.constant 5.000000e-01 : f32
    %mul3A_1456 = vector.broadcast %mul3A_1455 : f32 to vector<1024x128xf32>
    %mul3A_1457 = arith.mulf %mul3A_1456, %tanh3A_1454 : vector<1024x128xf32>
    %add3A_1458 = arith.constant 5.000000e-01 : f32
    %add3A_1459 = vector.broadcast %add3A_1458 : f32 to vector<1024x128xf32>
    %add3A_1460 = arith.addf %mul3A_1457, %add3A_1459 : vector<1024x128xf32>
    %select_n3A_1461 = arith.select %lt3A_1, %max3A_1450, %add3A_1460 : vector<1024x128xi1>, vector<1024x128xf32>
    %mul3A_1462 = arith.mulf %add3A_1447, %select_n3A_1461 : vector<1024x128xf32>
    %mul3A_1463 = arith.mulf %add3A_1447, %select_n3A_1422 : vector<1024x128xf32>
    %roll3A_1464 = arith.constant 64 : i32
    %roll3A_1465 = tpu.dynamic_rotate %mul3A_1462 by %roll3A_1464 dim 1 : vector<1024x128xf32>, i32 -> vector<1024x128xf32>
    %add3A_1466 = arith.addf %mul3A_1463, %roll3A_1465 : vector<1024x128xf32>
    %max3A_1467 = arith.constant 0.000000e+00 : f32
    %max3A_1468 = vector.broadcast %max3A_1467 : f32 to vector<1024x128xf32>
    %max3A_1469 = arith.maximumf %add3A_1466, %max3A_1468 : vector<1024x128xf32>
    %mul3A_1470 = arith.mulf %select_n3A_1461, %max3A_1469 : vector<1024x128xf32>
    %get3A_1471 = arith.constant 0 : index
    %get3A_1472 = arith.constant 25 : index
    %get3A_1473 = vector.load %arg2[%get3A_1471, %get3A_1472] : memref<1024x50xi32, #tpu.memory_space<vmem>>, vector<1024x1xi32>
    %ne3A_1474 = arith.constant 0 : i32
    %ne3A_1475 = vector.broadcast %ne3A_1474 : i32 to vector<1024x1xi32>
    %ne3A_1476 = arith.cmpi ne, %get3A_1473, %ne3A_1475 : vector<1024x1xi32>
    %broadcast_in_dim3A_1477 = vector.shape_cast %ne3A_1476 : vector<1024x1xi1> to vector<1024x1xi1>
    %broadcast_in_dim3A_1478 = vector.broadcast %broadcast_in_dim3A_1477 : vector<1024x1xi1> to vector<1024x128xi1>
    %select_n3A_1479 = arith.select %broadcast_in_dim3A_1478, %add3A_1466, %select_n3A_1422 : vector<1024x128xi1>, vector<1024x128xf32>
    %broadcast_in_dim3A_1480 = vector.shape_cast %ne3A_1476 : vector<1024x1xi1> to vector<1024x1xi1>
    %broadcast_in_dim3A_1481 = vector.broadcast %broadcast_in_dim3A_1480 : vector<1024x1xi1> to vector<1024x128xi1>
    %select_n3A_1482 = arith.select %broadcast_in_dim3A_1481, %mul3A_1470, %select_n3A_1425 : vector<1024x128xi1>, vector<1024x128xf32>
    %get3A_1483 = arith.constant 26 : index
    %get3A_1484 = arith.constant 0 : index
    %get3A_1485 = arith.constant 0 : index
    %get3A_1486 = vector.load %arg1[%get3A_1483, %get3A_1484, %get3A_1485] : memref<50x1024x128xf32, #tpu.memory_space<vmem>>, vector<1x1024x128xf32>
    %get3A_1487 = vector.shape_cast %get3A_1486 : vector<1x1024x128xf32> to vector<1024x128xf32>
    %select_n3A_1488 = arith.select %lt3A_1, %get3A_1487, %select_n3A_1482 : vector<1024x128xi1>, vector<1024x128xf32>
    %dot_general3A_1489 = arith.constant dense<0.000000e+00> : vector<1024x256xf32>
    %dot_general3A_1490 = tpu.matmul %select_n3A_1488, %get3A_6, %dot_general3A_1489 {dimension_numbers = #tpu.dot_dimension_numbers<[1], [0], [0], [1], [0, 0, 1, 1], [], []>, transpose_lhs_hint = false} : vector<1024x128xf32>, vector<128x256xf32>, vector<1024x256xf32> -> vector<1024x256xf32>
    %add3A_1491 = vector.broadcast %get3A_9 : vector<1x256xf32> to vector<1024x256xf32>
    %add3A_1492 = arith.addf %dot_general3A_1490, %add3A_1491 : vector<1024x256xf32>
    %slice3A_1493 = vector.extract_strided_slice %add3A_1492 {offsets = [0, 0], sizes = [1024, 128], strides = [1, 1]} : vector<1024x256xf32> to vector<1024x128xf32>
    %slice3A_1494 = vector.extract_strided_slice %add3A_1492 {offsets = [0, 128], sizes = [1024, 128], strides = [1, 1]} : vector<1024x256xf32> to vector<1024x128xf32>
    %mul3A_1495 = arith.constant 5.000000e-01 : f32
    %mul3A_1496 = vector.broadcast %mul3A_1495 : f32 to vector<1024x128xf32>
    %mul3A_1497 = arith.mulf %mul3A_1496, %slice3A_1493 : vector<1024x128xf32>
    %tanh3A_1498 = math.tanh %mul3A_1497 : vector<1024x128xf32>
    %mul3A_1499 = arith.constant 5.000000e-01 : f32
    %mul3A_1500 = vector.broadcast %mul3A_1499 : f32 to vector<1024x128xf32>
    %mul3A_1501 = arith.mulf %mul3A_1500, %tanh3A_1498 : vector<1024x128xf32>
    %add3A_1502 = arith.constant 5.000000e-01 : f32
    %add3A_1503 = vector.broadcast %add3A_1502 : f32 to vector<1024x128xf32>
    %add3A_1504 = arith.addf %mul3A_1501, %add3A_1503 : vector<1024x128xf32>
    %max3A_1505 = arith.constant 0.000000e+00 : f32
    %max3A_1506 = vector.broadcast %max3A_1505 : f32 to vector<1024x128xf32>
    %max3A_1507 = arith.maximumf %slice3A_1494, %max3A_1506 : vector<1024x128xf32>
    %mul3A_1508 = arith.constant 5.000000e-01 : f32
    %mul3A_1509 = vector.broadcast %mul3A_1508 : f32 to vector<1024x128xf32>
    %mul3A_1510 = arith.mulf %mul3A_1509, %slice3A_1494 : vector<1024x128xf32>
    %tanh3A_1511 = math.tanh %mul3A_1510 : vector<1024x128xf32>
    %mul3A_1512 = arith.constant 5.000000e-01 : f32
    %mul3A_1513 = vector.broadcast %mul3A_1512 : f32 to vector<1024x128xf32>
    %mul3A_1514 = arith.mulf %mul3A_1513, %tanh3A_1511 : vector<1024x128xf32>
    %add3A_1515 = arith.constant 5.000000e-01 : f32
    %add3A_1516 = vector.broadcast %add3A_1515 : f32 to vector<1024x128xf32>
    %add3A_1517 = arith.addf %mul3A_1514, %add3A_1516 : vector<1024x128xf32>
    %select_n3A_1518 = arith.select %lt3A_1, %max3A_1507, %add3A_1517 : vector<1024x128xi1>, vector<1024x128xf32>
    %mul3A_1519 = arith.mulf %add3A_1504, %select_n3A_1518 : vector<1024x128xf32>
    %mul3A_1520 = arith.mulf %add3A_1504, %select_n3A_1479 : vector<1024x128xf32>
    %roll3A_1521 = arith.constant 64 : i32
    %roll3A_1522 = tpu.dynamic_rotate %mul3A_1519 by %roll3A_1521 dim 1 : vector<1024x128xf32>, i32 -> vector<1024x128xf32>
    %add3A_1523 = arith.addf %mul3A_1520, %roll3A_1522 : vector<1024x128xf32>
    %max3A_1524 = arith.constant 0.000000e+00 : f32
    %max3A_1525 = vector.broadcast %max3A_1524 : f32 to vector<1024x128xf32>
    %max3A_1526 = arith.maximumf %add3A_1523, %max3A_1525 : vector<1024x128xf32>
    %mul3A_1527 = arith.mulf %select_n3A_1518, %max3A_1526 : vector<1024x128xf32>
    %get3A_1528 = arith.constant 0 : index
    %get3A_1529 = arith.constant 26 : index
    %get3A_1530 = vector.load %arg2[%get3A_1528, %get3A_1529] : memref<1024x50xi32, #tpu.memory_space<vmem>>, vector<1024x1xi32>
    %ne3A_1531 = arith.constant 0 : i32
    %ne3A_1532 = vector.broadcast %ne3A_1531 : i32 to vector<1024x1xi32>
    %ne3A_1533 = arith.cmpi ne, %get3A_1530, %ne3A_1532 : vector<1024x1xi32>
    %broadcast_in_dim3A_1534 = vector.shape_cast %ne3A_1533 : vector<1024x1xi1> to vector<1024x1xi1>
    %broadcast_in_dim3A_1535 = vector.broadcast %broadcast_in_dim3A_1534 : vector<1024x1xi1> to vector<1024x128xi1>
    %select_n3A_1536 = arith.select %broadcast_in_dim3A_1535, %add3A_1523, %select_n3A_1479 : vector<1024x128xi1>, vector<1024x128xf32>
    %broadcast_in_dim3A_1537 = vector.shape_cast %ne3A_1533 : vector<1024x1xi1> to vector<1024x1xi1>
    %broadcast_in_dim3A_1538 = vector.broadcast %broadcast_in_dim3A_1537 : vector<1024x1xi1> to vector<1024x128xi1>
    %select_n3A_1539 = arith.select %broadcast_in_dim3A_1538, %mul3A_1527, %select_n3A_1482 : vector<1024x128xi1>, vector<1024x128xf32>
    %get3A_1540 = arith.constant 27 : index
    %get3A_1541 = arith.constant 0 : index
    %get3A_1542 = arith.constant 0 : index
    %get3A_1543 = vector.load %arg1[%get3A_1540, %get3A_1541, %get3A_1542] : memref<50x1024x128xf32, #tpu.memory_space<vmem>>, vector<1x1024x128xf32>
    %get3A_1544 = vector.shape_cast %get3A_1543 : vector<1x1024x128xf32> to vector<1024x128xf32>
    %select_n3A_1545 = arith.select %lt3A_1, %get3A_1544, %select_n3A_1539 : vector<1024x128xi1>, vector<1024x128xf32>
    %dot_general3A_1546 = arith.constant dense<0.000000e+00> : vector<1024x256xf32>
    %dot_general3A_1547 = tpu.matmul %select_n3A_1545, %get3A_6, %dot_general3A_1546 {dimension_numbers = #tpu.dot_dimension_numbers<[1], [0], [0], [1], [0, 0, 1, 1], [], []>, transpose_lhs_hint = false} : vector<1024x128xf32>, vector<128x256xf32>, vector<1024x256xf32> -> vector<1024x256xf32>
    %add3A_1548 = vector.broadcast %get3A_9 : vector<1x256xf32> to vector<1024x256xf32>
    %add3A_1549 = arith.addf %dot_general3A_1547, %add3A_1548 : vector<1024x256xf32>
    %slice3A_1550 = vector.extract_strided_slice %add3A_1549 {offsets = [0, 0], sizes = [1024, 128], strides = [1, 1]} : vector<1024x256xf32> to vector<1024x128xf32>
    %slice3A_1551 = vector.extract_strided_slice %add3A_1549 {offsets = [0, 128], sizes = [1024, 128], strides = [1, 1]} : vector<1024x256xf32> to vector<1024x128xf32>
    %mul3A_1552 = arith.constant 5.000000e-01 : f32
    %mul3A_1553 = vector.broadcast %mul3A_1552 : f32 to vector<1024x128xf32>
    %mul3A_1554 = arith.mulf %mul3A_1553, %slice3A_1550 : vector<1024x128xf32>
    %tanh3A_1555 = math.tanh %mul3A_1554 : vector<1024x128xf32>
    %mul3A_1556 = arith.constant 5.000000e-01 : f32
    %mul3A_1557 = vector.broadcast %mul3A_1556 : f32 to vector<1024x128xf32>
    %mul3A_1558 = arith.mulf %mul3A_1557, %tanh3A_1555 : vector<1024x128xf32>
    %add3A_1559 = arith.constant 5.000000e-01 : f32
    %add3A_1560 = vector.broadcast %add3A_1559 : f32 to vector<1024x128xf32>
    %add3A_1561 = arith.addf %mul3A_1558, %add3A_1560 : vector<1024x128xf32>
    %max3A_1562 = arith.constant 0.000000e+00 : f32
    %max3A_1563 = vector.broadcast %max3A_1562 : f32 to vector<1024x128xf32>
    %max3A_1564 = arith.maximumf %slice3A_1551, %max3A_1563 : vector<1024x128xf32>
    %mul3A_1565 = arith.constant 5.000000e-01 : f32
    %mul3A_1566 = vector.broadcast %mul3A_1565 : f32 to vector<1024x128xf32>
    %mul3A_1567 = arith.mulf %mul3A_1566, %slice3A_1551 : vector<1024x128xf32>
    %tanh3A_1568 = math.tanh %mul3A_1567 : vector<1024x128xf32>
    %mul3A_1569 = arith.constant 5.000000e-01 : f32
    %mul3A_1570 = vector.broadcast %mul3A_1569 : f32 to vector<1024x128xf32>
    %mul3A_1571 = arith.mulf %mul3A_1570, %tanh3A_1568 : vector<1024x128xf32>
    %add3A_1572 = arith.constant 5.000000e-01 : f32
    %add3A_1573 = vector.broadcast %add3A_1572 : f32 to vector<1024x128xf32>
    %add3A_1574 = arith.addf %mul3A_1571, %add3A_1573 : vector<1024x128xf32>
    %select_n3A_1575 = arith.select %lt3A_1, %max3A_1564, %add3A_1574 : vector<1024x128xi1>, vector<1024x128xf32>
    %mul3A_1576 = arith.mulf %add3A_1561, %select_n3A_1575 : vector<1024x128xf32>
    %mul3A_1577 = arith.mulf %add3A_1561, %select_n3A_1536 : vector<1024x128xf32>
    %roll3A_1578 = arith.constant 64 : i32
    %roll3A_1579 = tpu.dynamic_rotate %mul3A_1576 by %roll3A_1578 dim 1 : vector<1024x128xf32>, i32 -> vector<1024x128xf32>
    %add3A_1580 = arith.addf %mul3A_1577, %roll3A_1579 : vector<1024x128xf32>
    %max3A_1581 = arith.constant 0.000000e+00 : f32
    %max3A_1582 = vector.broadcast %max3A_1581 : f32 to vector<1024x128xf32>
    %max3A_1583 = arith.maximumf %add3A_1580, %max3A_1582 : vector<1024x128xf32>
    %mul3A_1584 = arith.mulf %select_n3A_1575, %max3A_1583 : vector<1024x128xf32>
    %get3A_1585 = arith.constant 0 : index
    %get3A_1586 = arith.constant 27 : index
    %get3A_1587 = vector.load %arg2[%get3A_1585, %get3A_1586] : memref<1024x50xi32, #tpu.memory_space<vmem>>, vector<1024x1xi32>
    %ne3A_1588 = arith.constant 0 : i32
    %ne3A_1589 = vector.broadcast %ne3A_1588 : i32 to vector<1024x1xi32>
    %ne3A_1590 = arith.cmpi ne, %get3A_1587, %ne3A_1589 : vector<1024x1xi32>
    %broadcast_in_dim3A_1591 = vector.shape_cast %ne3A_1590 : vector<1024x1xi1> to vector<1024x1xi1>
    %broadcast_in_dim3A_1592 = vector.broadcast %broadcast_in_dim3A_1591 : vector<1024x1xi1> to vector<1024x128xi1>
    %select_n3A_1593 = arith.select %broadcast_in_dim3A_1592, %add3A_1580, %select_n3A_1536 : vector<1024x128xi1>, vector<1024x128xf32>
    %broadcast_in_dim3A_1594 = vector.shape_cast %ne3A_1590 : vector<1024x1xi1> to vector<1024x1xi1>
    %broadcast_in_dim3A_1595 = vector.broadcast %broadcast_in_dim3A_1594 : vector<1024x1xi1> to vector<1024x128xi1>
    %select_n3A_1596 = arith.select %broadcast_in_dim3A_1595, %mul3A_1584, %select_n3A_1539 : vector<1024x128xi1>, vector<1024x128xf32>
    %get3A_1597 = arith.constant 28 : index
    %get3A_1598 = arith.constant 0 : index
    %get3A_1599 = arith.constant 0 : index
    %get3A_1600 = vector.load %arg1[%get3A_1597, %get3A_1598, %get3A_1599] : memref<50x1024x128xf32, #tpu.memory_space<vmem>>, vector<1x1024x128xf32>
    %get3A_1601 = vector.shape_cast %get3A_1600 : vector<1x1024x128xf32> to vector<1024x128xf32>
    %select_n3A_1602 = arith.select %lt3A_1, %get3A_1601, %select_n3A_1596 : vector<1024x128xi1>, vector<1024x128xf32>
    %dot_general3A_1603 = arith.constant dense<0.000000e+00> : vector<1024x256xf32>
    %dot_general3A_1604 = tpu.matmul %select_n3A_1602, %get3A_6, %dot_general3A_1603 {dimension_numbers = #tpu.dot_dimension_numbers<[1], [0], [0], [1], [0, 0, 1, 1], [], []>, transpose_lhs_hint = false} : vector<1024x128xf32>, vector<128x256xf32>, vector<1024x256xf32> -> vector<1024x256xf32>
    %add3A_1605 = vector.broadcast %get3A_9 : vector<1x256xf32> to vector<1024x256xf32>
    %add3A_1606 = arith.addf %dot_general3A_1604, %add3A_1605 : vector<1024x256xf32>
    %slice3A_1607 = vector.extract_strided_slice %add3A_1606 {offsets = [0, 0], sizes = [1024, 128], strides = [1, 1]} : vector<1024x256xf32> to vector<1024x128xf32>
    %slice3A_1608 = vector.extract_strided_slice %add3A_1606 {offsets = [0, 128], sizes = [1024, 128], strides = [1, 1]} : vector<1024x256xf32> to vector<1024x128xf32>
    %mul3A_1609 = arith.constant 5.000000e-01 : f32
    %mul3A_1610 = vector.broadcast %mul3A_1609 : f32 to vector<1024x128xf32>
    %mul3A_1611 = arith.mulf %mul3A_1610, %slice3A_1607 : vector<1024x128xf32>
    %tanh3A_1612 = math.tanh %mul3A_1611 : vector<1024x128xf32>
    %mul3A_1613 = arith.constant 5.000000e-01 : f32
    %mul3A_1614 = vector.broadcast %mul3A_1613 : f32 to vector<1024x128xf32>
    %mul3A_1615 = arith.mulf %mul3A_1614, %tanh3A_1612 : vector<1024x128xf32>
    %add3A_1616 = arith.constant 5.000000e-01 : f32
    %add3A_1617 = vector.broadcast %add3A_1616 : f32 to vector<1024x128xf32>
    %add3A_1618 = arith.addf %mul3A_1615, %add3A_1617 : vector<1024x128xf32>
    %max3A_1619 = arith.constant 0.000000e+00 : f32
    %max3A_1620 = vector.broadcast %max3A_1619 : f32 to vector<1024x128xf32>
    %max3A_1621 = arith.maximumf %slice3A_1608, %max3A_1620 : vector<1024x128xf32>
    %mul3A_1622 = arith.constant 5.000000e-01 : f32
    %mul3A_1623 = vector.broadcast %mul3A_1622 : f32 to vector<1024x128xf32>
    %mul3A_1624 = arith.mulf %mul3A_1623, %slice3A_1608 : vector<1024x128xf32>
    %tanh3A_1625 = math.tanh %mul3A_1624 : vector<1024x128xf32>
    %mul3A_1626 = arith.constant 5.000000e-01 : f32
    %mul3A_1627 = vector.broadcast %mul3A_1626 : f32 to vector<1024x128xf32>
    %mul3A_1628 = arith.mulf %mul3A_1627, %tanh3A_1625 : vector<1024x128xf32>
    %add3A_1629 = arith.constant 5.000000e-01 : f32
    %add3A_1630 = vector.broadcast %add3A_1629 : f32 to vector<1024x128xf32>
    %add3A_1631 = arith.addf %mul3A_1628, %add3A_1630 : vector<1024x128xf32>
    %select_n3A_1632 = arith.select %lt3A_1, %max3A_1621, %add3A_1631 : vector<1024x128xi1>, vector<1024x128xf32>
    %mul3A_1633 = arith.mulf %add3A_1618, %select_n3A_1632 : vector<1024x128xf32>
    %mul3A_1634 = arith.mulf %add3A_1618, %select_n3A_1593 : vector<1024x128xf32>
    %roll3A_1635 = arith.constant 64 : i32
    %roll3A_1636 = tpu.dynamic_rotate %mul3A_1633 by %roll3A_1635 dim 1 : vector<1024x128xf32>, i32 -> vector<1024x128xf32>
    %add3A_1637 = arith.addf %mul3A_1634, %roll3A_1636 : vector<1024x128xf32>
    %max3A_1638 = arith.constant 0.000000e+00 : f32
    %max3A_1639 = vector.broadcast %max3A_1638 : f32 to vector<1024x128xf32>
    %max3A_1640 = arith.maximumf %add3A_1637, %max3A_1639 : vector<1024x128xf32>
    %mul3A_1641 = arith.mulf %select_n3A_1632, %max3A_1640 : vector<1024x128xf32>
    %get3A_1642 = arith.constant 0 : index
    %get3A_1643 = arith.constant 28 : index
    %get3A_1644 = vector.load %arg2[%get3A_1642, %get3A_1643] : memref<1024x50xi32, #tpu.memory_space<vmem>>, vector<1024x1xi32>
    %ne3A_1645 = arith.constant 0 : i32
    %ne3A_1646 = vector.broadcast %ne3A_1645 : i32 to vector<1024x1xi32>
    %ne3A_1647 = arith.cmpi ne, %get3A_1644, %ne3A_1646 : vector<1024x1xi32>
    %broadcast_in_dim3A_1648 = vector.shape_cast %ne3A_1647 : vector<1024x1xi1> to vector<1024x1xi1>
    %broadcast_in_dim3A_1649 = vector.broadcast %broadcast_in_dim3A_1648 : vector<1024x1xi1> to vector<1024x128xi1>
    %select_n3A_1650 = arith.select %broadcast_in_dim3A_1649, %add3A_1637, %select_n3A_1593 : vector<1024x128xi1>, vector<1024x128xf32>
    %broadcast_in_dim3A_1651 = vector.shape_cast %ne3A_1647 : vector<1024x1xi1> to vector<1024x1xi1>
    %broadcast_in_dim3A_1652 = vector.broadcast %broadcast_in_dim3A_1651 : vector<1024x1xi1> to vector<1024x128xi1>
    %select_n3A_1653 = arith.select %broadcast_in_dim3A_1652, %mul3A_1641, %select_n3A_1596 : vector<1024x128xi1>, vector<1024x128xf32>
    %get3A_1654 = arith.constant 29 : index
    %get3A_1655 = arith.constant 0 : index
    %get3A_1656 = arith.constant 0 : index
    %get3A_1657 = vector.load %arg1[%get3A_1654, %get3A_1655, %get3A_1656] : memref<50x1024x128xf32, #tpu.memory_space<vmem>>, vector<1x1024x128xf32>
    %get3A_1658 = vector.shape_cast %get3A_1657 : vector<1x1024x128xf32> to vector<1024x128xf32>
    %select_n3A_1659 = arith.select %lt3A_1, %get3A_1658, %select_n3A_1653 : vector<1024x128xi1>, vector<1024x128xf32>
    %dot_general3A_1660 = arith.constant dense<0.000000e+00> : vector<1024x256xf32>
    %dot_general3A_1661 = tpu.matmul %select_n3A_1659, %get3A_6, %dot_general3A_1660 {dimension_numbers = #tpu.dot_dimension_numbers<[1], [0], [0], [1], [0, 0, 1, 1], [], []>, transpose_lhs_hint = false} : vector<1024x128xf32>, vector<128x256xf32>, vector<1024x256xf32> -> vector<1024x256xf32>
    %add3A_1662 = vector.broadcast %get3A_9 : vector<1x256xf32> to vector<1024x256xf32>
    %add3A_1663 = arith.addf %dot_general3A_1661, %add3A_1662 : vector<1024x256xf32>
    %slice3A_1664 = vector.extract_strided_slice %add3A_1663 {offsets = [0, 0], sizes = [1024, 128], strides = [1, 1]} : vector<1024x256xf32> to vector<1024x128xf32>
    %slice3A_1665 = vector.extract_strided_slice %add3A_1663 {offsets = [0, 128], sizes = [1024, 128], strides = [1, 1]} : vector<1024x256xf32> to vector<1024x128xf32>
    %mul3A_1666 = arith.constant 5.000000e-01 : f32
    %mul3A_1667 = vector.broadcast %mul3A_1666 : f32 to vector<1024x128xf32>
    %mul3A_1668 = arith.mulf %mul3A_1667, %slice3A_1664 : vector<1024x128xf32>
    %tanh3A_1669 = math.tanh %mul3A_1668 : vector<1024x128xf32>
    %mul3A_1670 = arith.constant 5.000000e-01 : f32
    %mul3A_1671 = vector.broadcast %mul3A_1670 : f32 to vector<1024x128xf32>
    %mul3A_1672 = arith.mulf %mul3A_1671, %tanh3A_1669 : vector<1024x128xf32>
    %add3A_1673 = arith.constant 5.000000e-01 : f32
    %add3A_1674 = vector.broadcast %add3A_1673 : f32 to vector<1024x128xf32>
    %add3A_1675 = arith.addf %mul3A_1672, %add3A_1674 : vector<1024x128xf32>
    %max3A_1676 = arith.constant 0.000000e+00 : f32
    %max3A_1677 = vector.broadcast %max3A_1676 : f32 to vector<1024x128xf32>
    %max3A_1678 = arith.maximumf %slice3A_1665, %max3A_1677 : vector<1024x128xf32>
    %mul3A_1679 = arith.constant 5.000000e-01 : f32
    %mul3A_1680 = vector.broadcast %mul3A_1679 : f32 to vector<1024x128xf32>
    %mul3A_1681 = arith.mulf %mul3A_1680, %slice3A_1665 : vector<1024x128xf32>
    %tanh3A_1682 = math.tanh %mul3A_1681 : vector<1024x128xf32>
    %mul3A_1683 = arith.constant 5.000000e-01 : f32
    %mul3A_1684 = vector.broadcast %mul3A_1683 : f32 to vector<1024x128xf32>
    %mul3A_1685 = arith.mulf %mul3A_1684, %tanh3A_1682 : vector<1024x128xf32>
    %add3A_1686 = arith.constant 5.000000e-01 : f32
    %add3A_1687 = vector.broadcast %add3A_1686 : f32 to vector<1024x128xf32>
    %add3A_1688 = arith.addf %mul3A_1685, %add3A_1687 : vector<1024x128xf32>
    %select_n3A_1689 = arith.select %lt3A_1, %max3A_1678, %add3A_1688 : vector<1024x128xi1>, vector<1024x128xf32>
    %mul3A_1690 = arith.mulf %add3A_1675, %select_n3A_1689 : vector<1024x128xf32>
    %mul3A_1691 = arith.mulf %add3A_1675, %select_n3A_1650 : vector<1024x128xf32>
    %roll3A_1692 = arith.constant 64 : i32
    %roll3A_1693 = tpu.dynamic_rotate %mul3A_1690 by %roll3A_1692 dim 1 : vector<1024x128xf32>, i32 -> vector<1024x128xf32>
    %add3A_1694 = arith.addf %mul3A_1691, %roll3A_1693 : vector<1024x128xf32>
    %max3A_1695 = arith.constant 0.000000e+00 : f32
    %max3A_1696 = vector.broadcast %max3A_1695 : f32 to vector<1024x128xf32>
    %max3A_1697 = arith.maximumf %add3A_1694, %max3A_1696 : vector<1024x128xf32>
    %mul3A_1698 = arith.mulf %select_n3A_1689, %max3A_1697 : vector<1024x128xf32>
    %get3A_1699 = arith.constant 0 : index
    %get3A_1700 = arith.constant 29 : index
    %get3A_1701 = vector.load %arg2[%get3A_1699, %get3A_1700] : memref<1024x50xi32, #tpu.memory_space<vmem>>, vector<1024x1xi32>
    %ne3A_1702 = arith.constant 0 : i32
    %ne3A_1703 = vector.broadcast %ne3A_1702 : i32 to vector<1024x1xi32>
    %ne3A_1704 = arith.cmpi ne, %get3A_1701, %ne3A_1703 : vector<1024x1xi32>
    %broadcast_in_dim3A_1705 = vector.shape_cast %ne3A_1704 : vector<1024x1xi1> to vector<1024x1xi1>
    %broadcast_in_dim3A_1706 = vector.broadcast %broadcast_in_dim3A_1705 : vector<1024x1xi1> to vector<1024x128xi1>
    %select_n3A_1707 = arith.select %broadcast_in_dim3A_1706, %add3A_1694, %select_n3A_1650 : vector<1024x128xi1>, vector<1024x128xf32>
    %broadcast_in_dim3A_1708 = vector.shape_cast %ne3A_1704 : vector<1024x1xi1> to vector<1024x1xi1>
    %broadcast_in_dim3A_1709 = vector.broadcast %broadcast_in_dim3A_1708 : vector<1024x1xi1> to vector<1024x128xi1>
    %select_n3A_1710 = arith.select %broadcast_in_dim3A_1709, %mul3A_1698, %select_n3A_1653 : vector<1024x128xi1>, vector<1024x128xf32>
    %get3A_1711 = arith.constant 30 : index
    %get3A_1712 = arith.constant 0 : index
    %get3A_1713 = arith.constant 0 : index
    %get3A_1714 = vector.load %arg1[%get3A_1711, %get3A_1712, %get3A_1713] : memref<50x1024x128xf32, #tpu.memory_space<vmem>>, vector<1x1024x128xf32>
    %get3A_1715 = vector.shape_cast %get3A_1714 : vector<1x1024x128xf32> to vector<1024x128xf32>
    %select_n3A_1716 = arith.select %lt3A_1, %get3A_1715, %select_n3A_1710 : vector<1024x128xi1>, vector<1024x128xf32>
    %dot_general3A_1717 = arith.constant dense<0.000000e+00> : vector<1024x256xf32>
    %dot_general3A_1718 = tpu.matmul %select_n3A_1716, %get3A_6, %dot_general3A_1717 {dimension_numbers = #tpu.dot_dimension_numbers<[1], [0], [0], [1], [0, 0, 1, 1], [], []>, transpose_lhs_hint = false} : vector<1024x128xf32>, vector<128x256xf32>, vector<1024x256xf32> -> vector<1024x256xf32>
    %add3A_1719 = vector.broadcast %get3A_9 : vector<1x256xf32> to vector<1024x256xf32>
    %add3A_1720 = arith.addf %dot_general3A_1718, %add3A_1719 : vector<1024x256xf32>
    %slice3A_1721 = vector.extract_strided_slice %add3A_1720 {offsets = [0, 0], sizes = [1024, 128], strides = [1, 1]} : vector<1024x256xf32> to vector<1024x128xf32>
    %slice3A_1722 = vector.extract_strided_slice %add3A_1720 {offsets = [0, 128], sizes = [1024, 128], strides = [1, 1]} : vector<1024x256xf32> to vector<1024x128xf32>
    %mul3A_1723 = arith.constant 5.000000e-01 : f32
    %mul3A_1724 = vector.broadcast %mul3A_1723 : f32 to vector<1024x128xf32>
    %mul3A_1725 = arith.mulf %mul3A_1724, %slice3A_1721 : vector<1024x128xf32>
    %tanh3A_1726 = math.tanh %mul3A_1725 : vector<1024x128xf32>
    %mul3A_1727 = arith.constant 5.000000e-01 : f32
    %mul3A_1728 = vector.broadcast %mul3A_1727 : f32 to vector<1024x128xf32>
    %mul3A_1729 = arith.mulf %mul3A_1728, %tanh3A_1726 : vector<1024x128xf32>
    %add3A_1730 = arith.constant 5.000000e-01 : f32
    %add3A_1731 = vector.broadcast %add3A_1730 : f32 to vector<1024x128xf32>
    %add3A_1732 = arith.addf %mul3A_1729, %add3A_1731 : vector<1024x128xf32>
    %max3A_1733 = arith.constant 0.000000e+00 : f32
    %max3A_1734 = vector.broadcast %max3A_1733 : f32 to vector<1024x128xf32>
    %max3A_1735 = arith.maximumf %slice3A_1722, %max3A_1734 : vector<1024x128xf32>
    %mul3A_1736 = arith.constant 5.000000e-01 : f32
    %mul3A_1737 = vector.broadcast %mul3A_1736 : f32 to vector<1024x128xf32>
    %mul3A_1738 = arith.mulf %mul3A_1737, %slice3A_1722 : vector<1024x128xf32>
    %tanh3A_1739 = math.tanh %mul3A_1738 : vector<1024x128xf32>
    %mul3A_1740 = arith.constant 5.000000e-01 : f32
    %mul3A_1741 = vector.broadcast %mul3A_1740 : f32 to vector<1024x128xf32>
    %mul3A_1742 = arith.mulf %mul3A_1741, %tanh3A_1739 : vector<1024x128xf32>
    %add3A_1743 = arith.constant 5.000000e-01 : f32
    %add3A_1744 = vector.broadcast %add3A_1743 : f32 to vector<1024x128xf32>
    %add3A_1745 = arith.addf %mul3A_1742, %add3A_1744 : vector<1024x128xf32>
    %select_n3A_1746 = arith.select %lt3A_1, %max3A_1735, %add3A_1745 : vector<1024x128xi1>, vector<1024x128xf32>
    %mul3A_1747 = arith.mulf %add3A_1732, %select_n3A_1746 : vector<1024x128xf32>
    %mul3A_1748 = arith.mulf %add3A_1732, %select_n3A_1707 : vector<1024x128xf32>
    %roll3A_1749 = arith.constant 64 : i32
    %roll3A_1750 = tpu.dynamic_rotate %mul3A_1747 by %roll3A_1749 dim 1 : vector<1024x128xf32>, i32 -> vector<1024x128xf32>
    %add3A_1751 = arith.addf %mul3A_1748, %roll3A_1750 : vector<1024x128xf32>
    %max3A_1752 = arith.constant 0.000000e+00 : f32
    %max3A_1753 = vector.broadcast %max3A_1752 : f32 to vector<1024x128xf32>
    %max3A_1754 = arith.maximumf %add3A_1751, %max3A_1753 : vector<1024x128xf32>
    %mul3A_1755 = arith.mulf %select_n3A_1746, %max3A_1754 : vector<1024x128xf32>
    %get3A_1756 = arith.constant 0 : index
    %get3A_1757 = arith.constant 30 : index
    %get3A_1758 = vector.load %arg2[%get3A_1756, %get3A_1757] : memref<1024x50xi32, #tpu.memory_space<vmem>>, vector<1024x1xi32>
    %ne3A_1759 = arith.constant 0 : i32
    %ne3A_1760 = vector.broadcast %ne3A_1759 : i32 to vector<1024x1xi32>
    %ne3A_1761 = arith.cmpi ne, %get3A_1758, %ne3A_1760 : vector<1024x1xi32>
    %broadcast_in_dim3A_1762 = vector.shape_cast %ne3A_1761 : vector<1024x1xi1> to vector<1024x1xi1>
    %broadcast_in_dim3A_1763 = vector.broadcast %broadcast_in_dim3A_1762 : vector<1024x1xi1> to vector<1024x128xi1>
    %select_n3A_1764 = arith.select %broadcast_in_dim3A_1763, %add3A_1751, %select_n3A_1707 : vector<1024x128xi1>, vector<1024x128xf32>
    %broadcast_in_dim3A_1765 = vector.shape_cast %ne3A_1761 : vector<1024x1xi1> to vector<1024x1xi1>
    %broadcast_in_dim3A_1766 = vector.broadcast %broadcast_in_dim3A_1765 : vector<1024x1xi1> to vector<1024x128xi1>
    %select_n3A_1767 = arith.select %broadcast_in_dim3A_1766, %mul3A_1755, %select_n3A_1710 : vector<1024x128xi1>, vector<1024x128xf32>
    %get3A_1768 = arith.constant 31 : index
    %get3A_1769 = arith.constant 0 : index
    %get3A_1770 = arith.constant 0 : index
    %get3A_1771 = vector.load %arg1[%get3A_1768, %get3A_1769, %get3A_1770] : memref<50x1024x128xf32, #tpu.memory_space<vmem>>, vector<1x1024x128xf32>
    %get3A_1772 = vector.shape_cast %get3A_1771 : vector<1x1024x128xf32> to vector<1024x128xf32>
    %select_n3A_1773 = arith.select %lt3A_1, %get3A_1772, %select_n3A_1767 : vector<1024x128xi1>, vector<1024x128xf32>
    %dot_general3A_1774 = arith.constant dense<0.000000e+00> : vector<1024x256xf32>
    %dot_general3A_1775 = tpu.matmul %select_n3A_1773, %get3A_6, %dot_general3A_1774 {dimension_numbers = #tpu.dot_dimension_numbers<[1], [0], [0], [1], [0, 0, 1, 1], [], []>, transpose_lhs_hint = false} : vector<1024x128xf32>, vector<128x256xf32>, vector<1024x256xf32> -> vector<1024x256xf32>
    %add3A_1776 = vector.broadcast %get3A_9 : vector<1x256xf32> to vector<1024x256xf32>
    %add3A_1777 = arith.addf %dot_general3A_1775, %add3A_1776 : vector<1024x256xf32>
    %slice3A_1778 = vector.extract_strided_slice %add3A_1777 {offsets = [0, 0], sizes = [1024, 128], strides = [1, 1]} : vector<1024x256xf32> to vector<1024x128xf32>
    %slice3A_1779 = vector.extract_strided_slice %add3A_1777 {offsets = [0, 128], sizes = [1024, 128], strides = [1, 1]} : vector<1024x256xf32> to vector<1024x128xf32>
    %mul3A_1780 = arith.constant 5.000000e-01 : f32
    %mul3A_1781 = vector.broadcast %mul3A_1780 : f32 to vector<1024x128xf32>
    %mul3A_1782 = arith.mulf %mul3A_1781, %slice3A_1778 : vector<1024x128xf32>
    %tanh3A_1783 = math.tanh %mul3A_1782 : vector<1024x128xf32>
    %mul3A_1784 = arith.constant 5.000000e-01 : f32
    %mul3A_1785 = vector.broadcast %mul3A_1784 : f32 to vector<1024x128xf32>
    %mul3A_1786 = arith.mulf %mul3A_1785, %tanh3A_1783 : vector<1024x128xf32>
    %add3A_1787 = arith.constant 5.000000e-01 : f32
    %add3A_1788 = vector.broadcast %add3A_1787 : f32 to vector<1024x128xf32>
    %add3A_1789 = arith.addf %mul3A_1786, %add3A_1788 : vector<1024x128xf32>
    %max3A_1790 = arith.constant 0.000000e+00 : f32
    %max3A_1791 = vector.broadcast %max3A_1790 : f32 to vector<1024x128xf32>
    %max3A_1792 = arith.maximumf %slice3A_1779, %max3A_1791 : vector<1024x128xf32>
    %mul3A_1793 = arith.constant 5.000000e-01 : f32
    %mul3A_1794 = vector.broadcast %mul3A_1793 : f32 to vector<1024x128xf32>
    %mul3A_1795 = arith.mulf %mul3A_1794, %slice3A_1779 : vector<1024x128xf32>
    %tanh3A_1796 = math.tanh %mul3A_1795 : vector<1024x128xf32>
    %mul3A_1797 = arith.constant 5.000000e-01 : f32
    %mul3A_1798 = vector.broadcast %mul3A_1797 : f32 to vector<1024x128xf32>
    %mul3A_1799 = arith.mulf %mul3A_1798, %tanh3A_1796 : vector<1024x128xf32>
    %add3A_1800 = arith.constant 5.000000e-01 : f32
    %add3A_1801 = vector.broadcast %add3A_1800 : f32 to vector<1024x128xf32>
    %add3A_1802 = arith.addf %mul3A_1799, %add3A_1801 : vector<1024x128xf32>
    %select_n3A_1803 = arith.select %lt3A_1, %max3A_1792, %add3A_1802 : vector<1024x128xi1>, vector<1024x128xf32>
    %mul3A_1804 = arith.mulf %add3A_1789, %select_n3A_1803 : vector<1024x128xf32>
    %mul3A_1805 = arith.mulf %add3A_1789, %select_n3A_1764 : vector<1024x128xf32>
    %roll3A_1806 = arith.constant 64 : i32
    %roll3A_1807 = tpu.dynamic_rotate %mul3A_1804 by %roll3A_1806 dim 1 : vector<1024x128xf32>, i32 -> vector<1024x128xf32>
    %add3A_1808 = arith.addf %mul3A_1805, %roll3A_1807 : vector<1024x128xf32>
    %max3A_1809 = arith.constant 0.000000e+00 : f32
    %max3A_1810 = vector.broadcast %max3A_1809 : f32 to vector<1024x128xf32>
    %max3A_1811 = arith.maximumf %add3A_1808, %max3A_1810 : vector<1024x128xf32>
    %mul3A_1812 = arith.mulf %select_n3A_1803, %max3A_1811 : vector<1024x128xf32>
    %get3A_1813 = arith.constant 0 : index
    %get3A_1814 = arith.constant 31 : index
    %get3A_1815 = vector.load %arg2[%get3A_1813, %get3A_1814] : memref<1024x50xi32, #tpu.memory_space<vmem>>, vector<1024x1xi32>
    %ne3A_1816 = arith.constant 0 : i32
    %ne3A_1817 = vector.broadcast %ne3A_1816 : i32 to vector<1024x1xi32>
    %ne3A_1818 = arith.cmpi ne, %get3A_1815, %ne3A_1817 : vector<1024x1xi32>
    %broadcast_in_dim3A_1819 = vector.shape_cast %ne3A_1818 : vector<1024x1xi1> to vector<1024x1xi1>
    %broadcast_in_dim3A_1820 = vector.broadcast %broadcast_in_dim3A_1819 : vector<1024x1xi1> to vector<1024x128xi1>
    %select_n3A_1821 = arith.select %broadcast_in_dim3A_1820, %add3A_1808, %select_n3A_1764 : vector<1024x128xi1>, vector<1024x128xf32>
    %broadcast_in_dim3A_1822 = vector.shape_cast %ne3A_1818 : vector<1024x1xi1> to vector<1024x1xi1>
    %broadcast_in_dim3A_1823 = vector.broadcast %broadcast_in_dim3A_1822 : vector<1024x1xi1> to vector<1024x128xi1>
    %select_n3A_1824 = arith.select %broadcast_in_dim3A_1823, %mul3A_1812, %select_n3A_1767 : vector<1024x128xi1>, vector<1024x128xf32>
    %get3A_1825 = arith.constant 32 : index
    %get3A_1826 = arith.constant 0 : index
    %get3A_1827 = arith.constant 0 : index
    %get3A_1828 = vector.load %arg1[%get3A_1825, %get3A_1826, %get3A_1827] : memref<50x1024x128xf32, #tpu.memory_space<vmem>>, vector<1x1024x128xf32>
    %get3A_1829 = vector.shape_cast %get3A_1828 : vector<1x1024x128xf32> to vector<1024x128xf32>
    %select_n3A_1830 = arith.select %lt3A_1, %get3A_1829, %select_n3A_1824 : vector<1024x128xi1>, vector<1024x128xf32>
    %dot_general3A_1831 = arith.constant dense<0.000000e+00> : vector<1024x256xf32>
    %dot_general3A_1832 = tpu.matmul %select_n3A_1830, %get3A_6, %dot_general3A_1831 {dimension_numbers = #tpu.dot_dimension_numbers<[1], [0], [0], [1], [0, 0, 1, 1], [], []>, transpose_lhs_hint = false} : vector<1024x128xf32>, vector<128x256xf32>, vector<1024x256xf32> -> vector<1024x256xf32>
    %add3A_1833 = vector.broadcast %get3A_9 : vector<1x256xf32> to vector<1024x256xf32>
    %add3A_1834 = arith.addf %dot_general3A_1832, %add3A_1833 : vector<1024x256xf32>
    %slice3A_1835 = vector.extract_strided_slice %add3A_1834 {offsets = [0, 0], sizes = [1024, 128], strides = [1, 1]} : vector<1024x256xf32> to vector<1024x128xf32>
    %slice3A_1836 = vector.extract_strided_slice %add3A_1834 {offsets = [0, 128], sizes = [1024, 128], strides = [1, 1]} : vector<1024x256xf32> to vector<1024x128xf32>
    %mul3A_1837 = arith.constant 5.000000e-01 : f32
    %mul3A_1838 = vector.broadcast %mul3A_1837 : f32 to vector<1024x128xf32>
    %mul3A_1839 = arith.mulf %mul3A_1838, %slice3A_1835 : vector<1024x128xf32>
    %tanh3A_1840 = math.tanh %mul3A_1839 : vector<1024x128xf32>
    %mul3A_1841 = arith.constant 5.000000e-01 : f32
    %mul3A_1842 = vector.broadcast %mul3A_1841 : f32 to vector<1024x128xf32>
    %mul3A_1843 = arith.mulf %mul3A_1842, %tanh3A_1840 : vector<1024x128xf32>
    %add3A_1844 = arith.constant 5.000000e-01 : f32
    %add3A_1845 = vector.broadcast %add3A_1844 : f32 to vector<1024x128xf32>
    %add3A_1846 = arith.addf %mul3A_1843, %add3A_1845 : vector<1024x128xf32>
    %max3A_1847 = arith.constant 0.000000e+00 : f32
    %max3A_1848 = vector.broadcast %max3A_1847 : f32 to vector<1024x128xf32>
    %max3A_1849 = arith.maximumf %slice3A_1836, %max3A_1848 : vector<1024x128xf32>
    %mul3A_1850 = arith.constant 5.000000e-01 : f32
    %mul3A_1851 = vector.broadcast %mul3A_1850 : f32 to vector<1024x128xf32>
    %mul3A_1852 = arith.mulf %mul3A_1851, %slice3A_1836 : vector<1024x128xf32>
    %tanh3A_1853 = math.tanh %mul3A_1852 : vector<1024x128xf32>
    %mul3A_1854 = arith.constant 5.000000e-01 : f32
    %mul3A_1855 = vector.broadcast %mul3A_1854 : f32 to vector<1024x128xf32>
    %mul3A_1856 = arith.mulf %mul3A_1855, %tanh3A_1853 : vector<1024x128xf32>
    %add3A_1857 = arith.constant 5.000000e-01 : f32
    %add3A_1858 = vector.broadcast %add3A_1857 : f32 to vector<1024x128xf32>
    %add3A_1859 = arith.addf %mul3A_1856, %add3A_1858 : vector<1024x128xf32>
    %select_n3A_1860 = arith.select %lt3A_1, %max3A_1849, %add3A_1859 : vector<1024x128xi1>, vector<1024x128xf32>
    %mul3A_1861 = arith.mulf %add3A_1846, %select_n3A_1860 : vector<1024x128xf32>
    %mul3A_1862 = arith.mulf %add3A_1846, %select_n3A_1821 : vector<1024x128xf32>
    %roll3A_1863 = arith.constant 64 : i32
    %roll3A_1864 = tpu.dynamic_rotate %mul3A_1861 by %roll3A_1863 dim 1 : vector<1024x128xf32>, i32 -> vector<1024x128xf32>
    %add3A_1865 = arith.addf %mul3A_1862, %roll3A_1864 : vector<1024x128xf32>
    %max3A_1866 = arith.constant 0.000000e+00 : f32
    %max3A_1867 = vector.broadcast %max3A_1866 : f32 to vector<1024x128xf32>
    %max3A_1868 = arith.maximumf %add3A_1865, %max3A_1867 : vector<1024x128xf32>
    %mul3A_1869 = arith.mulf %select_n3A_1860, %max3A_1868 : vector<1024x128xf32>
    %get3A_1870 = arith.constant 0 : index
    %get3A_1871 = arith.constant 32 : index
    %get3A_1872 = vector.load %arg2[%get3A_1870, %get3A_1871] : memref<1024x50xi32, #tpu.memory_space<vmem>>, vector<1024x1xi32>
    %ne3A_1873 = arith.constant 0 : i32
    %ne3A_1874 = vector.broadcast %ne3A_1873 : i32 to vector<1024x1xi32>
    %ne3A_1875 = arith.cmpi ne, %get3A_1872, %ne3A_1874 : vector<1024x1xi32>
    %broadcast_in_dim3A_1876 = vector.shape_cast %ne3A_1875 : vector<1024x1xi1> to vector<1024x1xi1>
    %broadcast_in_dim3A_1877 = vector.broadcast %broadcast_in_dim3A_1876 : vector<1024x1xi1> to vector<1024x128xi1>
    %select_n3A_1878 = arith.select %broadcast_in_dim3A_1877, %add3A_1865, %select_n3A_1821 : vector<1024x128xi1>, vector<1024x128xf32>
    %broadcast_in_dim3A_1879 = vector.shape_cast %ne3A_1875 : vector<1024x1xi1> to vector<1024x1xi1>
    %broadcast_in_dim3A_1880 = vector.broadcast %broadcast_in_dim3A_1879 : vector<1024x1xi1> to vector<1024x128xi1>
    %select_n3A_1881 = arith.select %broadcast_in_dim3A_1880, %mul3A_1869, %select_n3A_1824 : vector<1024x128xi1>, vector<1024x128xf32>
    %get3A_1882 = arith.constant 33 : index
    %get3A_1883 = arith.constant 0 : index
    %get3A_1884 = arith.constant 0 : index
    %get3A_1885 = vector.load %arg1[%get3A_1882, %get3A_1883, %get3A_1884] : memref<50x1024x128xf32, #tpu.memory_space<vmem>>, vector<1x1024x128xf32>
    %get3A_1886 = vector.shape_cast %get3A_1885 : vector<1x1024x128xf32> to vector<1024x128xf32>
    %select_n3A_1887 = arith.select %lt3A_1, %get3A_1886, %select_n3A_1881 : vector<1024x128xi1>, vector<1024x128xf32>
    %dot_general3A_1888 = arith.constant dense<0.000000e+00> : vector<1024x256xf32>
    %dot_general3A_1889 = tpu.matmul %select_n3A_1887, %get3A_6, %dot_general3A_1888 {dimension_numbers = #tpu.dot_dimension_numbers<[1], [0], [0], [1], [0, 0, 1, 1], [], []>, transpose_lhs_hint = false} : vector<1024x128xf32>, vector<128x256xf32>, vector<1024x256xf32> -> vector<1024x256xf32>
    %add3A_1890 = vector.broadcast %get3A_9 : vector<1x256xf32> to vector<1024x256xf32>
    %add3A_1891 = arith.addf %dot_general3A_1889, %add3A_1890 : vector<1024x256xf32>
    %slice3A_1892 = vector.extract_strided_slice %add3A_1891 {offsets = [0, 0], sizes = [1024, 128], strides = [1, 1]} : vector<1024x256xf32> to vector<1024x128xf32>
    %slice3A_1893 = vector.extract_strided_slice %add3A_1891 {offsets = [0, 128], sizes = [1024, 128], strides = [1, 1]} : vector<1024x256xf32> to vector<1024x128xf32>
    %mul3A_1894 = arith.constant 5.000000e-01 : f32
    %mul3A_1895 = vector.broadcast %mul3A_1894 : f32 to vector<1024x128xf32>
    %mul3A_1896 = arith.mulf %mul3A_1895, %slice3A_1892 : vector<1024x128xf32>
    %tanh3A_1897 = math.tanh %mul3A_1896 : vector<1024x128xf32>
    %mul3A_1898 = arith.constant 5.000000e-01 : f32
    %mul3A_1899 = vector.broadcast %mul3A_1898 : f32 to vector<1024x128xf32>
    %mul3A_1900 = arith.mulf %mul3A_1899, %tanh3A_1897 : vector<1024x128xf32>
    %add3A_1901 = arith.constant 5.000000e-01 : f32
    %add3A_1902 = vector.broadcast %add3A_1901 : f32 to vector<1024x128xf32>
    %add3A_1903 = arith.addf %mul3A_1900, %add3A_1902 : vector<1024x128xf32>
    %max3A_1904 = arith.constant 0.000000e+00 : f32
    %max3A_1905 = vector.broadcast %max3A_1904 : f32 to vector<1024x128xf32>
    %max3A_1906 = arith.maximumf %slice3A_1893, %max3A_1905 : vector<1024x128xf32>
    %mul3A_1907 = arith.constant 5.000000e-01 : f32
    %mul3A_1908 = vector.broadcast %mul3A_1907 : f32 to vector<1024x128xf32>
    %mul3A_1909 = arith.mulf %mul3A_1908, %slice3A_1893 : vector<1024x128xf32>
    %tanh3A_1910 = math.tanh %mul3A_1909 : vector<1024x128xf32>
    %mul3A_1911 = arith.constant 5.000000e-01 : f32
    %mul3A_1912 = vector.broadcast %mul3A_1911 : f32 to vector<1024x128xf32>
    %mul3A_1913 = arith.mulf %mul3A_1912, %tanh3A_1910 : vector<1024x128xf32>
    %add3A_1914 = arith.constant 5.000000e-01 : f32
    %add3A_1915 = vector.broadcast %add3A_1914 : f32 to vector<1024x128xf32>
    %add3A_1916 = arith.addf %mul3A_1913, %add3A_1915 : vector<1024x128xf32>
    %select_n3A_1917 = arith.select %lt3A_1, %max3A_1906, %add3A_1916 : vector<1024x128xi1>, vector<1024x128xf32>
    %mul3A_1918 = arith.mulf %add3A_1903, %select_n3A_1917 : vector<1024x128xf32>
    %mul3A_1919 = arith.mulf %add3A_1903, %select_n3A_1878 : vector<1024x128xf32>
    %roll3A_1920 = arith.constant 64 : i32
    %roll3A_1921 = tpu.dynamic_rotate %mul3A_1918 by %roll3A_1920 dim 1 : vector<1024x128xf32>, i32 -> vector<1024x128xf32>
    %add3A_1922 = arith.addf %mul3A_1919, %roll3A_1921 : vector<1024x128xf32>
    %max3A_1923 = arith.constant 0.000000e+00 : f32
    %max3A_1924 = vector.broadcast %max3A_1923 : f32 to vector<1024x128xf32>
    %max3A_1925 = arith.maximumf %add3A_1922, %max3A_1924 : vector<1024x128xf32>
    %mul3A_1926 = arith.mulf %select_n3A_1917, %max3A_1925 : vector<1024x128xf32>
    %get3A_1927 = arith.constant 0 : index
    %get3A_1928 = arith.constant 33 : index
    %get3A_1929 = vector.load %arg2[%get3A_1927, %get3A_1928] : memref<1024x50xi32, #tpu.memory_space<vmem>>, vector<1024x1xi32>
    %ne3A_1930 = arith.constant 0 : i32
    %ne3A_1931 = vector.broadcast %ne3A_1930 : i32 to vector<1024x1xi32>
    %ne3A_1932 = arith.cmpi ne, %get3A_1929, %ne3A_1931 : vector<1024x1xi32>
    %broadcast_in_dim3A_1933 = vector.shape_cast %ne3A_1932 : vector<1024x1xi1> to vector<1024x1xi1>
    %broadcast_in_dim3A_1934 = vector.broadcast %broadcast_in_dim3A_1933 : vector<1024x1xi1> to vector<1024x128xi1>
    %select_n3A_1935 = arith.select %broadcast_in_dim3A_1934, %add3A_1922, %select_n3A_1878 : vector<1024x128xi1>, vector<1024x128xf32>
    %broadcast_in_dim3A_1936 = vector.shape_cast %ne3A_1932 : vector<1024x1xi1> to vector<1024x1xi1>
    %broadcast_in_dim3A_1937 = vector.broadcast %broadcast_in_dim3A_1936 : vector<1024x1xi1> to vector<1024x128xi1>
    %select_n3A_1938 = arith.select %broadcast_in_dim3A_1937, %mul3A_1926, %select_n3A_1881 : vector<1024x128xi1>, vector<1024x128xf32>
    %get3A_1939 = arith.constant 34 : index
    %get3A_1940 = arith.constant 0 : index
    %get3A_1941 = arith.constant 0 : index
    %get3A_1942 = vector.load %arg1[%get3A_1939, %get3A_1940, %get3A_1941] : memref<50x1024x128xf32, #tpu.memory_space<vmem>>, vector<1x1024x128xf32>
    %get3A_1943 = vector.shape_cast %get3A_1942 : vector<1x1024x128xf32> to vector<1024x128xf32>
    %select_n3A_1944 = arith.select %lt3A_1, %get3A_1943, %select_n3A_1938 : vector<1024x128xi1>, vector<1024x128xf32>
    %dot_general3A_1945 = arith.constant dense<0.000000e+00> : vector<1024x256xf32>
    %dot_general3A_1946 = tpu.matmul %select_n3A_1944, %get3A_6, %dot_general3A_1945 {dimension_numbers = #tpu.dot_dimension_numbers<[1], [0], [0], [1], [0, 0, 1, 1], [], []>, transpose_lhs_hint = false} : vector<1024x128xf32>, vector<128x256xf32>, vector<1024x256xf32> -> vector<1024x256xf32>
    %add3A_1947 = vector.broadcast %get3A_9 : vector<1x256xf32> to vector<1024x256xf32>
    %add3A_1948 = arith.addf %dot_general3A_1946, %add3A_1947 : vector<1024x256xf32>
    %slice3A_1949 = vector.extract_strided_slice %add3A_1948 {offsets = [0, 0], sizes = [1024, 128], strides = [1, 1]} : vector<1024x256xf32> to vector<1024x128xf32>
    %slice3A_1950 = vector.extract_strided_slice %add3A_1948 {offsets = [0, 128], sizes = [1024, 128], strides = [1, 1]} : vector<1024x256xf32> to vector<1024x128xf32>
    %mul3A_1951 = arith.constant 5.000000e-01 : f32
    %mul3A_1952 = vector.broadcast %mul3A_1951 : f32 to vector<1024x128xf32>
    %mul3A_1953 = arith.mulf %mul3A_1952, %slice3A_1949 : vector<1024x128xf32>
    %tanh3A_1954 = math.tanh %mul3A_1953 : vector<1024x128xf32>
    %mul3A_1955 = arith.constant 5.000000e-01 : f32
    %mul3A_1956 = vector.broadcast %mul3A_1955 : f32 to vector<1024x128xf32>
    %mul3A_1957 = arith.mulf %mul3A_1956, %tanh3A_1954 : vector<1024x128xf32>
    %add3A_1958 = arith.constant 5.000000e-01 : f32
    %add3A_1959 = vector.broadcast %add3A_1958 : f32 to vector<1024x128xf32>
    %add3A_1960 = arith.addf %mul3A_1957, %add3A_1959 : vector<1024x128xf32>
    %max3A_1961 = arith.constant 0.000000e+00 : f32
    %max3A_1962 = vector.broadcast %max3A_1961 : f32 to vector<1024x128xf32>
    %max3A_1963 = arith.maximumf %slice3A_1950, %max3A_1962 : vector<1024x128xf32>
    %mul3A_1964 = arith.constant 5.000000e-01 : f32
    %mul3A_1965 = vector.broadcast %mul3A_1964 : f32 to vector<1024x128xf32>
    %mul3A_1966 = arith.mulf %mul3A_1965, %slice3A_1950 : vector<1024x128xf32>
    %tanh3A_1967 = math.tanh %mul3A_1966 : vector<1024x128xf32>
    %mul3A_1968 = arith.constant 5.000000e-01 : f32
    %mul3A_1969 = vector.broadcast %mul3A_1968 : f32 to vector<1024x128xf32>
    %mul3A_1970 = arith.mulf %mul3A_1969, %tanh3A_1967 : vector<1024x128xf32>
    %add3A_1971 = arith.constant 5.000000e-01 : f32
    %add3A_1972 = vector.broadcast %add3A_1971 : f32 to vector<1024x128xf32>
    %add3A_1973 = arith.addf %mul3A_1970, %add3A_1972 : vector<1024x128xf32>
    %select_n3A_1974 = arith.select %lt3A_1, %max3A_1963, %add3A_1973 : vector<1024x128xi1>, vector<1024x128xf32>
    %mul3A_1975 = arith.mulf %add3A_1960, %select_n3A_1974 : vector<1024x128xf32>
    %mul3A_1976 = arith.mulf %add3A_1960, %select_n3A_1935 : vector<1024x128xf32>
    %roll3A_1977 = arith.constant 64 : i32
    %roll3A_1978 = tpu.dynamic_rotate %mul3A_1975 by %roll3A_1977 dim 1 : vector<1024x128xf32>, i32 -> vector<1024x128xf32>
    %add3A_1979 = arith.addf %mul3A_1976, %roll3A_1978 : vector<1024x128xf32>
    %max3A_1980 = arith.constant 0.000000e+00 : f32
    %max3A_1981 = vector.broadcast %max3A_1980 : f32 to vector<1024x128xf32>
    %max3A_1982 = arith.maximumf %add3A_1979, %max3A_1981 : vector<1024x128xf32>
    %mul3A_1983 = arith.mulf %select_n3A_1974, %max3A_1982 : vector<1024x128xf32>
    %get3A_1984 = arith.constant 0 : index
    %get3A_1985 = arith.constant 34 : index
    %get3A_1986 = vector.load %arg2[%get3A_1984, %get3A_1985] : memref<1024x50xi32, #tpu.memory_space<vmem>>, vector<1024x1xi32>
    %ne3A_1987 = arith.constant 0 : i32
    %ne3A_1988 = vector.broadcast %ne3A_1987 : i32 to vector<1024x1xi32>
    %ne3A_1989 = arith.cmpi ne, %get3A_1986, %ne3A_1988 : vector<1024x1xi32>
    %broadcast_in_dim3A_1990 = vector.shape_cast %ne3A_1989 : vector<1024x1xi1> to vector<1024x1xi1>
    %broadcast_in_dim3A_1991 = vector.broadcast %broadcast_in_dim3A_1990 : vector<1024x1xi1> to vector<1024x128xi1>
    %select_n3A_1992 = arith.select %broadcast_in_dim3A_1991, %add3A_1979, %select_n3A_1935 : vector<1024x128xi1>, vector<1024x128xf32>
    %broadcast_in_dim3A_1993 = vector.shape_cast %ne3A_1989 : vector<1024x1xi1> to vector<1024x1xi1>
    %broadcast_in_dim3A_1994 = vector.broadcast %broadcast_in_dim3A_1993 : vector<1024x1xi1> to vector<1024x128xi1>
    %select_n3A_1995 = arith.select %broadcast_in_dim3A_1994, %mul3A_1983, %select_n3A_1938 : vector<1024x128xi1>, vector<1024x128xf32>
    %get3A_1996 = arith.constant 35 : index
    %get3A_1997 = arith.constant 0 : index
    %get3A_1998 = arith.constant 0 : index
    %get3A_1999 = vector.load %arg1[%get3A_1996, %get3A_1997, %get3A_1998] : memref<50x1024x128xf32, #tpu.memory_space<vmem>>, vector<1x1024x128xf32>
    %get3A_2000 = vector.shape_cast %get3A_1999 : vector<1x1024x128xf32> to vector<1024x128xf32>
    %select_n3A_2001 = arith.select %lt3A_1, %get3A_2000, %select_n3A_1995 : vector<1024x128xi1>, vector<1024x128xf32>
    %dot_general3A_2002 = arith.constant dense<0.000000e+00> : vector<1024x256xf32>
    %dot_general3A_2003 = tpu.matmul %select_n3A_2001, %get3A_6, %dot_general3A_2002 {dimension_numbers = #tpu.dot_dimension_numbers<[1], [0], [0], [1], [0, 0, 1, 1], [], []>, transpose_lhs_hint = false} : vector<1024x128xf32>, vector<128x256xf32>, vector<1024x256xf32> -> vector<1024x256xf32>
    %add3A_2004 = vector.broadcast %get3A_9 : vector<1x256xf32> to vector<1024x256xf32>
    %add3A_2005 = arith.addf %dot_general3A_2003, %add3A_2004 : vector<1024x256xf32>
    %slice3A_2006 = vector.extract_strided_slice %add3A_2005 {offsets = [0, 0], sizes = [1024, 128], strides = [1, 1]} : vector<1024x256xf32> to vector<1024x128xf32>
    %slice3A_2007 = vector.extract_strided_slice %add3A_2005 {offsets = [0, 128], sizes = [1024, 128], strides = [1, 1]} : vector<1024x256xf32> to vector<1024x128xf32>
    %mul3A_2008 = arith.constant 5.000000e-01 : f32
    %mul3A_2009 = vector.broadcast %mul3A_2008 : f32 to vector<1024x128xf32>
    %mul3A_2010 = arith.mulf %mul3A_2009, %slice3A_2006 : vector<1024x128xf32>
    %tanh3A_2011 = math.tanh %mul3A_2010 : vector<1024x128xf32>
    %mul3A_2012 = arith.constant 5.000000e-01 : f32
    %mul3A_2013 = vector.broadcast %mul3A_2012 : f32 to vector<1024x128xf32>
    %mul3A_2014 = arith.mulf %mul3A_2013, %tanh3A_2011 : vector<1024x128xf32>
    %add3A_2015 = arith.constant 5.000000e-01 : f32
    %add3A_2016 = vector.broadcast %add3A_2015 : f32 to vector<1024x128xf32>
    %add3A_2017 = arith.addf %mul3A_2014, %add3A_2016 : vector<1024x128xf32>
    %max3A_2018 = arith.constant 0.000000e+00 : f32
    %max3A_2019 = vector.broadcast %max3A_2018 : f32 to vector<1024x128xf32>
    %max3A_2020 = arith.maximumf %slice3A_2007, %max3A_2019 : vector<1024x128xf32>
    %mul3A_2021 = arith.constant 5.000000e-01 : f32
    %mul3A_2022 = vector.broadcast %mul3A_2021 : f32 to vector<1024x128xf32>
    %mul3A_2023 = arith.mulf %mul3A_2022, %slice3A_2007 : vector<1024x128xf32>
    %tanh3A_2024 = math.tanh %mul3A_2023 : vector<1024x128xf32>
    %mul3A_2025 = arith.constant 5.000000e-01 : f32
    %mul3A_2026 = vector.broadcast %mul3A_2025 : f32 to vector<1024x128xf32>
    %mul3A_2027 = arith.mulf %mul3A_2026, %tanh3A_2024 : vector<1024x128xf32>
    %add3A_2028 = arith.constant 5.000000e-01 : f32
    %add3A_2029 = vector.broadcast %add3A_2028 : f32 to vector<1024x128xf32>
    %add3A_2030 = arith.addf %mul3A_2027, %add3A_2029 : vector<1024x128xf32>
    %select_n3A_2031 = arith.select %lt3A_1, %max3A_2020, %add3A_2030 : vector<1024x128xi1>, vector<1024x128xf32>
    %mul3A_2032 = arith.mulf %add3A_2017, %select_n3A_2031 : vector<1024x128xf32>
    %mul3A_2033 = arith.mulf %add3A_2017, %select_n3A_1992 : vector<1024x128xf32>
    %roll3A_2034 = arith.constant 64 : i32
    %roll3A_2035 = tpu.dynamic_rotate %mul3A_2032 by %roll3A_2034 dim 1 : vector<1024x128xf32>, i32 -> vector<1024x128xf32>
    %add3A_2036 = arith.addf %mul3A_2033, %roll3A_2035 : vector<1024x128xf32>
    %max3A_2037 = arith.constant 0.000000e+00 : f32
    %max3A_2038 = vector.broadcast %max3A_2037 : f32 to vector<1024x128xf32>
    %max3A_2039 = arith.maximumf %add3A_2036, %max3A_2038 : vector<1024x128xf32>
    %mul3A_2040 = arith.mulf %select_n3A_2031, %max3A_2039 : vector<1024x128xf32>
    %get3A_2041 = arith.constant 0 : index
    %get3A_2042 = arith.constant 35 : index
    %get3A_2043 = vector.load %arg2[%get3A_2041, %get3A_2042] : memref<1024x50xi32, #tpu.memory_space<vmem>>, vector<1024x1xi32>
    %ne3A_2044 = arith.constant 0 : i32
    %ne3A_2045 = vector.broadcast %ne3A_2044 : i32 to vector<1024x1xi32>
    %ne3A_2046 = arith.cmpi ne, %get3A_2043, %ne3A_2045 : vector<1024x1xi32>
    %broadcast_in_dim3A_2047 = vector.shape_cast %ne3A_2046 : vector<1024x1xi1> to vector<1024x1xi1>
    %broadcast_in_dim3A_2048 = vector.broadcast %broadcast_in_dim3A_2047 : vector<1024x1xi1> to vector<1024x128xi1>
    %select_n3A_2049 = arith.select %broadcast_in_dim3A_2048, %add3A_2036, %select_n3A_1992 : vector<1024x128xi1>, vector<1024x128xf32>
    %broadcast_in_dim3A_2050 = vector.shape_cast %ne3A_2046 : vector<1024x1xi1> to vector<1024x1xi1>
    %broadcast_in_dim3A_2051 = vector.broadcast %broadcast_in_dim3A_2050 : vector<1024x1xi1> to vector<1024x128xi1>
    %select_n3A_2052 = arith.select %broadcast_in_dim3A_2051, %mul3A_2040, %select_n3A_1995 : vector<1024x128xi1>, vector<1024x128xf32>
    %get3A_2053 = arith.constant 36 : index
    %get3A_2054 = arith.constant 0 : index
    %get3A_2055 = arith.constant 0 : index
    %get3A_2056 = vector.load %arg1[%get3A_2053, %get3A_2054, %get3A_2055] : memref<50x1024x128xf32, #tpu.memory_space<vmem>>, vector<1x1024x128xf32>
    %get3A_2057 = vector.shape_cast %get3A_2056 : vector<1x1024x128xf32> to vector<1024x128xf32>
    %select_n3A_2058 = arith.select %lt3A_1, %get3A_2057, %select_n3A_2052 : vector<1024x128xi1>, vector<1024x128xf32>
    %dot_general3A_2059 = arith.constant dense<0.000000e+00> : vector<1024x256xf32>
    %dot_general3A_2060 = tpu.matmul %select_n3A_2058, %get3A_6, %dot_general3A_2059 {dimension_numbers = #tpu.dot_dimension_numbers<[1], [0], [0], [1], [0, 0, 1, 1], [], []>, transpose_lhs_hint = false} : vector<1024x128xf32>, vector<128x256xf32>, vector<1024x256xf32> -> vector<1024x256xf32>
    %add3A_2061 = vector.broadcast %get3A_9 : vector<1x256xf32> to vector<1024x256xf32>
    %add3A_2062 = arith.addf %dot_general3A_2060, %add3A_2061 : vector<1024x256xf32>
    %slice3A_2063 = vector.extract_strided_slice %add3A_2062 {offsets = [0, 0], sizes = [1024, 128], strides = [1, 1]} : vector<1024x256xf32> to vector<1024x128xf32>
    %slice3A_2064 = vector.extract_strided_slice %add3A_2062 {offsets = [0, 128], sizes = [1024, 128], strides = [1, 1]} : vector<1024x256xf32> to vector<1024x128xf32>
    %mul3A_2065 = arith.constant 5.000000e-01 : f32
    %mul3A_2066 = vector.broadcast %mul3A_2065 : f32 to vector<1024x128xf32>
    %mul3A_2067 = arith.mulf %mul3A_2066, %slice3A_2063 : vector<1024x128xf32>
    %tanh3A_2068 = math.tanh %mul3A_2067 : vector<1024x128xf32>
    %mul3A_2069 = arith.constant 5.000000e-01 : f32
    %mul3A_2070 = vector.broadcast %mul3A_2069 : f32 to vector<1024x128xf32>
    %mul3A_2071 = arith.mulf %mul3A_2070, %tanh3A_2068 : vector<1024x128xf32>
    %add3A_2072 = arith.constant 5.000000e-01 : f32
    %add3A_2073 = vector.broadcast %add3A_2072 : f32 to vector<1024x128xf32>
    %add3A_2074 = arith.addf %mul3A_2071, %add3A_2073 : vector<1024x128xf32>
    %max3A_2075 = arith.constant 0.000000e+00 : f32
    %max3A_2076 = vector.broadcast %max3A_2075 : f32 to vector<1024x128xf32>
    %max3A_2077 = arith.maximumf %slice3A_2064, %max3A_2076 : vector<1024x128xf32>
    %mul3A_2078 = arith.constant 5.000000e-01 : f32
    %mul3A_2079 = vector.broadcast %mul3A_2078 : f32 to vector<1024x128xf32>
    %mul3A_2080 = arith.mulf %mul3A_2079, %slice3A_2064 : vector<1024x128xf32>
    %tanh3A_2081 = math.tanh %mul3A_2080 : vector<1024x128xf32>
    %mul3A_2082 = arith.constant 5.000000e-01 : f32
    %mul3A_2083 = vector.broadcast %mul3A_2082 : f32 to vector<1024x128xf32>
    %mul3A_2084 = arith.mulf %mul3A_2083, %tanh3A_2081 : vector<1024x128xf32>
    %add3A_2085 = arith.constant 5.000000e-01 : f32
    %add3A_2086 = vector.broadcast %add3A_2085 : f32 to vector<1024x128xf32>
    %add3A_2087 = arith.addf %mul3A_2084, %add3A_2086 : vector<1024x128xf32>
    %select_n3A_2088 = arith.select %lt3A_1, %max3A_2077, %add3A_2087 : vector<1024x128xi1>, vector<1024x128xf32>
    %mul3A_2089 = arith.mulf %add3A_2074, %select_n3A_2088 : vector<1024x128xf32>
    %mul3A_2090 = arith.mulf %add3A_2074, %select_n3A_2049 : vector<1024x128xf32>
    %roll3A_2091 = arith.constant 64 : i32
    %roll3A_2092 = tpu.dynamic_rotate %mul3A_2089 by %roll3A_2091 dim 1 : vector<1024x128xf32>, i32 -> vector<1024x128xf32>
    %add3A_2093 = arith.addf %mul3A_2090, %roll3A_2092 : vector<1024x128xf32>
    %max3A_2094 = arith.constant 0.000000e+00 : f32
    %max3A_2095 = vector.broadcast %max3A_2094 : f32 to vector<1024x128xf32>
    %max3A_2096 = arith.maximumf %add3A_2093, %max3A_2095 : vector<1024x128xf32>
    %mul3A_2097 = arith.mulf %select_n3A_2088, %max3A_2096 : vector<1024x128xf32>
    %get3A_2098 = arith.constant 0 : index
    %get3A_2099 = arith.constant 36 : index
    %get3A_2100 = vector.load %arg2[%get3A_2098, %get3A_2099] : memref<1024x50xi32, #tpu.memory_space<vmem>>, vector<1024x1xi32>
    %ne3A_2101 = arith.constant 0 : i32
    %ne3A_2102 = vector.broadcast %ne3A_2101 : i32 to vector<1024x1xi32>
    %ne3A_2103 = arith.cmpi ne, %get3A_2100, %ne3A_2102 : vector<1024x1xi32>
    %broadcast_in_dim3A_2104 = vector.shape_cast %ne3A_2103 : vector<1024x1xi1> to vector<1024x1xi1>
    %broadcast_in_dim3A_2105 = vector.broadcast %broadcast_in_dim3A_2104 : vector<1024x1xi1> to vector<1024x128xi1>
    %select_n3A_2106 = arith.select %broadcast_in_dim3A_2105, %add3A_2093, %select_n3A_2049 : vector<1024x128xi1>, vector<1024x128xf32>
    %broadcast_in_dim3A_2107 = vector.shape_cast %ne3A_2103 : vector<1024x1xi1> to vector<1024x1xi1>
    %broadcast_in_dim3A_2108 = vector.broadcast %broadcast_in_dim3A_2107 : vector<1024x1xi1> to vector<1024x128xi1>
    %select_n3A_2109 = arith.select %broadcast_in_dim3A_2108, %mul3A_2097, %select_n3A_2052 : vector<1024x128xi1>, vector<1024x128xf32>
    %get3A_2110 = arith.constant 37 : index
    %get3A_2111 = arith.constant 0 : index
    %get3A_2112 = arith.constant 0 : index
    %get3A_2113 = vector.load %arg1[%get3A_2110, %get3A_2111, %get3A_2112] : memref<50x1024x128xf32, #tpu.memory_space<vmem>>, vector<1x1024x128xf32>
    %get3A_2114 = vector.shape_cast %get3A_2113 : vector<1x1024x128xf32> to vector<1024x128xf32>
    %select_n3A_2115 = arith.select %lt3A_1, %get3A_2114, %select_n3A_2109 : vector<1024x128xi1>, vector<1024x128xf32>
    %dot_general3A_2116 = arith.constant dense<0.000000e+00> : vector<1024x256xf32>
    %dot_general3A_2117 = tpu.matmul %select_n3A_2115, %get3A_6, %dot_general3A_2116 {dimension_numbers = #tpu.dot_dimension_numbers<[1], [0], [0], [1], [0, 0, 1, 1], [], []>, transpose_lhs_hint = false} : vector<1024x128xf32>, vector<128x256xf32>, vector<1024x256xf32> -> vector<1024x256xf32>
    %add3A_2118 = vector.broadcast %get3A_9 : vector<1x256xf32> to vector<1024x256xf32>
    %add3A_2119 = arith.addf %dot_general3A_2117, %add3A_2118 : vector<1024x256xf32>
    %slice3A_2120 = vector.extract_strided_slice %add3A_2119 {offsets = [0, 0], sizes = [1024, 128], strides = [1, 1]} : vector<1024x256xf32> to vector<1024x128xf32>
    %slice3A_2121 = vector.extract_strided_slice %add3A_2119 {offsets = [0, 128], sizes = [1024, 128], strides = [1, 1]} : vector<1024x256xf32> to vector<1024x128xf32>
    %mul3A_2122 = arith.constant 5.000000e-01 : f32
    %mul3A_2123 = vector.broadcast %mul3A_2122 : f32 to vector<1024x128xf32>
    %mul3A_2124 = arith.mulf %mul3A_2123, %slice3A_2120 : vector<1024x128xf32>
    %tanh3A_2125 = math.tanh %mul3A_2124 : vector<1024x128xf32>
    %mul3A_2126 = arith.constant 5.000000e-01 : f32
    %mul3A_2127 = vector.broadcast %mul3A_2126 : f32 to vector<1024x128xf32>
    %mul3A_2128 = arith.mulf %mul3A_2127, %tanh3A_2125 : vector<1024x128xf32>
    %add3A_2129 = arith.constant 5.000000e-01 : f32
    %add3A_2130 = vector.broadcast %add3A_2129 : f32 to vector<1024x128xf32>
    %add3A_2131 = arith.addf %mul3A_2128, %add3A_2130 : vector<1024x128xf32>
    %max3A_2132 = arith.constant 0.000000e+00 : f32
    %max3A_2133 = vector.broadcast %max3A_2132 : f32 to vector<1024x128xf32>
    %max3A_2134 = arith.maximumf %slice3A_2121, %max3A_2133 : vector<1024x128xf32>
    %mul3A_2135 = arith.constant 5.000000e-01 : f32
    %mul3A_2136 = vector.broadcast %mul3A_2135 : f32 to vector<1024x128xf32>
    %mul3A_2137 = arith.mulf %mul3A_2136, %slice3A_2121 : vector<1024x128xf32>
    %tanh3A_2138 = math.tanh %mul3A_2137 : vector<1024x128xf32>
    %mul3A_2139 = arith.constant 5.000000e-01 : f32
    %mul3A_2140 = vector.broadcast %mul3A_2139 : f32 to vector<1024x128xf32>
    %mul3A_2141 = arith.mulf %mul3A_2140, %tanh3A_2138 : vector<1024x128xf32>
    %add3A_2142 = arith.constant 5.000000e-01 : f32
    %add3A_2143 = vector.broadcast %add3A_2142 : f32 to vector<1024x128xf32>
    %add3A_2144 = arith.addf %mul3A_2141, %add3A_2143 : vector<1024x128xf32>
    %select_n3A_2145 = arith.select %lt3A_1, %max3A_2134, %add3A_2144 : vector<1024x128xi1>, vector<1024x128xf32>
    %mul3A_2146 = arith.mulf %add3A_2131, %select_n3A_2145 : vector<1024x128xf32>
    %mul3A_2147 = arith.mulf %add3A_2131, %select_n3A_2106 : vector<1024x128xf32>
    %roll3A_2148 = arith.constant 64 : i32
    %roll3A_2149 = tpu.dynamic_rotate %mul3A_2146 by %roll3A_2148 dim 1 : vector<1024x128xf32>, i32 -> vector<1024x128xf32>
    %add3A_2150 = arith.addf %mul3A_2147, %roll3A_2149 : vector<1024x128xf32>
    %max3A_2151 = arith.constant 0.000000e+00 : f32
    %max3A_2152 = vector.broadcast %max3A_2151 : f32 to vector<1024x128xf32>
    %max3A_2153 = arith.maximumf %add3A_2150, %max3A_2152 : vector<1024x128xf32>
    %mul3A_2154 = arith.mulf %select_n3A_2145, %max3A_2153 : vector<1024x128xf32>
    %get3A_2155 = arith.constant 0 : index
    %get3A_2156 = arith.constant 37 : index
    %get3A_2157 = vector.load %arg2[%get3A_2155, %get3A_2156] : memref<1024x50xi32, #tpu.memory_space<vmem>>, vector<1024x1xi32>
    %ne3A_2158 = arith.constant 0 : i32
    %ne3A_2159 = vector.broadcast %ne3A_2158 : i32 to vector<1024x1xi32>
    %ne3A_2160 = arith.cmpi ne, %get3A_2157, %ne3A_2159 : vector<1024x1xi32>
    %broadcast_in_dim3A_2161 = vector.shape_cast %ne3A_2160 : vector<1024x1xi1> to vector<1024x1xi1>
    %broadcast_in_dim3A_2162 = vector.broadcast %broadcast_in_dim3A_2161 : vector<1024x1xi1> to vector<1024x128xi1>
    %select_n3A_2163 = arith.select %broadcast_in_dim3A_2162, %add3A_2150, %select_n3A_2106 : vector<1024x128xi1>, vector<1024x128xf32>
    %broadcast_in_dim3A_2164 = vector.shape_cast %ne3A_2160 : vector<1024x1xi1> to vector<1024x1xi1>
    %broadcast_in_dim3A_2165 = vector.broadcast %broadcast_in_dim3A_2164 : vector<1024x1xi1> to vector<1024x128xi1>
    %select_n3A_2166 = arith.select %broadcast_in_dim3A_2165, %mul3A_2154, %select_n3A_2109 : vector<1024x128xi1>, vector<1024x128xf32>
    %get3A_2167 = arith.constant 38 : index
    %get3A_2168 = arith.constant 0 : index
    %get3A_2169 = arith.constant 0 : index
    %get3A_2170 = vector.load %arg1[%get3A_2167, %get3A_2168, %get3A_2169] : memref<50x1024x128xf32, #tpu.memory_space<vmem>>, vector<1x1024x128xf32>
    %get3A_2171 = vector.shape_cast %get3A_2170 : vector<1x1024x128xf32> to vector<1024x128xf32>
    %select_n3A_2172 = arith.select %lt3A_1, %get3A_2171, %select_n3A_2166 : vector<1024x128xi1>, vector<1024x128xf32>
    %dot_general3A_2173 = arith.constant dense<0.000000e+00> : vector<1024x256xf32>
    %dot_general3A_2174 = tpu.matmul %select_n3A_2172, %get3A_6, %dot_general3A_2173 {dimension_numbers = #tpu.dot_dimension_numbers<[1], [0], [0], [1], [0, 0, 1, 1], [], []>, transpose_lhs_hint = false} : vector<1024x128xf32>, vector<128x256xf32>, vector<1024x256xf32> -> vector<1024x256xf32>
    %add3A_2175 = vector.broadcast %get3A_9 : vector<1x256xf32> to vector<1024x256xf32>
    %add3A_2176 = arith.addf %dot_general3A_2174, %add3A_2175 : vector<1024x256xf32>
    %slice3A_2177 = vector.extract_strided_slice %add3A_2176 {offsets = [0, 0], sizes = [1024, 128], strides = [1, 1]} : vector<1024x256xf32> to vector<1024x128xf32>
    %slice3A_2178 = vector.extract_strided_slice %add3A_2176 {offsets = [0, 128], sizes = [1024, 128], strides = [1, 1]} : vector<1024x256xf32> to vector<1024x128xf32>
    %mul3A_2179 = arith.constant 5.000000e-01 : f32
    %mul3A_2180 = vector.broadcast %mul3A_2179 : f32 to vector<1024x128xf32>
    %mul3A_2181 = arith.mulf %mul3A_2180, %slice3A_2177 : vector<1024x128xf32>
    %tanh3A_2182 = math.tanh %mul3A_2181 : vector<1024x128xf32>
    %mul3A_2183 = arith.constant 5.000000e-01 : f32
    %mul3A_2184 = vector.broadcast %mul3A_2183 : f32 to vector<1024x128xf32>
    %mul3A_2185 = arith.mulf %mul3A_2184, %tanh3A_2182 : vector<1024x128xf32>
    %add3A_2186 = arith.constant 5.000000e-01 : f32
    %add3A_2187 = vector.broadcast %add3A_2186 : f32 to vector<1024x128xf32>
    %add3A_2188 = arith.addf %mul3A_2185, %add3A_2187 : vector<1024x128xf32>
    %max3A_2189 = arith.constant 0.000000e+00 : f32
    %max3A_2190 = vector.broadcast %max3A_2189 : f32 to vector<1024x128xf32>
    %max3A_2191 = arith.maximumf %slice3A_2178, %max3A_2190 : vector<1024x128xf32>
    %mul3A_2192 = arith.constant 5.000000e-01 : f32
    %mul3A_2193 = vector.broadcast %mul3A_2192 : f32 to vector<1024x128xf32>
    %mul3A_2194 = arith.mulf %mul3A_2193, %slice3A_2178 : vector<1024x128xf32>
    %tanh3A_2195 = math.tanh %mul3A_2194 : vector<1024x128xf32>
    %mul3A_2196 = arith.constant 5.000000e-01 : f32
    %mul3A_2197 = vector.broadcast %mul3A_2196 : f32 to vector<1024x128xf32>
    %mul3A_2198 = arith.mulf %mul3A_2197, %tanh3A_2195 : vector<1024x128xf32>
    %add3A_2199 = arith.constant 5.000000e-01 : f32
    %add3A_2200 = vector.broadcast %add3A_2199 : f32 to vector<1024x128xf32>
    %add3A_2201 = arith.addf %mul3A_2198, %add3A_2200 : vector<1024x128xf32>
    %select_n3A_2202 = arith.select %lt3A_1, %max3A_2191, %add3A_2201 : vector<1024x128xi1>, vector<1024x128xf32>
    %mul3A_2203 = arith.mulf %add3A_2188, %select_n3A_2202 : vector<1024x128xf32>
    %mul3A_2204 = arith.mulf %add3A_2188, %select_n3A_2163 : vector<1024x128xf32>
    %roll3A_2205 = arith.constant 64 : i32
    %roll3A_2206 = tpu.dynamic_rotate %mul3A_2203 by %roll3A_2205 dim 1 : vector<1024x128xf32>, i32 -> vector<1024x128xf32>
    %add3A_2207 = arith.addf %mul3A_2204, %roll3A_2206 : vector<1024x128xf32>
    %max3A_2208 = arith.constant 0.000000e+00 : f32
    %max3A_2209 = vector.broadcast %max3A_2208 : f32 to vector<1024x128xf32>
    %max3A_2210 = arith.maximumf %add3A_2207, %max3A_2209 : vector<1024x128xf32>
    %mul3A_2211 = arith.mulf %select_n3A_2202, %max3A_2210 : vector<1024x128xf32>
    %get3A_2212 = arith.constant 0 : index
    %get3A_2213 = arith.constant 38 : index
    %get3A_2214 = vector.load %arg2[%get3A_2212, %get3A_2213] : memref<1024x50xi32, #tpu.memory_space<vmem>>, vector<1024x1xi32>
    %ne3A_2215 = arith.constant 0 : i32
    %ne3A_2216 = vector.broadcast %ne3A_2215 : i32 to vector<1024x1xi32>
    %ne3A_2217 = arith.cmpi ne, %get3A_2214, %ne3A_2216 : vector<1024x1xi32>
    %broadcast_in_dim3A_2218 = vector.shape_cast %ne3A_2217 : vector<1024x1xi1> to vector<1024x1xi1>
    %broadcast_in_dim3A_2219 = vector.broadcast %broadcast_in_dim3A_2218 : vector<1024x1xi1> to vector<1024x128xi1>
    %select_n3A_2220 = arith.select %broadcast_in_dim3A_2219, %add3A_2207, %select_n3A_2163 : vector<1024x128xi1>, vector<1024x128xf32>
    %broadcast_in_dim3A_2221 = vector.shape_cast %ne3A_2217 : vector<1024x1xi1> to vector<1024x1xi1>
    %broadcast_in_dim3A_2222 = vector.broadcast %broadcast_in_dim3A_2221 : vector<1024x1xi1> to vector<1024x128xi1>
    %select_n3A_2223 = arith.select %broadcast_in_dim3A_2222, %mul3A_2211, %select_n3A_2166 : vector<1024x128xi1>, vector<1024x128xf32>
    %get3A_2224 = arith.constant 39 : index
    %get3A_2225 = arith.constant 0 : index
    %get3A_2226 = arith.constant 0 : index
    %get3A_2227 = vector.load %arg1[%get3A_2224, %get3A_2225, %get3A_2226] : memref<50x1024x128xf32, #tpu.memory_space<vmem>>, vector<1x1024x128xf32>
    %get3A_2228 = vector.shape_cast %get3A_2227 : vector<1x1024x128xf32> to vector<1024x128xf32>
    %select_n3A_2229 = arith.select %lt3A_1, %get3A_2228, %select_n3A_2223 : vector<1024x128xi1>, vector<1024x128xf32>
    %dot_general3A_2230 = arith.constant dense<0.000000e+00> : vector<1024x256xf32>
    %dot_general3A_2231 = tpu.matmul %select_n3A_2229, %get3A_6, %dot_general3A_2230 {dimension_numbers = #tpu.dot_dimension_numbers<[1], [0], [0], [1], [0, 0, 1, 1], [], []>, transpose_lhs_hint = false} : vector<1024x128xf32>, vector<128x256xf32>, vector<1024x256xf32> -> vector<1024x256xf32>
    %add3A_2232 = vector.broadcast %get3A_9 : vector<1x256xf32> to vector<1024x256xf32>
    %add3A_2233 = arith.addf %dot_general3A_2231, %add3A_2232 : vector<1024x256xf32>
    %slice3A_2234 = vector.extract_strided_slice %add3A_2233 {offsets = [0, 0], sizes = [1024, 128], strides = [1, 1]} : vector<1024x256xf32> to vector<1024x128xf32>
    %slice3A_2235 = vector.extract_strided_slice %add3A_2233 {offsets = [0, 128], sizes = [1024, 128], strides = [1, 1]} : vector<1024x256xf32> to vector<1024x128xf32>
    %mul3A_2236 = arith.constant 5.000000e-01 : f32
    %mul3A_2237 = vector.broadcast %mul3A_2236 : f32 to vector<1024x128xf32>
    %mul3A_2238 = arith.mulf %mul3A_2237, %slice3A_2234 : vector<1024x128xf32>
    %tanh3A_2239 = math.tanh %mul3A_2238 : vector<1024x128xf32>
    %mul3A_2240 = arith.constant 5.000000e-01 : f32
    %mul3A_2241 = vector.broadcast %mul3A_2240 : f32 to vector<1024x128xf32>
    %mul3A_2242 = arith.mulf %mul3A_2241, %tanh3A_2239 : vector<1024x128xf32>
    %add3A_2243 = arith.constant 5.000000e-01 : f32
    %add3A_2244 = vector.broadcast %add3A_2243 : f32 to vector<1024x128xf32>
    %add3A_2245 = arith.addf %mul3A_2242, %add3A_2244 : vector<1024x128xf32>
    %max3A_2246 = arith.constant 0.000000e+00 : f32
    %max3A_2247 = vector.broadcast %max3A_2246 : f32 to vector<1024x128xf32>
    %max3A_2248 = arith.maximumf %slice3A_2235, %max3A_2247 : vector<1024x128xf32>
    %mul3A_2249 = arith.constant 5.000000e-01 : f32
    %mul3A_2250 = vector.broadcast %mul3A_2249 : f32 to vector<1024x128xf32>
    %mul3A_2251 = arith.mulf %mul3A_2250, %slice3A_2235 : vector<1024x128xf32>
    %tanh3A_2252 = math.tanh %mul3A_2251 : vector<1024x128xf32>
    %mul3A_2253 = arith.constant 5.000000e-01 : f32
    %mul3A_2254 = vector.broadcast %mul3A_2253 : f32 to vector<1024x128xf32>
    %mul3A_2255 = arith.mulf %mul3A_2254, %tanh3A_2252 : vector<1024x128xf32>
    %add3A_2256 = arith.constant 5.000000e-01 : f32
    %add3A_2257 = vector.broadcast %add3A_2256 : f32 to vector<1024x128xf32>
    %add3A_2258 = arith.addf %mul3A_2255, %add3A_2257 : vector<1024x128xf32>
    %select_n3A_2259 = arith.select %lt3A_1, %max3A_2248, %add3A_2258 : vector<1024x128xi1>, vector<1024x128xf32>
    %mul3A_2260 = arith.mulf %add3A_2245, %select_n3A_2259 : vector<1024x128xf32>
    %mul3A_2261 = arith.mulf %add3A_2245, %select_n3A_2220 : vector<1024x128xf32>
    %roll3A_2262 = arith.constant 64 : i32
    %roll3A_2263 = tpu.dynamic_rotate %mul3A_2260 by %roll3A_2262 dim 1 : vector<1024x128xf32>, i32 -> vector<1024x128xf32>
    %add3A_2264 = arith.addf %mul3A_2261, %roll3A_2263 : vector<1024x128xf32>
    %max3A_2265 = arith.constant 0.000000e+00 : f32
    %max3A_2266 = vector.broadcast %max3A_2265 : f32 to vector<1024x128xf32>
    %max3A_2267 = arith.maximumf %add3A_2264, %max3A_2266 : vector<1024x128xf32>
    %mul3A_2268 = arith.mulf %select_n3A_2259, %max3A_2267 : vector<1024x128xf32>
    %get3A_2269 = arith.constant 0 : index
    %get3A_2270 = arith.constant 39 : index
    %get3A_2271 = vector.load %arg2[%get3A_2269, %get3A_2270] : memref<1024x50xi32, #tpu.memory_space<vmem>>, vector<1024x1xi32>
    %ne3A_2272 = arith.constant 0 : i32
    %ne3A_2273 = vector.broadcast %ne3A_2272 : i32 to vector<1024x1xi32>
    %ne3A_2274 = arith.cmpi ne, %get3A_2271, %ne3A_2273 : vector<1024x1xi32>
    %broadcast_in_dim3A_2275 = vector.shape_cast %ne3A_2274 : vector<1024x1xi1> to vector<1024x1xi1>
    %broadcast_in_dim3A_2276 = vector.broadcast %broadcast_in_dim3A_2275 : vector<1024x1xi1> to vector<1024x128xi1>
    %select_n3A_2277 = arith.select %broadcast_in_dim3A_2276, %add3A_2264, %select_n3A_2220 : vector<1024x128xi1>, vector<1024x128xf32>
    %broadcast_in_dim3A_2278 = vector.shape_cast %ne3A_2274 : vector<1024x1xi1> to vector<1024x1xi1>
    %broadcast_in_dim3A_2279 = vector.broadcast %broadcast_in_dim3A_2278 : vector<1024x1xi1> to vector<1024x128xi1>
    %select_n3A_2280 = arith.select %broadcast_in_dim3A_2279, %mul3A_2268, %select_n3A_2223 : vector<1024x128xi1>, vector<1024x128xf32>
    %get3A_2281 = arith.constant 40 : index
    %get3A_2282 = arith.constant 0 : index
    %get3A_2283 = arith.constant 0 : index
    %get3A_2284 = vector.load %arg1[%get3A_2281, %get3A_2282, %get3A_2283] : memref<50x1024x128xf32, #tpu.memory_space<vmem>>, vector<1x1024x128xf32>
    %get3A_2285 = vector.shape_cast %get3A_2284 : vector<1x1024x128xf32> to vector<1024x128xf32>
    %select_n3A_2286 = arith.select %lt3A_1, %get3A_2285, %select_n3A_2280 : vector<1024x128xi1>, vector<1024x128xf32>
    %dot_general3A_2287 = arith.constant dense<0.000000e+00> : vector<1024x256xf32>
    %dot_general3A_2288 = tpu.matmul %select_n3A_2286, %get3A_6, %dot_general3A_2287 {dimension_numbers = #tpu.dot_dimension_numbers<[1], [0], [0], [1], [0, 0, 1, 1], [], []>, transpose_lhs_hint = false} : vector<1024x128xf32>, vector<128x256xf32>, vector<1024x256xf32> -> vector<1024x256xf32>
    %add3A_2289 = vector.broadcast %get3A_9 : vector<1x256xf32> to vector<1024x256xf32>
    %add3A_2290 = arith.addf %dot_general3A_2288, %add3A_2289 : vector<1024x256xf32>
    %slice3A_2291 = vector.extract_strided_slice %add3A_2290 {offsets = [0, 0], sizes = [1024, 128], strides = [1, 1]} : vector<1024x256xf32> to vector<1024x128xf32>
    %slice3A_2292 = vector.extract_strided_slice %add3A_2290 {offsets = [0, 128], sizes = [1024, 128], strides = [1, 1]} : vector<1024x256xf32> to vector<1024x128xf32>
    %mul3A_2293 = arith.constant 5.000000e-01 : f32
    %mul3A_2294 = vector.broadcast %mul3A_2293 : f32 to vector<1024x128xf32>
    %mul3A_2295 = arith.mulf %mul3A_2294, %slice3A_2291 : vector<1024x128xf32>
    %tanh3A_2296 = math.tanh %mul3A_2295 : vector<1024x128xf32>
    %mul3A_2297 = arith.constant 5.000000e-01 : f32
    %mul3A_2298 = vector.broadcast %mul3A_2297 : f32 to vector<1024x128xf32>
    %mul3A_2299 = arith.mulf %mul3A_2298, %tanh3A_2296 : vector<1024x128xf32>
    %add3A_2300 = arith.constant 5.000000e-01 : f32
    %add3A_2301 = vector.broadcast %add3A_2300 : f32 to vector<1024x128xf32>
    %add3A_2302 = arith.addf %mul3A_2299, %add3A_2301 : vector<1024x128xf32>
    %max3A_2303 = arith.constant 0.000000e+00 : f32
    %max3A_2304 = vector.broadcast %max3A_2303 : f32 to vector<1024x128xf32>
    %max3A_2305 = arith.maximumf %slice3A_2292, %max3A_2304 : vector<1024x128xf32>
    %mul3A_2306 = arith.constant 5.000000e-01 : f32
    %mul3A_2307 = vector.broadcast %mul3A_2306 : f32 to vector<1024x128xf32>
    %mul3A_2308 = arith.mulf %mul3A_2307, %slice3A_2292 : vector<1024x128xf32>
    %tanh3A_2309 = math.tanh %mul3A_2308 : vector<1024x128xf32>
    %mul3A_2310 = arith.constant 5.000000e-01 : f32
    %mul3A_2311 = vector.broadcast %mul3A_2310 : f32 to vector<1024x128xf32>
    %mul3A_2312 = arith.mulf %mul3A_2311, %tanh3A_2309 : vector<1024x128xf32>
    %add3A_2313 = arith.constant 5.000000e-01 : f32
    %add3A_2314 = vector.broadcast %add3A_2313 : f32 to vector<1024x128xf32>
    %add3A_2315 = arith.addf %mul3A_2312, %add3A_2314 : vector<1024x128xf32>
    %select_n3A_2316 = arith.select %lt3A_1, %max3A_2305, %add3A_2315 : vector<1024x128xi1>, vector<1024x128xf32>
    %mul3A_2317 = arith.mulf %add3A_2302, %select_n3A_2316 : vector<1024x128xf32>
    %mul3A_2318 = arith.mulf %add3A_2302, %select_n3A_2277 : vector<1024x128xf32>
    %roll3A_2319 = arith.constant 64 : i32
    %roll3A_2320 = tpu.dynamic_rotate %mul3A_2317 by %roll3A_2319 dim 1 : vector<1024x128xf32>, i32 -> vector<1024x128xf32>
    %add3A_2321 = arith.addf %mul3A_2318, %roll3A_2320 : vector<1024x128xf32>
    %max3A_2322 = arith.constant 0.000000e+00 : f32
    %max3A_2323 = vector.broadcast %max3A_2322 : f32 to vector<1024x128xf32>
    %max3A_2324 = arith.maximumf %add3A_2321, %max3A_2323 : vector<1024x128xf32>
    %mul3A_2325 = arith.mulf %select_n3A_2316, %max3A_2324 : vector<1024x128xf32>
    %get3A_2326 = arith.constant 0 : index
    %get3A_2327 = arith.constant 40 : index
    %get3A_2328 = vector.load %arg2[%get3A_2326, %get3A_2327] : memref<1024x50xi32, #tpu.memory_space<vmem>>, vector<1024x1xi32>
    %ne3A_2329 = arith.constant 0 : i32
    %ne3A_2330 = vector.broadcast %ne3A_2329 : i32 to vector<1024x1xi32>
    %ne3A_2331 = arith.cmpi ne, %get3A_2328, %ne3A_2330 : vector<1024x1xi32>
    %broadcast_in_dim3A_2332 = vector.shape_cast %ne3A_2331 : vector<1024x1xi1> to vector<1024x1xi1>
    %broadcast_in_dim3A_2333 = vector.broadcast %broadcast_in_dim3A_2332 : vector<1024x1xi1> to vector<1024x128xi1>
    %select_n3A_2334 = arith.select %broadcast_in_dim3A_2333, %add3A_2321, %select_n3A_2277 : vector<1024x128xi1>, vector<1024x128xf32>
    %broadcast_in_dim3A_2335 = vector.shape_cast %ne3A_2331 : vector<1024x1xi1> to vector<1024x1xi1>
    %broadcast_in_dim3A_2336 = vector.broadcast %broadcast_in_dim3A_2335 : vector<1024x1xi1> to vector<1024x128xi1>
    %select_n3A_2337 = arith.select %broadcast_in_dim3A_2336, %mul3A_2325, %select_n3A_2280 : vector<1024x128xi1>, vector<1024x128xf32>
    %get3A_2338 = arith.constant 41 : index
    %get3A_2339 = arith.constant 0 : index
    %get3A_2340 = arith.constant 0 : index
    %get3A_2341 = vector.load %arg1[%get3A_2338, %get3A_2339, %get3A_2340] : memref<50x1024x128xf32, #tpu.memory_space<vmem>>, vector<1x1024x128xf32>
    %get3A_2342 = vector.shape_cast %get3A_2341 : vector<1x1024x128xf32> to vector<1024x128xf32>
    %select_n3A_2343 = arith.select %lt3A_1, %get3A_2342, %select_n3A_2337 : vector<1024x128xi1>, vector<1024x128xf32>
    %dot_general3A_2344 = arith.constant dense<0.000000e+00> : vector<1024x256xf32>
    %dot_general3A_2345 = tpu.matmul %select_n3A_2343, %get3A_6, %dot_general3A_2344 {dimension_numbers = #tpu.dot_dimension_numbers<[1], [0], [0], [1], [0, 0, 1, 1], [], []>, transpose_lhs_hint = false} : vector<1024x128xf32>, vector<128x256xf32>, vector<1024x256xf32> -> vector<1024x256xf32>
    %add3A_2346 = vector.broadcast %get3A_9 : vector<1x256xf32> to vector<1024x256xf32>
    %add3A_2347 = arith.addf %dot_general3A_2345, %add3A_2346 : vector<1024x256xf32>
    %slice3A_2348 = vector.extract_strided_slice %add3A_2347 {offsets = [0, 0], sizes = [1024, 128], strides = [1, 1]} : vector<1024x256xf32> to vector<1024x128xf32>
    %slice3A_2349 = vector.extract_strided_slice %add3A_2347 {offsets = [0, 128], sizes = [1024, 128], strides = [1, 1]} : vector<1024x256xf32> to vector<1024x128xf32>
    %mul3A_2350 = arith.constant 5.000000e-01 : f32
    %mul3A_2351 = vector.broadcast %mul3A_2350 : f32 to vector<1024x128xf32>
    %mul3A_2352 = arith.mulf %mul3A_2351, %slice3A_2348 : vector<1024x128xf32>
    %tanh3A_2353 = math.tanh %mul3A_2352 : vector<1024x128xf32>
    %mul3A_2354 = arith.constant 5.000000e-01 : f32
    %mul3A_2355 = vector.broadcast %mul3A_2354 : f32 to vector<1024x128xf32>
    %mul3A_2356 = arith.mulf %mul3A_2355, %tanh3A_2353 : vector<1024x128xf32>
    %add3A_2357 = arith.constant 5.000000e-01 : f32
    %add3A_2358 = vector.broadcast %add3A_2357 : f32 to vector<1024x128xf32>
    %add3A_2359 = arith.addf %mul3A_2356, %add3A_2358 : vector<1024x128xf32>
    %max3A_2360 = arith.constant 0.000000e+00 : f32
    %max3A_2361 = vector.broadcast %max3A_2360 : f32 to vector<1024x128xf32>
    %max3A_2362 = arith.maximumf %slice3A_2349, %max3A_2361 : vector<1024x128xf32>
    %mul3A_2363 = arith.constant 5.000000e-01 : f32
    %mul3A_2364 = vector.broadcast %mul3A_2363 : f32 to vector<1024x128xf32>
    %mul3A_2365 = arith.mulf %mul3A_2364, %slice3A_2349 : vector<1024x128xf32>
    %tanh3A_2366 = math.tanh %mul3A_2365 : vector<1024x128xf32>
    %mul3A_2367 = arith.constant 5.000000e-01 : f32
    %mul3A_2368 = vector.broadcast %mul3A_2367 : f32 to vector<1024x128xf32>
    %mul3A_2369 = arith.mulf %mul3A_2368, %tanh3A_2366 : vector<1024x128xf32>
    %add3A_2370 = arith.constant 5.000000e-01 : f32
    %add3A_2371 = vector.broadcast %add3A_2370 : f32 to vector<1024x128xf32>
    %add3A_2372 = arith.addf %mul3A_2369, %add3A_2371 : vector<1024x128xf32>
    %select_n3A_2373 = arith.select %lt3A_1, %max3A_2362, %add3A_2372 : vector<1024x128xi1>, vector<1024x128xf32>
    %mul3A_2374 = arith.mulf %add3A_2359, %select_n3A_2373 : vector<1024x128xf32>
    %mul3A_2375 = arith.mulf %add3A_2359, %select_n3A_2334 : vector<1024x128xf32>
    %roll3A_2376 = arith.constant 64 : i32
    %roll3A_2377 = tpu.dynamic_rotate %mul3A_2374 by %roll3A_2376 dim 1 : vector<1024x128xf32>, i32 -> vector<1024x128xf32>
    %add3A_2378 = arith.addf %mul3A_2375, %roll3A_2377 : vector<1024x128xf32>
    %max3A_2379 = arith.constant 0.000000e+00 : f32
    %max3A_2380 = vector.broadcast %max3A_2379 : f32 to vector<1024x128xf32>
    %max3A_2381 = arith.maximumf %add3A_2378, %max3A_2380 : vector<1024x128xf32>
    %mul3A_2382 = arith.mulf %select_n3A_2373, %max3A_2381 : vector<1024x128xf32>
    %get3A_2383 = arith.constant 0 : index
    %get3A_2384 = arith.constant 41 : index
    %get3A_2385 = vector.load %arg2[%get3A_2383, %get3A_2384] : memref<1024x50xi32, #tpu.memory_space<vmem>>, vector<1024x1xi32>
    %ne3A_2386 = arith.constant 0 : i32
    %ne3A_2387 = vector.broadcast %ne3A_2386 : i32 to vector<1024x1xi32>
    %ne3A_2388 = arith.cmpi ne, %get3A_2385, %ne3A_2387 : vector<1024x1xi32>
    %broadcast_in_dim3A_2389 = vector.shape_cast %ne3A_2388 : vector<1024x1xi1> to vector<1024x1xi1>
    %broadcast_in_dim3A_2390 = vector.broadcast %broadcast_in_dim3A_2389 : vector<1024x1xi1> to vector<1024x128xi1>
    %select_n3A_2391 = arith.select %broadcast_in_dim3A_2390, %add3A_2378, %select_n3A_2334 : vector<1024x128xi1>, vector<1024x128xf32>
    %broadcast_in_dim3A_2392 = vector.shape_cast %ne3A_2388 : vector<1024x1xi1> to vector<1024x1xi1>
    %broadcast_in_dim3A_2393 = vector.broadcast %broadcast_in_dim3A_2392 : vector<1024x1xi1> to vector<1024x128xi1>
    %select_n3A_2394 = arith.select %broadcast_in_dim3A_2393, %mul3A_2382, %select_n3A_2337 : vector<1024x128xi1>, vector<1024x128xf32>
    %get3A_2395 = arith.constant 42 : index
    %get3A_2396 = arith.constant 0 : index
    %get3A_2397 = arith.constant 0 : index
    %get3A_2398 = vector.load %arg1[%get3A_2395, %get3A_2396, %get3A_2397] : memref<50x1024x128xf32, #tpu.memory_space<vmem>>, vector<1x1024x128xf32>
    %get3A_2399 = vector.shape_cast %get3A_2398 : vector<1x1024x128xf32> to vector<1024x128xf32>
    %select_n3A_2400 = arith.select %lt3A_1, %get3A_2399, %select_n3A_2394 : vector<1024x128xi1>, vector<1024x128xf32>
    %dot_general3A_2401 = arith.constant dense<0.000000e+00> : vector<1024x256xf32>
    %dot_general3A_2402 = tpu.matmul %select_n3A_2400, %get3A_6, %dot_general3A_2401 {dimension_numbers = #tpu.dot_dimension_numbers<[1], [0], [0], [1], [0, 0, 1, 1], [], []>, transpose_lhs_hint = false} : vector<1024x128xf32>, vector<128x256xf32>, vector<1024x256xf32> -> vector<1024x256xf32>
    %add3A_2403 = vector.broadcast %get3A_9 : vector<1x256xf32> to vector<1024x256xf32>
    %add3A_2404 = arith.addf %dot_general3A_2402, %add3A_2403 : vector<1024x256xf32>
    %slice3A_2405 = vector.extract_strided_slice %add3A_2404 {offsets = [0, 0], sizes = [1024, 128], strides = [1, 1]} : vector<1024x256xf32> to vector<1024x128xf32>
    %slice3A_2406 = vector.extract_strided_slice %add3A_2404 {offsets = [0, 128], sizes = [1024, 128], strides = [1, 1]} : vector<1024x256xf32> to vector<1024x128xf32>
    %mul3A_2407 = arith.constant 5.000000e-01 : f32
    %mul3A_2408 = vector.broadcast %mul3A_2407 : f32 to vector<1024x128xf32>
    %mul3A_2409 = arith.mulf %mul3A_2408, %slice3A_2405 : vector<1024x128xf32>
    %tanh3A_2410 = math.tanh %mul3A_2409 : vector<1024x128xf32>
    %mul3A_2411 = arith.constant 5.000000e-01 : f32
    %mul3A_2412 = vector.broadcast %mul3A_2411 : f32 to vector<1024x128xf32>
    %mul3A_2413 = arith.mulf %mul3A_2412, %tanh3A_2410 : vector<1024x128xf32>
    %add3A_2414 = arith.constant 5.000000e-01 : f32
    %add3A_2415 = vector.broadcast %add3A_2414 : f32 to vector<1024x128xf32>
    %add3A_2416 = arith.addf %mul3A_2413, %add3A_2415 : vector<1024x128xf32>
    %max3A_2417 = arith.constant 0.000000e+00 : f32
    %max3A_2418 = vector.broadcast %max3A_2417 : f32 to vector<1024x128xf32>
    %max3A_2419 = arith.maximumf %slice3A_2406, %max3A_2418 : vector<1024x128xf32>
    %mul3A_2420 = arith.constant 5.000000e-01 : f32
    %mul3A_2421 = vector.broadcast %mul3A_2420 : f32 to vector<1024x128xf32>
    %mul3A_2422 = arith.mulf %mul3A_2421, %slice3A_2406 : vector<1024x128xf32>
    %tanh3A_2423 = math.tanh %mul3A_2422 : vector<1024x128xf32>
    %mul3A_2424 = arith.constant 5.000000e-01 : f32
    %mul3A_2425 = vector.broadcast %mul3A_2424 : f32 to vector<1024x128xf32>
    %mul3A_2426 = arith.mulf %mul3A_2425, %tanh3A_2423 : vector<1024x128xf32>
    %add3A_2427 = arith.constant 5.000000e-01 : f32
    %add3A_2428 = vector.broadcast %add3A_2427 : f32 to vector<1024x128xf32>
    %add3A_2429 = arith.addf %mul3A_2426, %add3A_2428 : vector<1024x128xf32>
    %select_n3A_2430 = arith.select %lt3A_1, %max3A_2419, %add3A_2429 : vector<1024x128xi1>, vector<1024x128xf32>
    %mul3A_2431 = arith.mulf %add3A_2416, %select_n3A_2430 : vector<1024x128xf32>
    %mul3A_2432 = arith.mulf %add3A_2416, %select_n3A_2391 : vector<1024x128xf32>
    %roll3A_2433 = arith.constant 64 : i32
    %roll3A_2434 = tpu.dynamic_rotate %mul3A_2431 by %roll3A_2433 dim 1 : vector<1024x128xf32>, i32 -> vector<1024x128xf32>
    %add3A_2435 = arith.addf %mul3A_2432, %roll3A_2434 : vector<1024x128xf32>
    %max3A_2436 = arith.constant 0.000000e+00 : f32
    %max3A_2437 = vector.broadcast %max3A_2436 : f32 to vector<1024x128xf32>
    %max3A_2438 = arith.maximumf %add3A_2435, %max3A_2437 : vector<1024x128xf32>
    %mul3A_2439 = arith.mulf %select_n3A_2430, %max3A_2438 : vector<1024x128xf32>
    %get3A_2440 = arith.constant 0 : index
    %get3A_2441 = arith.constant 42 : index
    %get3A_2442 = vector.load %arg2[%get3A_2440, %get3A_2441] : memref<1024x50xi32, #tpu.memory_space<vmem>>, vector<1024x1xi32>
    %ne3A_2443 = arith.constant 0 : i32
    %ne3A_2444 = vector.broadcast %ne3A_2443 : i32 to vector<1024x1xi32>
    %ne3A_2445 = arith.cmpi ne, %get3A_2442, %ne3A_2444 : vector<1024x1xi32>
    %broadcast_in_dim3A_2446 = vector.shape_cast %ne3A_2445 : vector<1024x1xi1> to vector<1024x1xi1>
    %broadcast_in_dim3A_2447 = vector.broadcast %broadcast_in_dim3A_2446 : vector<1024x1xi1> to vector<1024x128xi1>
    %select_n3A_2448 = arith.select %broadcast_in_dim3A_2447, %add3A_2435, %select_n3A_2391 : vector<1024x128xi1>, vector<1024x128xf32>
    %broadcast_in_dim3A_2449 = vector.shape_cast %ne3A_2445 : vector<1024x1xi1> to vector<1024x1xi1>
    %broadcast_in_dim3A_2450 = vector.broadcast %broadcast_in_dim3A_2449 : vector<1024x1xi1> to vector<1024x128xi1>
    %select_n3A_2451 = arith.select %broadcast_in_dim3A_2450, %mul3A_2439, %select_n3A_2394 : vector<1024x128xi1>, vector<1024x128xf32>
    %get3A_2452 = arith.constant 43 : index
    %get3A_2453 = arith.constant 0 : index
    %get3A_2454 = arith.constant 0 : index
    %get3A_2455 = vector.load %arg1[%get3A_2452, %get3A_2453, %get3A_2454] : memref<50x1024x128xf32, #tpu.memory_space<vmem>>, vector<1x1024x128xf32>
    %get3A_2456 = vector.shape_cast %get3A_2455 : vector<1x1024x128xf32> to vector<1024x128xf32>
    %select_n3A_2457 = arith.select %lt3A_1, %get3A_2456, %select_n3A_2451 : vector<1024x128xi1>, vector<1024x128xf32>
    %dot_general3A_2458 = arith.constant dense<0.000000e+00> : vector<1024x256xf32>
    %dot_general3A_2459 = tpu.matmul %select_n3A_2457, %get3A_6, %dot_general3A_2458 {dimension_numbers = #tpu.dot_dimension_numbers<[1], [0], [0], [1], [0, 0, 1, 1], [], []>, transpose_lhs_hint = false} : vector<1024x128xf32>, vector<128x256xf32>, vector<1024x256xf32> -> vector<1024x256xf32>
    %add3A_2460 = vector.broadcast %get3A_9 : vector<1x256xf32> to vector<1024x256xf32>
    %add3A_2461 = arith.addf %dot_general3A_2459, %add3A_2460 : vector<1024x256xf32>
    %slice3A_2462 = vector.extract_strided_slice %add3A_2461 {offsets = [0, 0], sizes = [1024, 128], strides = [1, 1]} : vector<1024x256xf32> to vector<1024x128xf32>
    %slice3A_2463 = vector.extract_strided_slice %add3A_2461 {offsets = [0, 128], sizes = [1024, 128], strides = [1, 1]} : vector<1024x256xf32> to vector<1024x128xf32>
    %mul3A_2464 = arith.constant 5.000000e-01 : f32
    %mul3A_2465 = vector.broadcast %mul3A_2464 : f32 to vector<1024x128xf32>
    %mul3A_2466 = arith.mulf %mul3A_2465, %slice3A_2462 : vector<1024x128xf32>
    %tanh3A_2467 = math.tanh %mul3A_2466 : vector<1024x128xf32>
    %mul3A_2468 = arith.constant 5.000000e-01 : f32
    %mul3A_2469 = vector.broadcast %mul3A_2468 : f32 to vector<1024x128xf32>
    %mul3A_2470 = arith.mulf %mul3A_2469, %tanh3A_2467 : vector<1024x128xf32>
    %add3A_2471 = arith.constant 5.000000e-01 : f32
    %add3A_2472 = vector.broadcast %add3A_2471 : f32 to vector<1024x128xf32>
    %add3A_2473 = arith.addf %mul3A_2470, %add3A_2472 : vector<1024x128xf32>
    %max3A_2474 = arith.constant 0.000000e+00 : f32
    %max3A_2475 = vector.broadcast %max3A_2474 : f32 to vector<1024x128xf32>
    %max3A_2476 = arith.maximumf %slice3A_2463, %max3A_2475 : vector<1024x128xf32>
    %mul3A_2477 = arith.constant 5.000000e-01 : f32
    %mul3A_2478 = vector.broadcast %mul3A_2477 : f32 to vector<1024x128xf32>
    %mul3A_2479 = arith.mulf %mul3A_2478, %slice3A_2463 : vector<1024x128xf32>
    %tanh3A_2480 = math.tanh %mul3A_2479 : vector<1024x128xf32>
    %mul3A_2481 = arith.constant 5.000000e-01 : f32
    %mul3A_2482 = vector.broadcast %mul3A_2481 : f32 to vector<1024x128xf32>
    %mul3A_2483 = arith.mulf %mul3A_2482, %tanh3A_2480 : vector<1024x128xf32>
    %add3A_2484 = arith.constant 5.000000e-01 : f32
    %add3A_2485 = vector.broadcast %add3A_2484 : f32 to vector<1024x128xf32>
    %add3A_2486 = arith.addf %mul3A_2483, %add3A_2485 : vector<1024x128xf32>
    %select_n3A_2487 = arith.select %lt3A_1, %max3A_2476, %add3A_2486 : vector<1024x128xi1>, vector<1024x128xf32>
    %mul3A_2488 = arith.mulf %add3A_2473, %select_n3A_2487 : vector<1024x128xf32>
    %mul3A_2489 = arith.mulf %add3A_2473, %select_n3A_2448 : vector<1024x128xf32>
    %roll3A_2490 = arith.constant 64 : i32
    %roll3A_2491 = tpu.dynamic_rotate %mul3A_2488 by %roll3A_2490 dim 1 : vector<1024x128xf32>, i32 -> vector<1024x128xf32>
    %add3A_2492 = arith.addf %mul3A_2489, %roll3A_2491 : vector<1024x128xf32>
    %max3A_2493 = arith.constant 0.000000e+00 : f32
    %max3A_2494 = vector.broadcast %max3A_2493 : f32 to vector<1024x128xf32>
    %max3A_2495 = arith.maximumf %add3A_2492, %max3A_2494 : vector<1024x128xf32>
    %mul3A_2496 = arith.mulf %select_n3A_2487, %max3A_2495 : vector<1024x128xf32>
    %get3A_2497 = arith.constant 0 : index
    %get3A_2498 = arith.constant 43 : index
    %get3A_2499 = vector.load %arg2[%get3A_2497, %get3A_2498] : memref<1024x50xi32, #tpu.memory_space<vmem>>, vector<1024x1xi32>
    %ne3A_2500 = arith.constant 0 : i32
    %ne3A_2501 = vector.broadcast %ne3A_2500 : i32 to vector<1024x1xi32>
    %ne3A_2502 = arith.cmpi ne, %get3A_2499, %ne3A_2501 : vector<1024x1xi32>
    %broadcast_in_dim3A_2503 = vector.shape_cast %ne3A_2502 : vector<1024x1xi1> to vector<1024x1xi1>
    %broadcast_in_dim3A_2504 = vector.broadcast %broadcast_in_dim3A_2503 : vector<1024x1xi1> to vector<1024x128xi1>
    %select_n3A_2505 = arith.select %broadcast_in_dim3A_2504, %add3A_2492, %select_n3A_2448 : vector<1024x128xi1>, vector<1024x128xf32>
    %broadcast_in_dim3A_2506 = vector.shape_cast %ne3A_2502 : vector<1024x1xi1> to vector<1024x1xi1>
    %broadcast_in_dim3A_2507 = vector.broadcast %broadcast_in_dim3A_2506 : vector<1024x1xi1> to vector<1024x128xi1>
    %select_n3A_2508 = arith.select %broadcast_in_dim3A_2507, %mul3A_2496, %select_n3A_2451 : vector<1024x128xi1>, vector<1024x128xf32>
    %get3A_2509 = arith.constant 44 : index
    %get3A_2510 = arith.constant 0 : index
    %get3A_2511 = arith.constant 0 : index
    %get3A_2512 = vector.load %arg1[%get3A_2509, %get3A_2510, %get3A_2511] : memref<50x1024x128xf32, #tpu.memory_space<vmem>>, vector<1x1024x128xf32>
    %get3A_2513 = vector.shape_cast %get3A_2512 : vector<1x1024x128xf32> to vector<1024x128xf32>
    %select_n3A_2514 = arith.select %lt3A_1, %get3A_2513, %select_n3A_2508 : vector<1024x128xi1>, vector<1024x128xf32>
    %dot_general3A_2515 = arith.constant dense<0.000000e+00> : vector<1024x256xf32>
    %dot_general3A_2516 = tpu.matmul %select_n3A_2514, %get3A_6, %dot_general3A_2515 {dimension_numbers = #tpu.dot_dimension_numbers<[1], [0], [0], [1], [0, 0, 1, 1], [], []>, transpose_lhs_hint = false} : vector<1024x128xf32>, vector<128x256xf32>, vector<1024x256xf32> -> vector<1024x256xf32>
    %add3A_2517 = vector.broadcast %get3A_9 : vector<1x256xf32> to vector<1024x256xf32>
    %add3A_2518 = arith.addf %dot_general3A_2516, %add3A_2517 : vector<1024x256xf32>
    %slice3A_2519 = vector.extract_strided_slice %add3A_2518 {offsets = [0, 0], sizes = [1024, 128], strides = [1, 1]} : vector<1024x256xf32> to vector<1024x128xf32>
    %slice3A_2520 = vector.extract_strided_slice %add3A_2518 {offsets = [0, 128], sizes = [1024, 128], strides = [1, 1]} : vector<1024x256xf32> to vector<1024x128xf32>
    %mul3A_2521 = arith.constant 5.000000e-01 : f32
    %mul3A_2522 = vector.broadcast %mul3A_2521 : f32 to vector<1024x128xf32>
    %mul3A_2523 = arith.mulf %mul3A_2522, %slice3A_2519 : vector<1024x128xf32>
    %tanh3A_2524 = math.tanh %mul3A_2523 : vector<1024x128xf32>
    %mul3A_2525 = arith.constant 5.000000e-01 : f32
    %mul3A_2526 = vector.broadcast %mul3A_2525 : f32 to vector<1024x128xf32>
    %mul3A_2527 = arith.mulf %mul3A_2526, %tanh3A_2524 : vector<1024x128xf32>
    %add3A_2528 = arith.constant 5.000000e-01 : f32
    %add3A_2529 = vector.broadcast %add3A_2528 : f32 to vector<1024x128xf32>
    %add3A_2530 = arith.addf %mul3A_2527, %add3A_2529 : vector<1024x128xf32>
    %max3A_2531 = arith.constant 0.000000e+00 : f32
    %max3A_2532 = vector.broadcast %max3A_2531 : f32 to vector<1024x128xf32>
    %max3A_2533 = arith.maximumf %slice3A_2520, %max3A_2532 : vector<1024x128xf32>
    %mul3A_2534 = arith.constant 5.000000e-01 : f32
    %mul3A_2535 = vector.broadcast %mul3A_2534 : f32 to vector<1024x128xf32>
    %mul3A_2536 = arith.mulf %mul3A_2535, %slice3A_2520 : vector<1024x128xf32>
    %tanh3A_2537 = math.tanh %mul3A_2536 : vector<1024x128xf32>
    %mul3A_2538 = arith.constant 5.000000e-01 : f32
    %mul3A_2539 = vector.broadcast %mul3A_2538 : f32 to vector<1024x128xf32>
    %mul3A_2540 = arith.mulf %mul3A_2539, %tanh3A_2537 : vector<1024x128xf32>
    %add3A_2541 = arith.constant 5.000000e-01 : f32
    %add3A_2542 = vector.broadcast %add3A_2541 : f32 to vector<1024x128xf32>
    %add3A_2543 = arith.addf %mul3A_2540, %add3A_2542 : vector<1024x128xf32>
    %select_n3A_2544 = arith.select %lt3A_1, %max3A_2533, %add3A_2543 : vector<1024x128xi1>, vector<1024x128xf32>
    %mul3A_2545 = arith.mulf %add3A_2530, %select_n3A_2544 : vector<1024x128xf32>
    %mul3A_2546 = arith.mulf %add3A_2530, %select_n3A_2505 : vector<1024x128xf32>
    %roll3A_2547 = arith.constant 64 : i32
    %roll3A_2548 = tpu.dynamic_rotate %mul3A_2545 by %roll3A_2547 dim 1 : vector<1024x128xf32>, i32 -> vector<1024x128xf32>
    %add3A_2549 = arith.addf %mul3A_2546, %roll3A_2548 : vector<1024x128xf32>
    %max3A_2550 = arith.constant 0.000000e+00 : f32
    %max3A_2551 = vector.broadcast %max3A_2550 : f32 to vector<1024x128xf32>
    %max3A_2552 = arith.maximumf %add3A_2549, %max3A_2551 : vector<1024x128xf32>
    %mul3A_2553 = arith.mulf %select_n3A_2544, %max3A_2552 : vector<1024x128xf32>
    %get3A_2554 = arith.constant 0 : index
    %get3A_2555 = arith.constant 44 : index
    %get3A_2556 = vector.load %arg2[%get3A_2554, %get3A_2555] : memref<1024x50xi32, #tpu.memory_space<vmem>>, vector<1024x1xi32>
    %ne3A_2557 = arith.constant 0 : i32
    %ne3A_2558 = vector.broadcast %ne3A_2557 : i32 to vector<1024x1xi32>
    %ne3A_2559 = arith.cmpi ne, %get3A_2556, %ne3A_2558 : vector<1024x1xi32>
    %broadcast_in_dim3A_2560 = vector.shape_cast %ne3A_2559 : vector<1024x1xi1> to vector<1024x1xi1>
    %broadcast_in_dim3A_2561 = vector.broadcast %broadcast_in_dim3A_2560 : vector<1024x1xi1> to vector<1024x128xi1>
    %select_n3A_2562 = arith.select %broadcast_in_dim3A_2561, %add3A_2549, %select_n3A_2505 : vector<1024x128xi1>, vector<1024x128xf32>
    %broadcast_in_dim3A_2563 = vector.shape_cast %ne3A_2559 : vector<1024x1xi1> to vector<1024x1xi1>
    %broadcast_in_dim3A_2564 = vector.broadcast %broadcast_in_dim3A_2563 : vector<1024x1xi1> to vector<1024x128xi1>
    %select_n3A_2565 = arith.select %broadcast_in_dim3A_2564, %mul3A_2553, %select_n3A_2508 : vector<1024x128xi1>, vector<1024x128xf32>
    %get3A_2566 = arith.constant 45 : index
    %get3A_2567 = arith.constant 0 : index
    %get3A_2568 = arith.constant 0 : index
    %get3A_2569 = vector.load %arg1[%get3A_2566, %get3A_2567, %get3A_2568] : memref<50x1024x128xf32, #tpu.memory_space<vmem>>, vector<1x1024x128xf32>
    %get3A_2570 = vector.shape_cast %get3A_2569 : vector<1x1024x128xf32> to vector<1024x128xf32>
    %select_n3A_2571 = arith.select %lt3A_1, %get3A_2570, %select_n3A_2565 : vector<1024x128xi1>, vector<1024x128xf32>
    %dot_general3A_2572 = arith.constant dense<0.000000e+00> : vector<1024x256xf32>
    %dot_general3A_2573 = tpu.matmul %select_n3A_2571, %get3A_6, %dot_general3A_2572 {dimension_numbers = #tpu.dot_dimension_numbers<[1], [0], [0], [1], [0, 0, 1, 1], [], []>, transpose_lhs_hint = false} : vector<1024x128xf32>, vector<128x256xf32>, vector<1024x256xf32> -> vector<1024x256xf32>
    %add3A_2574 = vector.broadcast %get3A_9 : vector<1x256xf32> to vector<1024x256xf32>
    %add3A_2575 = arith.addf %dot_general3A_2573, %add3A_2574 : vector<1024x256xf32>
    %slice3A_2576 = vector.extract_strided_slice %add3A_2575 {offsets = [0, 0], sizes = [1024, 128], strides = [1, 1]} : vector<1024x256xf32> to vector<1024x128xf32>
    %slice3A_2577 = vector.extract_strided_slice %add3A_2575 {offsets = [0, 128], sizes = [1024, 128], strides = [1, 1]} : vector<1024x256xf32> to vector<1024x128xf32>
    %mul3A_2578 = arith.constant 5.000000e-01 : f32
    %mul3A_2579 = vector.broadcast %mul3A_2578 : f32 to vector<1024x128xf32>
    %mul3A_2580 = arith.mulf %mul3A_2579, %slice3A_2576 : vector<1024x128xf32>
    %tanh3A_2581 = math.tanh %mul3A_2580 : vector<1024x128xf32>
    %mul3A_2582 = arith.constant 5.000000e-01 : f32
    %mul3A_2583 = vector.broadcast %mul3A_2582 : f32 to vector<1024x128xf32>
    %mul3A_2584 = arith.mulf %mul3A_2583, %tanh3A_2581 : vector<1024x128xf32>
    %add3A_2585 = arith.constant 5.000000e-01 : f32
    %add3A_2586 = vector.broadcast %add3A_2585 : f32 to vector<1024x128xf32>
    %add3A_2587 = arith.addf %mul3A_2584, %add3A_2586 : vector<1024x128xf32>
    %max3A_2588 = arith.constant 0.000000e+00 : f32
    %max3A_2589 = vector.broadcast %max3A_2588 : f32 to vector<1024x128xf32>
    %max3A_2590 = arith.maximumf %slice3A_2577, %max3A_2589 : vector<1024x128xf32>
    %mul3A_2591 = arith.constant 5.000000e-01 : f32
    %mul3A_2592 = vector.broadcast %mul3A_2591 : f32 to vector<1024x128xf32>
    %mul3A_2593 = arith.mulf %mul3A_2592, %slice3A_2577 : vector<1024x128xf32>
    %tanh3A_2594 = math.tanh %mul3A_2593 : vector<1024x128xf32>
    %mul3A_2595 = arith.constant 5.000000e-01 : f32
    %mul3A_2596 = vector.broadcast %mul3A_2595 : f32 to vector<1024x128xf32>
    %mul3A_2597 = arith.mulf %mul3A_2596, %tanh3A_2594 : vector<1024x128xf32>
    %add3A_2598 = arith.constant 5.000000e-01 : f32
    %add3A_2599 = vector.broadcast %add3A_2598 : f32 to vector<1024x128xf32>
    %add3A_2600 = arith.addf %mul3A_2597, %add3A_2599 : vector<1024x128xf32>
    %select_n3A_2601 = arith.select %lt3A_1, %max3A_2590, %add3A_2600 : vector<1024x128xi1>, vector<1024x128xf32>
    %mul3A_2602 = arith.mulf %add3A_2587, %select_n3A_2601 : vector<1024x128xf32>
    %mul3A_2603 = arith.mulf %add3A_2587, %select_n3A_2562 : vector<1024x128xf32>
    %roll3A_2604 = arith.constant 64 : i32
    %roll3A_2605 = tpu.dynamic_rotate %mul3A_2602 by %roll3A_2604 dim 1 : vector<1024x128xf32>, i32 -> vector<1024x128xf32>
    %add3A_2606 = arith.addf %mul3A_2603, %roll3A_2605 : vector<1024x128xf32>
    %max3A_2607 = arith.constant 0.000000e+00 : f32
    %max3A_2608 = vector.broadcast %max3A_2607 : f32 to vector<1024x128xf32>
    %max3A_2609 = arith.maximumf %add3A_2606, %max3A_2608 : vector<1024x128xf32>
    %mul3A_2610 = arith.mulf %select_n3A_2601, %max3A_2609 : vector<1024x128xf32>
    %get3A_2611 = arith.constant 0 : index
    %get3A_2612 = arith.constant 45 : index
    %get3A_2613 = vector.load %arg2[%get3A_2611, %get3A_2612] : memref<1024x50xi32, #tpu.memory_space<vmem>>, vector<1024x1xi32>
    %ne3A_2614 = arith.constant 0 : i32
    %ne3A_2615 = vector.broadcast %ne3A_2614 : i32 to vector<1024x1xi32>
    %ne3A_2616 = arith.cmpi ne, %get3A_2613, %ne3A_2615 : vector<1024x1xi32>
    %broadcast_in_dim3A_2617 = vector.shape_cast %ne3A_2616 : vector<1024x1xi1> to vector<1024x1xi1>
    %broadcast_in_dim3A_2618 = vector.broadcast %broadcast_in_dim3A_2617 : vector<1024x1xi1> to vector<1024x128xi1>
    %select_n3A_2619 = arith.select %broadcast_in_dim3A_2618, %add3A_2606, %select_n3A_2562 : vector<1024x128xi1>, vector<1024x128xf32>
    %broadcast_in_dim3A_2620 = vector.shape_cast %ne3A_2616 : vector<1024x1xi1> to vector<1024x1xi1>
    %broadcast_in_dim3A_2621 = vector.broadcast %broadcast_in_dim3A_2620 : vector<1024x1xi1> to vector<1024x128xi1>
    %select_n3A_2622 = arith.select %broadcast_in_dim3A_2621, %mul3A_2610, %select_n3A_2565 : vector<1024x128xi1>, vector<1024x128xf32>
    %get3A_2623 = arith.constant 46 : index
    %get3A_2624 = arith.constant 0 : index
    %get3A_2625 = arith.constant 0 : index
    %get3A_2626 = vector.load %arg1[%get3A_2623, %get3A_2624, %get3A_2625] : memref<50x1024x128xf32, #tpu.memory_space<vmem>>, vector<1x1024x128xf32>
    %get3A_2627 = vector.shape_cast %get3A_2626 : vector<1x1024x128xf32> to vector<1024x128xf32>
    %select_n3A_2628 = arith.select %lt3A_1, %get3A_2627, %select_n3A_2622 : vector<1024x128xi1>, vector<1024x128xf32>
    %dot_general3A_2629 = arith.constant dense<0.000000e+00> : vector<1024x256xf32>
    %dot_general3A_2630 = tpu.matmul %select_n3A_2628, %get3A_6, %dot_general3A_2629 {dimension_numbers = #tpu.dot_dimension_numbers<[1], [0], [0], [1], [0, 0, 1, 1], [], []>, transpose_lhs_hint = false} : vector<1024x128xf32>, vector<128x256xf32>, vector<1024x256xf32> -> vector<1024x256xf32>
    %add3A_2631 = vector.broadcast %get3A_9 : vector<1x256xf32> to vector<1024x256xf32>
    %add3A_2632 = arith.addf %dot_general3A_2630, %add3A_2631 : vector<1024x256xf32>
    %slice3A_2633 = vector.extract_strided_slice %add3A_2632 {offsets = [0, 0], sizes = [1024, 128], strides = [1, 1]} : vector<1024x256xf32> to vector<1024x128xf32>
    %slice3A_2634 = vector.extract_strided_slice %add3A_2632 {offsets = [0, 128], sizes = [1024, 128], strides = [1, 1]} : vector<1024x256xf32> to vector<1024x128xf32>
    %mul3A_2635 = arith.constant 5.000000e-01 : f32
    %mul3A_2636 = vector.broadcast %mul3A_2635 : f32 to vector<1024x128xf32>
    %mul3A_2637 = arith.mulf %mul3A_2636, %slice3A_2633 : vector<1024x128xf32>
    %tanh3A_2638 = math.tanh %mul3A_2637 : vector<1024x128xf32>
    %mul3A_2639 = arith.constant 5.000000e-01 : f32
    %mul3A_2640 = vector.broadcast %mul3A_2639 : f32 to vector<1024x128xf32>
    %mul3A_2641 = arith.mulf %mul3A_2640, %tanh3A_2638 : vector<1024x128xf32>
    %add3A_2642 = arith.constant 5.000000e-01 : f32
    %add3A_2643 = vector.broadcast %add3A_2642 : f32 to vector<1024x128xf32>
    %add3A_2644 = arith.addf %mul3A_2641, %add3A_2643 : vector<1024x128xf32>
    %max3A_2645 = arith.constant 0.000000e+00 : f32
    %max3A_2646 = vector.broadcast %max3A_2645 : f32 to vector<1024x128xf32>
    %max3A_2647 = arith.maximumf %slice3A_2634, %max3A_2646 : vector<1024x128xf32>
    %mul3A_2648 = arith.constant 5.000000e-01 : f32
    %mul3A_2649 = vector.broadcast %mul3A_2648 : f32 to vector<1024x128xf32>
    %mul3A_2650 = arith.mulf %mul3A_2649, %slice3A_2634 : vector<1024x128xf32>
    %tanh3A_2651 = math.tanh %mul3A_2650 : vector<1024x128xf32>
    %mul3A_2652 = arith.constant 5.000000e-01 : f32
    %mul3A_2653 = vector.broadcast %mul3A_2652 : f32 to vector<1024x128xf32>
    %mul3A_2654 = arith.mulf %mul3A_2653, %tanh3A_2651 : vector<1024x128xf32>
    %add3A_2655 = arith.constant 5.000000e-01 : f32
    %add3A_2656 = vector.broadcast %add3A_2655 : f32 to vector<1024x128xf32>
    %add3A_2657 = arith.addf %mul3A_2654, %add3A_2656 : vector<1024x128xf32>
    %select_n3A_2658 = arith.select %lt3A_1, %max3A_2647, %add3A_2657 : vector<1024x128xi1>, vector<1024x128xf32>
    %mul3A_2659 = arith.mulf %add3A_2644, %select_n3A_2658 : vector<1024x128xf32>
    %mul3A_2660 = arith.mulf %add3A_2644, %select_n3A_2619 : vector<1024x128xf32>
    %roll3A_2661 = arith.constant 64 : i32
    %roll3A_2662 = tpu.dynamic_rotate %mul3A_2659 by %roll3A_2661 dim 1 : vector<1024x128xf32>, i32 -> vector<1024x128xf32>
    %add3A_2663 = arith.addf %mul3A_2660, %roll3A_2662 : vector<1024x128xf32>
    %max3A_2664 = arith.constant 0.000000e+00 : f32
    %max3A_2665 = vector.broadcast %max3A_2664 : f32 to vector<1024x128xf32>
    %max3A_2666 = arith.maximumf %add3A_2663, %max3A_2665 : vector<1024x128xf32>
    %mul3A_2667 = arith.mulf %select_n3A_2658, %max3A_2666 : vector<1024x128xf32>
    %get3A_2668 = arith.constant 0 : index
    %get3A_2669 = arith.constant 46 : index
    %get3A_2670 = vector.load %arg2[%get3A_2668, %get3A_2669] : memref<1024x50xi32, #tpu.memory_space<vmem>>, vector<1024x1xi32>
    %ne3A_2671 = arith.constant 0 : i32
    %ne3A_2672 = vector.broadcast %ne3A_2671 : i32 to vector<1024x1xi32>
    %ne3A_2673 = arith.cmpi ne, %get3A_2670, %ne3A_2672 : vector<1024x1xi32>
    %broadcast_in_dim3A_2674 = vector.shape_cast %ne3A_2673 : vector<1024x1xi1> to vector<1024x1xi1>
    %broadcast_in_dim3A_2675 = vector.broadcast %broadcast_in_dim3A_2674 : vector<1024x1xi1> to vector<1024x128xi1>
    %select_n3A_2676 = arith.select %broadcast_in_dim3A_2675, %add3A_2663, %select_n3A_2619 : vector<1024x128xi1>, vector<1024x128xf32>
    %broadcast_in_dim3A_2677 = vector.shape_cast %ne3A_2673 : vector<1024x1xi1> to vector<1024x1xi1>
    %broadcast_in_dim3A_2678 = vector.broadcast %broadcast_in_dim3A_2677 : vector<1024x1xi1> to vector<1024x128xi1>
    %select_n3A_2679 = arith.select %broadcast_in_dim3A_2678, %mul3A_2667, %select_n3A_2622 : vector<1024x128xi1>, vector<1024x128xf32>
    %get3A_2680 = arith.constant 47 : index
    %get3A_2681 = arith.constant 0 : index
    %get3A_2682 = arith.constant 0 : index
    %get3A_2683 = vector.load %arg1[%get3A_2680, %get3A_2681, %get3A_2682] : memref<50x1024x128xf32, #tpu.memory_space<vmem>>, vector<1x1024x128xf32>
    %get3A_2684 = vector.shape_cast %get3A_2683 : vector<1x1024x128xf32> to vector<1024x128xf32>
    %select_n3A_2685 = arith.select %lt3A_1, %get3A_2684, %select_n3A_2679 : vector<1024x128xi1>, vector<1024x128xf32>
    %dot_general3A_2686 = arith.constant dense<0.000000e+00> : vector<1024x256xf32>
    %dot_general3A_2687 = tpu.matmul %select_n3A_2685, %get3A_6, %dot_general3A_2686 {dimension_numbers = #tpu.dot_dimension_numbers<[1], [0], [0], [1], [0, 0, 1, 1], [], []>, transpose_lhs_hint = false} : vector<1024x128xf32>, vector<128x256xf32>, vector<1024x256xf32> -> vector<1024x256xf32>
    %add3A_2688 = vector.broadcast %get3A_9 : vector<1x256xf32> to vector<1024x256xf32>
    %add3A_2689 = arith.addf %dot_general3A_2687, %add3A_2688 : vector<1024x256xf32>
    %slice3A_2690 = vector.extract_strided_slice %add3A_2689 {offsets = [0, 0], sizes = [1024, 128], strides = [1, 1]} : vector<1024x256xf32> to vector<1024x128xf32>
    %slice3A_2691 = vector.extract_strided_slice %add3A_2689 {offsets = [0, 128], sizes = [1024, 128], strides = [1, 1]} : vector<1024x256xf32> to vector<1024x128xf32>
    %mul3A_2692 = arith.constant 5.000000e-01 : f32
    %mul3A_2693 = vector.broadcast %mul3A_2692 : f32 to vector<1024x128xf32>
    %mul3A_2694 = arith.mulf %mul3A_2693, %slice3A_2690 : vector<1024x128xf32>
    %tanh3A_2695 = math.tanh %mul3A_2694 : vector<1024x128xf32>
    %mul3A_2696 = arith.constant 5.000000e-01 : f32
    %mul3A_2697 = vector.broadcast %mul3A_2696 : f32 to vector<1024x128xf32>
    %mul3A_2698 = arith.mulf %mul3A_2697, %tanh3A_2695 : vector<1024x128xf32>
    %add3A_2699 = arith.constant 5.000000e-01 : f32
    %add3A_2700 = vector.broadcast %add3A_2699 : f32 to vector<1024x128xf32>
    %add3A_2701 = arith.addf %mul3A_2698, %add3A_2700 : vector<1024x128xf32>
    %max3A_2702 = arith.constant 0.000000e+00 : f32
    %max3A_2703 = vector.broadcast %max3A_2702 : f32 to vector<1024x128xf32>
    %max3A_2704 = arith.maximumf %slice3A_2691, %max3A_2703 : vector<1024x128xf32>
    %mul3A_2705 = arith.constant 5.000000e-01 : f32
    %mul3A_2706 = vector.broadcast %mul3A_2705 : f32 to vector<1024x128xf32>
    %mul3A_2707 = arith.mulf %mul3A_2706, %slice3A_2691 : vector<1024x128xf32>
    %tanh3A_2708 = math.tanh %mul3A_2707 : vector<1024x128xf32>
    %mul3A_2709 = arith.constant 5.000000e-01 : f32
    %mul3A_2710 = vector.broadcast %mul3A_2709 : f32 to vector<1024x128xf32>
    %mul3A_2711 = arith.mulf %mul3A_2710, %tanh3A_2708 : vector<1024x128xf32>
    %add3A_2712 = arith.constant 5.000000e-01 : f32
    %add3A_2713 = vector.broadcast %add3A_2712 : f32 to vector<1024x128xf32>
    %add3A_2714 = arith.addf %mul3A_2711, %add3A_2713 : vector<1024x128xf32>
    %select_n3A_2715 = arith.select %lt3A_1, %max3A_2704, %add3A_2714 : vector<1024x128xi1>, vector<1024x128xf32>
    %mul3A_2716 = arith.mulf %add3A_2701, %select_n3A_2715 : vector<1024x128xf32>
    %mul3A_2717 = arith.mulf %add3A_2701, %select_n3A_2676 : vector<1024x128xf32>
    %roll3A_2718 = arith.constant 64 : i32
    %roll3A_2719 = tpu.dynamic_rotate %mul3A_2716 by %roll3A_2718 dim 1 : vector<1024x128xf32>, i32 -> vector<1024x128xf32>
    %add3A_2720 = arith.addf %mul3A_2717, %roll3A_2719 : vector<1024x128xf32>
    %max3A_2721 = arith.constant 0.000000e+00 : f32
    %max3A_2722 = vector.broadcast %max3A_2721 : f32 to vector<1024x128xf32>
    %max3A_2723 = arith.maximumf %add3A_2720, %max3A_2722 : vector<1024x128xf32>
    %mul3A_2724 = arith.mulf %select_n3A_2715, %max3A_2723 : vector<1024x128xf32>
    %get3A_2725 = arith.constant 0 : index
    %get3A_2726 = arith.constant 47 : index
    %get3A_2727 = vector.load %arg2[%get3A_2725, %get3A_2726] : memref<1024x50xi32, #tpu.memory_space<vmem>>, vector<1024x1xi32>
    %ne3A_2728 = arith.constant 0 : i32
    %ne3A_2729 = vector.broadcast %ne3A_2728 : i32 to vector<1024x1xi32>
    %ne3A_2730 = arith.cmpi ne, %get3A_2727, %ne3A_2729 : vector<1024x1xi32>
    %broadcast_in_dim3A_2731 = vector.shape_cast %ne3A_2730 : vector<1024x1xi1> to vector<1024x1xi1>
    %broadcast_in_dim3A_2732 = vector.broadcast %broadcast_in_dim3A_2731 : vector<1024x1xi1> to vector<1024x128xi1>
    %select_n3A_2733 = arith.select %broadcast_in_dim3A_2732, %add3A_2720, %select_n3A_2676 : vector<1024x128xi1>, vector<1024x128xf32>
    %broadcast_in_dim3A_2734 = vector.shape_cast %ne3A_2730 : vector<1024x1xi1> to vector<1024x1xi1>
    %broadcast_in_dim3A_2735 = vector.broadcast %broadcast_in_dim3A_2734 : vector<1024x1xi1> to vector<1024x128xi1>
    %select_n3A_2736 = arith.select %broadcast_in_dim3A_2735, %mul3A_2724, %select_n3A_2679 : vector<1024x128xi1>, vector<1024x128xf32>
    %get3A_2737 = arith.constant 48 : index
    %get3A_2738 = arith.constant 0 : index
    %get3A_2739 = arith.constant 0 : index
    %get3A_2740 = vector.load %arg1[%get3A_2737, %get3A_2738, %get3A_2739] : memref<50x1024x128xf32, #tpu.memory_space<vmem>>, vector<1x1024x128xf32>
    %get3A_2741 = vector.shape_cast %get3A_2740 : vector<1x1024x128xf32> to vector<1024x128xf32>
    %select_n3A_2742 = arith.select %lt3A_1, %get3A_2741, %select_n3A_2736 : vector<1024x128xi1>, vector<1024x128xf32>
    %dot_general3A_2743 = arith.constant dense<0.000000e+00> : vector<1024x256xf32>
    %dot_general3A_2744 = tpu.matmul %select_n3A_2742, %get3A_6, %dot_general3A_2743 {dimension_numbers = #tpu.dot_dimension_numbers<[1], [0], [0], [1], [0, 0, 1, 1], [], []>, transpose_lhs_hint = false} : vector<1024x128xf32>, vector<128x256xf32>, vector<1024x256xf32> -> vector<1024x256xf32>
    %add3A_2745 = vector.broadcast %get3A_9 : vector<1x256xf32> to vector<1024x256xf32>
    %add3A_2746 = arith.addf %dot_general3A_2744, %add3A_2745 : vector<1024x256xf32>
    %slice3A_2747 = vector.extract_strided_slice %add3A_2746 {offsets = [0, 0], sizes = [1024, 128], strides = [1, 1]} : vector<1024x256xf32> to vector<1024x128xf32>
    %slice3A_2748 = vector.extract_strided_slice %add3A_2746 {offsets = [0, 128], sizes = [1024, 128], strides = [1, 1]} : vector<1024x256xf32> to vector<1024x128xf32>
    %mul3A_2749 = arith.constant 5.000000e-01 : f32
    %mul3A_2750 = vector.broadcast %mul3A_2749 : f32 to vector<1024x128xf32>
    %mul3A_2751 = arith.mulf %mul3A_2750, %slice3A_2747 : vector<1024x128xf32>
    %tanh3A_2752 = math.tanh %mul3A_2751 : vector<1024x128xf32>
    %mul3A_2753 = arith.constant 5.000000e-01 : f32
    %mul3A_2754 = vector.broadcast %mul3A_2753 : f32 to vector<1024x128xf32>
    %mul3A_2755 = arith.mulf %mul3A_2754, %tanh3A_2752 : vector<1024x128xf32>
    %add3A_2756 = arith.constant 5.000000e-01 : f32
    %add3A_2757 = vector.broadcast %add3A_2756 : f32 to vector<1024x128xf32>
    %add3A_2758 = arith.addf %mul3A_2755, %add3A_2757 : vector<1024x128xf32>
    %max3A_2759 = arith.constant 0.000000e+00 : f32
    %max3A_2760 = vector.broadcast %max3A_2759 : f32 to vector<1024x128xf32>
    %max3A_2761 = arith.maximumf %slice3A_2748, %max3A_2760 : vector<1024x128xf32>
    %mul3A_2762 = arith.constant 5.000000e-01 : f32
    %mul3A_2763 = vector.broadcast %mul3A_2762 : f32 to vector<1024x128xf32>
    %mul3A_2764 = arith.mulf %mul3A_2763, %slice3A_2748 : vector<1024x128xf32>
    %tanh3A_2765 = math.tanh %mul3A_2764 : vector<1024x128xf32>
    %mul3A_2766 = arith.constant 5.000000e-01 : f32
    %mul3A_2767 = vector.broadcast %mul3A_2766 : f32 to vector<1024x128xf32>
    %mul3A_2768 = arith.mulf %mul3A_2767, %tanh3A_2765 : vector<1024x128xf32>
    %add3A_2769 = arith.constant 5.000000e-01 : f32
    %add3A_2770 = vector.broadcast %add3A_2769 : f32 to vector<1024x128xf32>
    %add3A_2771 = arith.addf %mul3A_2768, %add3A_2770 : vector<1024x128xf32>
    %select_n3A_2772 = arith.select %lt3A_1, %max3A_2761, %add3A_2771 : vector<1024x128xi1>, vector<1024x128xf32>
    %mul3A_2773 = arith.mulf %add3A_2758, %select_n3A_2772 : vector<1024x128xf32>
    %mul3A_2774 = arith.mulf %add3A_2758, %select_n3A_2733 : vector<1024x128xf32>
    %roll3A_2775 = arith.constant 64 : i32
    %roll3A_2776 = tpu.dynamic_rotate %mul3A_2773 by %roll3A_2775 dim 1 : vector<1024x128xf32>, i32 -> vector<1024x128xf32>
    %add3A_2777 = arith.addf %mul3A_2774, %roll3A_2776 : vector<1024x128xf32>
    %max3A_2778 = arith.constant 0.000000e+00 : f32
    %max3A_2779 = vector.broadcast %max3A_2778 : f32 to vector<1024x128xf32>
    %max3A_2780 = arith.maximumf %add3A_2777, %max3A_2779 : vector<1024x128xf32>
    %mul3A_2781 = arith.mulf %select_n3A_2772, %max3A_2780 : vector<1024x128xf32>
    %get3A_2782 = arith.constant 0 : index
    %get3A_2783 = arith.constant 48 : index
    %get3A_2784 = vector.load %arg2[%get3A_2782, %get3A_2783] : memref<1024x50xi32, #tpu.memory_space<vmem>>, vector<1024x1xi32>
    %ne3A_2785 = arith.constant 0 : i32
    %ne3A_2786 = vector.broadcast %ne3A_2785 : i32 to vector<1024x1xi32>
    %ne3A_2787 = arith.cmpi ne, %get3A_2784, %ne3A_2786 : vector<1024x1xi32>
    %broadcast_in_dim3A_2788 = vector.shape_cast %ne3A_2787 : vector<1024x1xi1> to vector<1024x1xi1>
    %broadcast_in_dim3A_2789 = vector.broadcast %broadcast_in_dim3A_2788 : vector<1024x1xi1> to vector<1024x128xi1>
    %select_n3A_2790 = arith.select %broadcast_in_dim3A_2789, %add3A_2777, %select_n3A_2733 : vector<1024x128xi1>, vector<1024x128xf32>
    %broadcast_in_dim3A_2791 = vector.shape_cast %ne3A_2787 : vector<1024x1xi1> to vector<1024x1xi1>
    %broadcast_in_dim3A_2792 = vector.broadcast %broadcast_in_dim3A_2791 : vector<1024x1xi1> to vector<1024x128xi1>
    %select_n3A_2793 = arith.select %broadcast_in_dim3A_2792, %mul3A_2781, %select_n3A_2736 : vector<1024x128xi1>, vector<1024x128xf32>
    %get3A_2794 = arith.constant 49 : index
    %get3A_2795 = arith.constant 0 : index
    %get3A_2796 = arith.constant 0 : index
    %get3A_2797 = vector.load %arg1[%get3A_2794, %get3A_2795, %get3A_2796] : memref<50x1024x128xf32, #tpu.memory_space<vmem>>, vector<1x1024x128xf32>
    %get3A_2798 = vector.shape_cast %get3A_2797 : vector<1x1024x128xf32> to vector<1024x128xf32>
    %select_n3A_2799 = arith.select %lt3A_1, %get3A_2798, %select_n3A_2793 : vector<1024x128xi1>, vector<1024x128xf32>
    %dot_general3A_2800 = arith.constant dense<0.000000e+00> : vector<1024x256xf32>
    %dot_general3A_2801 = tpu.matmul %select_n3A_2799, %get3A_6, %dot_general3A_2800 {dimension_numbers = #tpu.dot_dimension_numbers<[1], [0], [0], [1], [0, 0, 1, 1], [], []>, transpose_lhs_hint = false} : vector<1024x128xf32>, vector<128x256xf32>, vector<1024x256xf32> -> vector<1024x256xf32>
    %add3A_2802 = vector.broadcast %get3A_9 : vector<1x256xf32> to vector<1024x256xf32>
    %add3A_2803 = arith.addf %dot_general3A_2801, %add3A_2802 : vector<1024x256xf32>
    %slice3A_2804 = vector.extract_strided_slice %add3A_2803 {offsets = [0, 0], sizes = [1024, 128], strides = [1, 1]} : vector<1024x256xf32> to vector<1024x128xf32>
    %slice3A_2805 = vector.extract_strided_slice %add3A_2803 {offsets = [0, 128], sizes = [1024, 128], strides = [1, 1]} : vector<1024x256xf32> to vector<1024x128xf32>
    %mul3A_2806 = arith.constant 5.000000e-01 : f32
    %mul3A_2807 = vector.broadcast %mul3A_2806 : f32 to vector<1024x128xf32>
    %mul3A_2808 = arith.mulf %mul3A_2807, %slice3A_2804 : vector<1024x128xf32>
    %tanh3A_2809 = math.tanh %mul3A_2808 : vector<1024x128xf32>
    %mul3A_2810 = arith.constant 5.000000e-01 : f32
    %mul3A_2811 = vector.broadcast %mul3A_2810 : f32 to vector<1024x128xf32>
    %mul3A_2812 = arith.mulf %mul3A_2811, %tanh3A_2809 : vector<1024x128xf32>
    %add3A_2813 = arith.constant 5.000000e-01 : f32
    %add3A_2814 = vector.broadcast %add3A_2813 : f32 to vector<1024x128xf32>
    %add3A_2815 = arith.addf %mul3A_2812, %add3A_2814 : vector<1024x128xf32>
    %max3A_2816 = arith.constant 0.000000e+00 : f32
    %max3A_2817 = vector.broadcast %max3A_2816 : f32 to vector<1024x128xf32>
    %max3A_2818 = arith.maximumf %slice3A_2805, %max3A_2817 : vector<1024x128xf32>
    %mul3A_2819 = arith.constant 5.000000e-01 : f32
    %mul3A_2820 = vector.broadcast %mul3A_2819 : f32 to vector<1024x128xf32>
    %mul3A_2821 = arith.mulf %mul3A_2820, %slice3A_2805 : vector<1024x128xf32>
    %tanh3A_2822 = math.tanh %mul3A_2821 : vector<1024x128xf32>
    %mul3A_2823 = arith.constant 5.000000e-01 : f32
    %mul3A_2824 = vector.broadcast %mul3A_2823 : f32 to vector<1024x128xf32>
    %mul3A_2825 = arith.mulf %mul3A_2824, %tanh3A_2822 : vector<1024x128xf32>
    %add3A_2826 = arith.constant 5.000000e-01 : f32
    %add3A_2827 = vector.broadcast %add3A_2826 : f32 to vector<1024x128xf32>
    %add3A_2828 = arith.addf %mul3A_2825, %add3A_2827 : vector<1024x128xf32>
    %select_n3A_2829 = arith.select %lt3A_1, %max3A_2818, %add3A_2828 : vector<1024x128xi1>, vector<1024x128xf32>
    %mul3A_2830 = arith.mulf %add3A_2815, %select_n3A_2829 : vector<1024x128xf32>
    %mul3A_2831 = arith.mulf %add3A_2815, %select_n3A_2790 : vector<1024x128xf32>
    %roll3A_2832 = arith.constant 64 : i32
    %roll3A_2833 = tpu.dynamic_rotate %mul3A_2830 by %roll3A_2832 dim 1 : vector<1024x128xf32>, i32 -> vector<1024x128xf32>
    %add3A_2834 = arith.addf %mul3A_2831, %roll3A_2833 : vector<1024x128xf32>
    %max3A_2835 = arith.constant 0.000000e+00 : f32
    %max3A_2836 = vector.broadcast %max3A_2835 : f32 to vector<1024x128xf32>
    %max3A_2837 = arith.maximumf %add3A_2834, %max3A_2836 : vector<1024x128xf32>
    %mul3A_2838 = arith.mulf %select_n3A_2829, %max3A_2837 : vector<1024x128xf32>
    %get3A_2839 = arith.constant 0 : index
    %get3A_2840 = arith.constant 49 : index
    %get3A_2841 = vector.load %arg2[%get3A_2839, %get3A_2840] : memref<1024x50xi32, #tpu.memory_space<vmem>>, vector<1024x1xi32>
    %ne3A_2842 = arith.constant 0 : i32
    %ne3A_2843 = vector.broadcast %ne3A_2842 : i32 to vector<1024x1xi32>
    %ne3A_2844 = arith.cmpi ne, %get3A_2841, %ne3A_2843 : vector<1024x1xi32>
    %broadcast_in_dim3A_2845 = vector.shape_cast %ne3A_2844 : vector<1024x1xi1> to vector<1024x1xi1>
    %broadcast_in_dim3A_2846 = vector.broadcast %broadcast_in_dim3A_2845 : vector<1024x1xi1> to vector<1024x128xi1>
    %select_n3A_2847 = arith.select %broadcast_in_dim3A_2846, %mul3A_2838, %select_n3A_2793 : vector<1024x128xi1>, vector<1024x128xf32>
    %get3A_2848 = arith.constant 0 : index
    %get3A_2849 = arith.constant 0 : index
    %get3A_2850 = vector.load %arg5[%get3A_2848, %get3A_2849] : memref<128x512xf32, #tpu.memory_space<vmem>>, vector<128x512xf32>
    %dot_general3A_2851 = arith.constant dense<0.000000e+00> : vector<1024x512xf32>
    %dot_general3A_2852 = tpu.matmul %select_n3A_2847, %get3A_2850, %dot_general3A_2851 {dimension_numbers = #tpu.dot_dimension_numbers<[1], [0], [0], [1], [0, 0, 1, 1], [], []>, transpose_lhs_hint = false} : vector<1024x128xf32>, vector<128x512xf32>, vector<1024x512xf32> -> vector<1024x512xf32>
    %get3A_2853 = arith.constant 0 : index
    %get3A_2854 = arith.constant 0 : index
    %get3A_2855 = vector.load %arg6[%get3A_2853, %get3A_2854] : memref<1x512xf32, #tpu.memory_space<vmem>>, vector<1x512xf32>
    %add3A_2856 = vector.broadcast %get3A_2855 : vector<1x512xf32> to vector<1024x512xf32>
    %add3A_2857 = arith.addf %dot_general3A_2852, %add3A_2856 : vector<1024x512xf32>
    %max3A_2858 = arith.constant 0.000000e+00 : f32
    %max3A_2859 = vector.broadcast %max3A_2858 : f32 to vector<1024x512xf32>
    %max3A_2860 = arith.maximumf %add3A_2857, %max3A_2859 : vector<1024x512xf32>
    %swap3A = arith.constant 0 : index
    %swap3A_2861 = arith.constant 0 : index
    %swap3A_2862 = vector.load %arg7[%swap3A, %swap3A_2861] : memref<1024x512xf32, #tpu.memory_space<vmem>>, vector<1024x512xf32>
    tpu.vector_store %arg7[%swap3A, %swap3A_2861], %max3A_2860 {strides = array<i32>} : memref<1024x512xf32, #tpu.memory_space<vmem>>, vector<1024x512xf32>,
    return
  }
  func.func @transform_0(%arg0: i32) -> (i32, i32, i32) {
    %c0_i32 = arith.constant 0 : i32
    %c0_i32_0 = arith.constant 0 : i32
    %c0_i32_1 = arith.constant 0 : i32
    return %c0_i32, %arg0, %c0_i32_0 : i32, i32, i32
  }
  func.func @transform_1(%arg0: i32) -> (i32, i32) {
    %c0_i32 = arith.constant 0 : i32
    %c0_i32_0 = arith.constant 0 : i32
    return %arg0, %c0_i32 : i32, i32
  }
  func.func @transform_2(%arg0: i32) -> (i32, i32) {
    %c0_i32 = arith.constant 0 : i32
    %c0_i32_0 = arith.constant 0 : i32
    %c0_i32_1 = arith.constant 0 : i32
    return %c0_i32, %c0_i32_0 : i32, i32
  }
  func.func @transform_3(%arg0: i32) -> (i32, i32) {
    %c0_i32 = arith.constant 0 : i32
    %c0_i32_0 = arith.constant 0 : i32
    %c0_i32_1 = arith.constant 0 : i32
    return %c0_i32, %c0_i32_0 : i32, i32
  }
  func.func @transform_4(%arg0: i32) -> (i32, i32) {
    %c0_i32 = arith.constant 0 : i32
    %c0_i32_0 = arith.constant 0 : i32
    %c0_i32_1 = arith.constant 0 : i32
    return %c0_i32, %c0_i32_0 : i32, i32
  }
  func.func @transform_5(%arg0: i32) -> (i32, i32) {
    %c0_i32 = arith.constant 0 : i32
    %c0_i32_0 = arith.constant 0 : i32
    %c0_i32_1 = arith.constant 0 : i32
    return %c0_i32, %c0_i32_0 : i32, i32
  }
  func.func @transform_6(%arg0: i32) -> (i32, i32) {
    %c0_i32 = arith.constant 0 : i32
    %c0_i32_0 = arith.constant 0 : i32
    return %arg0, %c0_i32 : i32, i32
  }
}

</mosaic_0001>

<sc_bundles>
// kernel: kernel.4.cloned.1.call-start
scs
__scs_entry_jumppad:
0x0: {  	(pc) =	sbr.rel $0x88, $3  }
0x1: {  	(tag) =	ssettag $0x0;
	lr =	simm.s32 $0x1  }
0x2: {  	[smem:$0x3F9A] =	sst lr;
	_ =	strace $0xD0000000  }
0x3: {  	_ = 	snop  }
0x4: {  	_ = 	snop  }
0x5: {  	_ = 	snop  }
0x6: {  	_ = 	snop  }
0x7: {  	_ = 	snop  }
__scs_overlays_trampoline_lowered:
0x8: {  	[smem:$0x3FA9] =	sst s0  }
0x9: {  	[smem:$0x3FAA] =	sst s1  }
0xa: {  	[smem:$0x3FAB] =	sst s2  }
0xb: {  	[smem:$0x3FAC] =	sst s3  }
0xc: {  	[smem:$0x3FAD] =	sst s4  }
0xd: {  	[smem:$0x3FAE] =	sst s5  }
0xe: {  	[smem:$0x3FAF] =	sst s6  }
0xf: {  	[smem:$0x3FB0] =	sst s7  }
0x10: {  	[smem:$0x3FB1] =	sst s8  }
0x11: {  	[smem:$0x3FB2] =	sst s9;
	s0 =	simm.s32 @!p0 $0x0  }
0x12: {  	s1 =	sld [smem:$0x3F98];
	s0 =	simm.s32 @p0 $0x1  }
0x13: {  	[smem:$0x3FB3] =	sst s0;
	s0 =	simm.s32 @!p1 $0x0  }
0x14: {  	s2 =	sld [smem:$0x3F97];
	s0 =	simm.s32 @p1 $0x1  }
0x15: {  	[smem:$0x3FB4] =	sst s0;
	s0 =	simm.s32 @!p2 $0x0  }
0x16: {  	s3 =	sld [smem:$0x3FDB];
	s0 =	simm.s32 @p2 $0x1  }
0x17: {  	s4 =	simm.s32 $0x1BF5;
	[smem:$0x3FB6] =	sst s0  }
0x18: {  	s0 =	sld [smem:$0x3F99];
	_ =	swait.ge [sflag:s4], $0x0  }
0x19: {  	s7 =	sld [smem:$0x3F9A]  }
0x1a: {  	s8 =	sadd.s32 $0xFFFFE003, lr  }
0x1b: {  	s9 =	sadd.s32 $0xFFFFFEF7, lr;
	s5 =	simm.s32 $0xFFFFFFFF;
	p2 =	slt.u32 s8, $0xFFFFF086  }
0x1c: {  	p1 =	slt.u32 s9, $0xF7A;
	s5 =	simm.s32 @!p2 $0x0  }
0x1d: {  	s5 =	simm.s32 @p1 $0x1;
	p0 =	seq.s32 s7, s2  }
0x1e: {  	s7 =	smul.u32 @!p0 $0xF7A, s2;
	p2 =	seq.s32 @!p0 s5, $0x0  }
0x1f: {  	s9 =	smul.u32 $0xF7A, s1;
	s8 =	simm.s32 @!p0 $0x1BF5;
	p2 =	por !p2, p0  }
0x20: {  	[sflag:s8] =	ssyncset.s32 @!p0 $0xFFFFF086;
	s6 =	sadd.s32 @!p0 s3, s7;
	s7 =	simm.s32 @!p0 $0x108  }
0x21: {  	s3 =	sadd.s32 s3, s9;
	s6 =	sadd.s32 @!p0 $0x88, s6;
	s7 =	simm.s32 @p2 $0x1082  }
0x22: {  	[simem:s7], [sflag:s8] =	dma.local @!p0 [hbm:s6], $0xF7A  }
0x23: {  	s9 =	sor.u32 $0xD0000000, s2;
	s6 =	simm.s32 $0x108;
	_ =	swait.ge @!p0 [sflag:s8], $0x0  }
0x24: {  	s3 =	sadd.s32 $0x88, s3;
	s6 =	simm.s32 @!p1 $0x1082;
	[sflag:s4] =	ssyncset.s32 $0xFFFFF086  }
0x25: {  	[simem:s6], [sflag:s4] =	dma.local [hbm:s3], $0xF7A  }
0x26: {  	[smem:$0x3F9A] =	sst s1;
	(tag) =	ssettag s2;
	_ =	strace s9  }
0x27: {  	s1 =	sld [smem:$0x3FAA]  }
0x28: {  	s2 =	sld [smem:$0x3FAB]  }
0x29: {  	s4 =	sld [smem:$0x3FAD]  }
0x2a: {  	p0 =	seq.s32 s5, $0x0;
	s5 =	sld [smem:$0x3FAE]  }
0x2b: {  	s6 =	sld [smem:$0x3FAF]  }
0x2c: {  	s7 =	sld [smem:$0x3FB0]  }
0x2d: {  	s3 =	simm.s32 $0x108;
	s8 =	sld [smem:$0x3FB1]  }
0x2e: {  	s3 =	simm.s32 @!p0 $0x1082;
	s9 =	sld [smem:$0x3FB2]  }
0x2f: {  	lr =	sadd.s32 s0, s3;
	s0 =	sld [smem:$0x3FA9]  }
0x30: {  	s3 =	sld [smem:$0x3FAC]  }
0x31: {  	[smem:$0x3FB5] =	sst s10  }
0x32: {  	s10 =	sld [smem:$0x3FB3];
	_ =	sdelay $0x3  }
0x33: {  	p0 =	seq.s32 s10, $0x1;
	s10 =	sld [smem:$0x3FB5];
	_ =	sdelay $0x3  }
0x34: {  	[smem:$0x3FB5] =	sst s10  }
0x35: {  	s10 =	sld [smem:$0x3FB4];
	_ =	sdelay $0x3  }
0x36: {  	p1 =	seq.s32 s10, $0x1;
	s10 =	sld [smem:$0x3FB5];
	_ =	sdelay $0x3  }
0x37: {  	[smem:$0x3FB5] =	sst s10  }
0x38: {  	s10 =	sld [smem:$0x3FB6]  }
0x39: {  	_ = 	snop;
	(pc) =	sbr.ind lr, $3  }
0x3a: {  	_ = 	snop  }
0x3b: {  	_ = 	snop  }
0x3c: {  	p2 =	seq.s32 s10, $0x1;
	s10 =	sld [smem:$0x3FB5]  }
0x3d: {  	_ =	shalt  }
0x3e: {  	_ =	shalt  }
0x3f: {  	_ =	shalt  }
0x40: {  	_ =	shalt  }
0x41: {  	_ =	shalt  }
0x42: {  	_ =	shalt  }
0x43: {  	_ =	shalt  }
0x44: {  	_ =	shalt  }
0x45: {  	_ =	shalt  }
0x46: {  	_ =	shalt  }
0x47: {  	_ =	shalt  }
0x48: {  	_ =	shalt  }
0x49: {  	_ =	shalt  }
0x4a: {  	_ =	shalt  }
0x4b: {  	_ =	shalt  }
0x4c: {  	_ =	shalt  }
0x4d: {  	_ =	shalt  }
0x4e: {  	_ =	shalt  }
0x4f: {  	_ =	shalt  }
0x50: {  	_ =	shalt  }
0x51: {  	_ =	shalt  }
0x52: {  	_ =	shalt  }
0x53: {  	_ =	shalt  }
0x54: {  	_ =	shalt  }
0x55: {  	_ =	shalt  }
0x56: {  	_ =	shalt  }
0x57: {  	_ =	shalt  }
0x58: {  	_ =	shalt  }
0x59: {  	_ =	shalt  }
0x5a: {  	_ =	shalt  }
0x5b: {  	_ =	shalt  }
0x5c: {  	_ =	shalt  }
0x5d: {  	_ =	shalt  }
0x5e: {  	_ =	shalt  }
0x5f: {  	_ =	shalt  }
0x60: {  	_ =	shalt  }
0x61: {  	_ =	shalt  }
0x62: {  	_ =	shalt  }
0x63: {  	_ =	shalt  }
0x64: {  	_ =	shalt  }
0x65: {  	_ =	shalt  }
0x66: {  	_ =	shalt  }
0x67: {  	_ =	shalt  }
0x68: {  	_ =	shalt  }
0x69: {  	_ =	shalt  }
0x6a: {  	_ =	shalt  }
0x6b: {  	_ =	shalt  }
0x6c: {  	_ =	shalt  }
0x6d: {  	_ =	shalt  }
0x6e: {  	_ =	shalt  }
0x6f: {  	_ =	shalt  }
0x70: {  	_ =	shalt  }
0x71: {  	_ =	shalt  }
0x72: {  	_ =	shalt  }
0x73: {  	_ =	shalt  }
0x74: {  	_ =	shalt  }
0x75: {  	_ =	shalt  }
0x76: {  	_ =	shalt  }
0x77: {  	_ =	shalt  }
0x78: {  	_ =	shalt  }
0x79: {  	_ =	shalt  }
0x7a: {  	_ =	shalt  }
0x7b: {  	_ =	shalt  }
0x7c: {  	_ =	shalt  }
0x7d: {  	_ =	shalt  }
0x7e: {  	_ =	shalt  }
0x7f: {  	_ =	shalt  }
0x80: {  	_ =	shalt  }
0x81: {  	_ =	shalt  }
0x82: {  	_ =	shalt  }
0x83: {  	_ =	shalt  }
0x84: {  	_ =	shalt  }
0x85: {  	_ =	shalt  }
0x86: {  	_ =	shalt  }
0x87: {  	_ =	shalt  }
.Lfunc_end0:
.L_simem_size_0:
called_computation_lowered:
.L_overlay_start_0:
0x88: {  	s2 =	sld [smem:$0x3FD9]  }
0x89: {  	s3 =	sld [smem:$0x3FFE];
	_ =	sdelay $0x1  }
0x8a: {  	s1 =	srdreg.scid  }
0x8b: {  	s0 =	sand.u32 $0x1, s1  }
0x8c: {  	s17 =	sshll.u32 s0, $0xA;
	s2 =	sadd.s32 s3, s2  }
0x8d: {  	s2 =	sadd.s32 s2, s17  }
0x8e: {  	[smem:$0x3FC1] =	sst s2  }
0x8f: {  	_ = 	snop  }
0x90: {  	s2 =	sld [smem:$0x3FD0];
	(tm) =	ssettm $0x1  }
0x91: {  	s18 =	sld [smem:$0x3FFB];
	_ =	sdelay $0x3  }
0x92: {  	_ =	strace s18  }
0x93: {  	s3 =	sld [smem:$0x3FFC];
	_ =	sdelay $0x3  }
0x94: {  	_ =	strace s3  }
0x95: {  	s3 =	sld [smem:$0x3FFD];
	_ =	sdelay $0x3  }
0x96: {  	_ =	strace s3  }
0x97: {  	_ =	strace $0x8FFFFFFF  }
0x98: {  	s19 =	sld [smem:$0x3FDB];
	_ =	sdelay $0x1  }
0x99: {  	s4 =	simm.s32 $_scs_section_size  }
0x9a: {  	s5 =	simm.s32 $_size__tile_overlayer_lowered;
	s6 =	simm.s32 $_tile_overlayer_lowered  }
0x9b: {  	s22 =	simm.s32 $0x1BFF;
	s21 =	sshll.u32 s6, $0x1;
	s3 =	sadd.s32 s4, s19  }
0x9c: {  	s7 =	simm.s32 $0x0;
	s20 =	sshll.u32 s5, $0x1;
	s5 =	sadd.s32 s21, s3  }
0x9d: {  	[timem:s7], [sflag:s22] =	dma.local [hbm:s5], s20  }
0x9e: {  	_ =	swait.ge [sflag:s22], s20  }
0x9f: {  	s4 =	ssub.s32 $0x0, s20;
	[sflag:s22] =	ssyncset.done $0x0  }
0xa0: {  	[sflag:s22] =	ssyncadd.s32 s4;
	_ =	sdelay $0x1  }
0xa1: {  	s23 =	simm.s32 $0x1B8B  }
0xa2: {  	_ =	swait.ge [sflag:s23], $0x1  }
0xa3: {  	[sflag:s23] =	ssyncset.done $0x0  }
0xa4: {  	s25 =	simm.s32 $0x1B8E;
	s24 =	sld [smem:$0x3FFE];
	[sflag:s23] =	ssyncadd.s32 $0xFFFFFFFF  }
0xa5: {  	s26 =	simm.s32 $execute0_lowered;
	[smem:$0x3FD2] =	sst s25  }
0xa6: {  	s5 =	sshll.u32 s26, $0x1;
	_ =	strace $0x80000046;
	[dreg:$0x1] =	wrdreg $0xFFFFFFFF  }
0xa7: {  	s28 =	simm.s32 $_size_execute0_lowered;
	s3 =	sadd.s32 s3, s5;
	[dreg:$0x0] =	wrdreg $0x0  }
0xa8: {  	s5 =	sshll.u32 s28, $0x1;
	[dreg:$0x2] =	wrdreg s3  }
0xa9: {  	[dreg:$0x3] =	wrdreg s5  }
0xaa: {  	[dreg:$0x4] =	wrdreg $0xC0  }
0xab: {  	_ =	task [dreg:s7], $0x5FFFF  }
0xac: {  	[dreg:$0x1] =	wrdreg $0xFFFFFFFF  }
0xad: {  	[dreg:$0x0] =	wrdreg $0x60  }
0xae: {  	[dreg:$0x2] =	wrdreg s24  }
0xaf: {  	[dreg:$0x3] =	wrdreg s2  }
0xb0: {  	[dreg:$0x4] =	wrdreg $0x9  }
0xb1: {  	_ =	task.clear_ibuf [dreg:s7], $0x5FFFF;
	_ =	strace $0x90000046  }
0xb2: {  	s29 =	simm.s32 $0x9;
	_ =	strace $0x80000048  }
0xb3: {  	_ =	swait.ge [sflag:s29], $0x1  }
0xb4: {  	[sflag:s29] =	ssyncadd.s32 $0xFFFFFFFF  }
0xb5: {  	_ =	strace $0x90000048  }
0xb6: {  	_ =	sfence  }
0xb7: {  	s30 =	sld [smem:$0x0];
	_ =	sdelay $0x2  }
0xb8: {  	s31 =	sshll.u32 s1, $0xD;
	s1 =	sshrl.u32 s1, $0x2  }
0xb9: {  	s3 =	sand.u32 $0x4000, s31;
	s1 =	sadd.s32 s1, s30  }
0xba: {  	s0 =	sor.u32 s3, s0;
	s1 =	sshll.u32 s1, $0x11  }
0xbb: {  	s0 =	sor.u32 s1, s0  }
0xbc: {  	s0 =	sadd.s32 $0x8F2B, s0  }
0xbd: {  	[sflag:s0] =	ssyncadd.remote.s32 $0x1  }
0xbe: {  	_ =	sfence.sel $0xFFFF  }
0xbf: {  	[dreg:$0x0] =	wrdreg $0xFFFFFFFF;
	(pc) =	sbr.abs _section_cstart, $3  }
0xc0: {  	[dreg:$0x1] =	wrdreg $0xFFFFFFFF  }
0xc1: {  	_ =	task.clear_ibuf [dreg:s7], $0x2FFFF;
	_ =	strace $0x9FFFFFFF  }
0xc2: {  	(tm) =	ssettm $0x7FFFFFFF  }
0xc3: {  	_ =	shalt  }
tec
execute0_lowered:
.L_overlay_start_1:
0x0: {  	(tag) =	ssettag $0x1  }
0x1: {  	s1 =	srdreg.scid;
	s0 =	stileid.u32  }
0x2: {  	s29 =	sand.u32 $0x1, s1;
	s31 =	sshll.u32 s0, $0x1  }
0x3: {  	s1 =	sor.u32 s29, s31  }
0x4: {  	s12 =	rddreg [dreg:$0x0];
	s6 =	smul.u32 $0x320, s1  }
0x5: {  	s5 =	rddreg [dreg:$0x1];
	s2 =	simm.s32 $0x0  }
0x6: {  	s4 =	simm.s32 $0x5;
	[smem:$0x7FF] =	sst s2;
	s3 =	sadd.s32 s6, s12  }
0x7: {  	s1 =	rddreg [dreg:$0x2];
	_ =	strace $0x80000047;
	s3 =	sadd.s32 $0x10E00, s3  }
0x8: {  	[tilespmem:s2], [sflag:$0x5] =	stream.linear.gather [hbm4b:s3+s2], $0x1900, $0x38;
	[tilespmem:$0x1C200] =	vst v63  }
0x9: {  	_ =	swait.ge [sflag:s4], $0x1900  }
0xa: {  	[sflag:s4] =	ssyncset.done $0x0  }
0xb: {  	s5 =	sadd.s32 s5, s6;
	s6 =	simm.s32 $0x1900;
	[sflag:s4] =	ssyncadd.s32 $0xFFFFE700  }
0xc: {  	[tilespmem:s6], [sflag:$0x5] =	stream.linear.gather [hbm4b:s5+s2], $0x1900, $0x38;
	[tilespmem:$0x1C200] =	vst v63  }
0xd: {  	_ =	swait.ge [sflag:s4], $0x1900  }
0xe: {  	s8 =	simm.s32 $0x320;
	[sflag:s4] =	ssyncset.done $0x0  }
0xf: {  	s9 =	simm.s32 $0x3200;
	s7 =	sadd.s32 $0xF59600, s12;
	[sflag:s4] =	ssyncadd.s32 $0xFFFFE700  }
0x10: {  	[tilespmem:s9], [sflag:$0x1] =	stream.indirect.gather [hbm4b:s7+s8], $0x40, s2, s8, $0xb8;
	[tilespmem:$0x1C200] =	vst v63  }
0x11: {  	s10 =	simm.s32 $0xFA00;
	s11 =	simm.s32 $0x1  }
0x12: {  	[tilespmem:s10], [sflag:$0x2] =	stream.indirect.gather [hbm4b:s7+s8], $0x40, s8, s8, $0xb8;
	[tilespmem:$0x1C200] =	vst v63  }
0x13: {  	_ =	swait.ge [sflag:s11], $0xC800  }
0x14: {  	[sflag:s11] =	ssyncset.done $0x0  }
0x15: {  	s13 =	simm.s32 $0x3;
	s12 =	sadd.s32 $0x17200, s12;
	[sflag:s11] =	ssyncadd.s32 $0xFFFF3800  }
0x16: {  	[hbm4b:s12+s8] =	stream.indirect.scatter [tilespmem:s9], [sflag:$0x3], $0x40, s6, s8, $0xb8;
	[tilespmem:$0x1C200] =	vst v63  }
0x17: {  	_ =	swait.ge [sflag:s13], $0xC800  }
0x18: {  	[sflag:s13] =	ssyncset.done $0x0  }
0x19: {  	s14 =	simm.s32 $0x640;
	s15 =	simm.s32 $0x2;
	[sflag:s13] =	ssyncadd.s32 $0xFFFF3800  }
0x1a: {  	[tilespmem:s9], [sflag:$0x1] =	stream.indirect.gather [hbm4b:s7+s8], $0x40, s14, s8, $0xb8;
	[tilespmem:$0x1C200] =	vst v63  }
0x1b: {  	_ =	swait.ge [sflag:s15], $0xC800  }
0x1c: {  	[sflag:s15] =	ssyncset.done $0x0  }
0x1d: {  	s17 =	simm.s32 $0x1C20;
	s16 =	simm.s32 $0x4;
	[sflag:s15] =	ssyncadd.s32 $0xFFFF3800  }
0x1e: {  	[hbm4b:s12+s8] =	stream.indirect.scatter [tilespmem:s10], [sflag:$0x4], $0x40, s17, s8, $0xb8;
	[tilespmem:$0x1C200] =	vst v63  }
0x1f: {  	_ =	swait.ge [sflag:s16], $0xC800  }
0x20: {  	[sflag:s16] =	ssyncset.done $0x0  }
0x21: {  	s18 =	simm.s32 $0x960;
	[sflag:s16] =	ssyncadd.s32 $0xFFFF3800  }
0x22: {  	[tilespmem:s10], [sflag:$0x2] =	stream.indirect.gather [hbm4b:s7+s8], $0x40, s18, s8, $0xb8;
	[tilespmem:$0x1C200] =	vst v63  }
0x23: {  	_ =	swait.ge [sflag:s11], $0xC800  }
0x24: {  	[sflag:s11] =	ssyncset.done $0x0  }
0x25: {  	s19 =	simm.s32 $0x1F40;
	[sflag:s11] =	ssyncadd.s32 $0xFFFF3800  }
0x26: {  	[hbm4b:s12+s8] =	stream.indirect.scatter [tilespmem:s9], [sflag:$0x3], $0x40, s19, s8, $0xb8;
	[tilespmem:$0x1C200] =	vst v63  }
0x27: {  	_ =	swait.ge [sflag:s13], $0xC800  }
0x28: {  	[sflag:s13] =	ssyncset.done $0x0  }
0x29: {  	s20 =	simm.s32 $0xC80;
	[sflag:s13] =	ssyncadd.s32 $0xFFFF3800  }
0x2a: {  	[tilespmem:s9], [sflag:$0x1] =	stream.indirect.gather [hbm4b:s7+s8], $0x40, s20, s8, $0xb8;
	[tilespmem:$0x1C200] =	vst v63  }
0x2b: {  	_ =	swait.ge [sflag:s15], $0xC800  }
0x2c: {  	[sflag:s15] =	ssyncset.done $0x0  }
0x2d: {  	s21 =	simm.s32 $0x2260;
	[sflag:s15] =	ssyncadd.s32 $0xFFFF3800  }
0x2e: {  	[hbm4b:s12+s8] =	stream.indirect.scatter [tilespmem:s10], [sflag:$0x4], $0x40, s21, s8, $0xb8;
	[tilespmem:$0x1C200] =	vst v63  }
0x2f: {  	_ =	swait.ge [sflag:s16], $0xC800  }
0x30: {  	[sflag:s16] =	ssyncset.done $0x0  }
0x31: {  	s22 =	simm.s32 $0xFA0;
	[sflag:s16] =	ssyncadd.s32 $0xFFFF3800  }
0x32: {  	[tilespmem:s10], [sflag:$0x2] =	stream.indirect.gather [hbm4b:s7+s8], $0x40, s22, s8, $0xb8;
	[tilespmem:$0x1C200] =	vst v63  }
0x33: {  	_ =	swait.ge [sflag:s11], $0xC800  }
0x34: {  	[sflag:s11] =	ssyncset.done $0x0  }
0x35: {  	s23 =	simm.s32 $0x2580;
	[sflag:s11] =	ssyncadd.s32 $0xFFFF3800  }
0x36: {  	[hbm4b:s12+s8] =	stream.indirect.scatter [tilespmem:s9], [sflag:$0x3], $0x40, s23, s8, $0xb8;
	[tilespmem:$0x1C200] =	vst v63  }
0x37: {  	_ =	swait.ge [sflag:s13], $0xC800  }
0x38: {  	[sflag:s13] =	ssyncset.done $0x0  }
0x39: {  	s24 =	simm.s32 $0x12C0;
	[sflag:s13] =	ssyncadd.s32 $0xFFFF3800  }
0x3a: {  	[tilespmem:s9], [sflag:$0x1] =	stream.indirect.gather [hbm4b:s7+s8], $0x40, s24, s8, $0xb8;
	[tilespmem:$0x1C200] =	vst v63  }
0x3b: {  	_ =	swait.ge [sflag:s15], $0xC800  }
0x3c: {  	[sflag:s15] =	ssyncset.done $0x0  }
0x3d: {  	s25 =	simm.s32 $0x28A0;
	[sflag:s15] =	ssyncadd.s32 $0xFFFF3800  }
0x3e: {  	[hbm4b:s12+s8] =	stream.indirect.scatter [tilespmem:s10], [sflag:$0x4], $0x40, s25, s8, $0xb8;
	[tilespmem:$0x1C200] =	vst v63  }
0x3f: {  	_ =	swait.ge [sflag:s16], $0xC800  }
0x40: {  	[sflag:s16] =	ssyncset.done $0x0  }
0x41: {  	s26 =	simm.s32 $0x15E0;
	[sflag:s16] =	ssyncadd.s32 $0xFFFF3800  }
0x42: {  	[tilespmem:s10], [sflag:$0x2] =	stream.indirect.gather [hbm4b:s7+s8], $0x40, s26, s8, $0xb8;
	[tilespmem:$0x1C200] =	vst v63  }
0x43: {  	_ =	swait.ge [sflag:s11], $0xC800  }
0x44: {  	[sflag:s11] =	ssyncset.done $0x0  }
0x45: {  	s28 =	simm.s32 $0x2BC0;
	s29 =	ssub.s32 $0x2, s29;
	[sflag:s11] =	ssyncadd.s32 $0xFFFF3800  }
0x46: {  	[hbm4b:s12+s8] =	stream.indirect.scatter [tilespmem:s9], [sflag:$0x3], $0x40, s28, s8, $0xb8;
	[tilespmem:$0x1C200] =	vst v63  }
0x47: {  	s30 =	sshrl.u32 s29, $0x1;
	_ =	swait.ge [sflag:s13], $0xC800  }
0x48: {  	s29 =	ssub.s32 s29, s30;
	[sflag:s13] =	ssyncset.done $0x0  }
0x49: {  	s30 =	smax.u32 s29, $0x1;
	[sflag:s13] =	ssyncadd.s32 $0xFFFF3800  }
0x4a: {  	p0 =	sne.s32 s30, $0x1;
	_ =	swait.ge [sflag:s15], $0xC800  }
.Ltmp0:
0x4b: {  	[sflag:s15] =	ssyncset.done $0x0;
	(pc) =	sbr.rel @!p0 .LBB2_2-.Ltmp0, $4  }
0x4c: {  	s29 =	simm.s32 $0x2EE0;
	[sflag:s15] =	ssyncadd.s32 $0xFFFF3800  }
0x4d: {  	[hbm4b:s12+s8] =	stream.indirect.scatter [tilespmem:s10], [sflag:$0x4], $0x40, s29, s8, $0xb8;
	[tilespmem:$0x1C200] =	vst v63  }
0x4e: {  	_ =	swait.ge [sflag:s16], $0xC800  }
0x4f: {  	s30 =	sadd.s32 $0xFFFFFFFF, s30;
	[sflag:s16] =	ssyncset.done $0x0  }
.LBB2_1:
0x50: {  	p0 =	sne.s32 s30, $0x1;
	s30 =	sadd.s32 $0xFFFFFFFF, s30;
	[sflag:s16] =	ssyncadd.s32 $0xFFFF3800  }
0x51: {  	[tilespmem:s2], [sflag:$0x5] =	stream.linear.gather [hbm4b:s3+s2], $0x1900, $0x38;
	[tilespmem:$0x1C200] =	vst v63  }
0x52: {  	_ =	swait.ge [sflag:s4], $0x1900  }
0x53: {  	[sflag:s4] =	ssyncset.done $0x0  }
0x54: {  	[sflag:s4] =	ssyncadd.s32 $0xFFFFE700  }
0x55: {  	[tilespmem:s6], [sflag:$0x5] =	stream.linear.gather [hbm4b:s5+s2], $0x1900, $0x38;
	[tilespmem:$0x1C200] =	vst v63  }
0x56: {  	_ =	swait.ge [sflag:s4], $0x1900  }
0x57: {  	[sflag:s4] =	ssyncset.done $0x0  }
0x58: {  	[sflag:s4] =	ssyncadd.s32 $0xFFFFE700  }
0x59: {  	[tilespmem:s9], [sflag:$0x1] =	stream.indirect.gather [hbm4b:s7+s8], $0x40, s2, s8, $0xb8;
	[tilespmem:$0x1C200] =	vst v63  }
0x5a: {  	_ = 	snop  }
0x5b: {  	[tilespmem:s10], [sflag:$0x2] =	stream.indirect.gather [hbm4b:s7+s8], $0x40, s8, s8, $0xb8;
	[tilespmem:$0x1C200] =	vst v63  }
0x5c: {  	_ =	swait.ge [sflag:s11], $0xC800  }
0x5d: {  	[sflag:s11] =	ssyncset.done $0x0  }
0x5e: {  	[sflag:s11] =	ssyncadd.s32 $0xFFFF3800  }
0x5f: {  	[hbm4b:s12+s8] =	stream.indirect.scatter [tilespmem:s9], [sflag:$0x3], $0x40, s6, s8, $0xb8;
	[tilespmem:$0x1C200] =	vst v63  }
0x60: {  	_ =	swait.ge [sflag:s13], $0xC800  }
0x61: {  	[sflag:s13] =	ssyncset.done $0x0  }
0x62: {  	[sflag:s13] =	ssyncadd.s32 $0xFFFF3800  }
0x63: {  	[tilespmem:s9], [sflag:$0x1] =	stream.indirect.gather [hbm4b:s7+s8], $0x40, s14, s8, $0xb8;
	[tilespmem:$0x1C200] =	vst v63  }
0x64: {  	_ =	swait.ge [sflag:s15], $0xC800  }
0x65: {  	[sflag:s15] =	ssyncset.done $0x0  }
0x66: {  	[sflag:s15] =	ssyncadd.s32 $0xFFFF3800  }
0x67: {  	[hbm4b:s12+s8] =	stream.indirect.scatter [tilespmem:s10], [sflag:$0x4], $0x40, s17, s8, $0xb8;
	[tilespmem:$0x1C200] =	vst v63  }
0x68: {  	_ =	swait.ge [sflag:s16], $0xC800  }
0x69: {  	[sflag:s16] =	ssyncset.done $0x0  }
0x6a: {  	[sflag:s16] =	ssyncadd.s32 $0xFFFF3800  }
0x6b: {  	[tilespmem:s10], [sflag:$0x2] =	stream.indirect.gather [hbm4b:s7+s8], $0x40, s18, s8, $0xb8;
	[tilespmem:$0x1C200] =	vst v63  }
0x6c: {  	_ =	swait.ge [sflag:s11], $0xC800  }
0x6d: {  	[sflag:s11] =	ssyncset.done $0x0  }
0x6e: {  	[sflag:s11] =	ssyncadd.s32 $0xFFFF3800  }
0x6f: {  	[hbm4b:s12+s8] =	stream.indirect.scatter [tilespmem:s9], [sflag:$0x3], $0x40, s19, s8, $0xb8;
	[tilespmem:$0x1C200] =	vst v63  }
0x70: {  	_ =	swait.ge [sflag:s13], $0xC800  }
0x71: {  	[sflag:s13] =	ssyncset.done $0x0  }
0x72: {  	[sflag:s13] =	ssyncadd.s32 $0xFFFF3800  }
0x73: {  	[tilespmem:s9], [sflag:$0x1] =	stream.indirect.gather [hbm4b:s7+s8], $0x40, s20, s8, $0xb8;
	[tilespmem:$0x1C200] =	vst v63  }
0x74: {  	_ =	swait.ge [sflag:s15], $0xC800  }
0x75: {  	[sflag:s15] =	ssyncset.done $0x0  }
0x76: {  	[sflag:s15] =	ssyncadd.s32 $0xFFFF3800  }
0x77: {  	[hbm4b:s12+s8] =	stream.indirect.scatter [tilespmem:s10], [sflag:$0x4], $0x40, s21, s8, $0xb8;
	[tilespmem:$0x1C200] =	vst v63  }
0x78: {  	_ =	swait.ge [sflag:s16], $0xC800  }
0x79: {  	[sflag:s16] =	ssyncset.done $0x0  }
0x7a: {  	[sflag:s16] =	ssyncadd.s32 $0xFFFF3800  }
0x7b: {  	[tilespmem:s10], [sflag:$0x2] =	stream.indirect.gather [hbm4b:s7+s8], $0x40, s22, s8, $0xb8;
	[tilespmem:$0x1C200] =	vst v63  }
0x7c: {  	_ =	swait.ge [sflag:s11], $0xC800  }
0x7d: {  	[sflag:s11] =	ssyncset.done $0x0  }
0x7e: {  	[sflag:s11] =	ssyncadd.s32 $0xFFFF3800  }
0x7f: {  	[hbm4b:s12+s8] =	stream.indirect.scatter [tilespmem:s9], [sflag:$0x3], $0x40, s23, s8, $0xb8;
	[tilespmem:$0x1C200] =	vst v63  }
0x80: {  	_ =	swait.ge [sflag:s13], $0xC800  }
0x81: {  	[sflag:s13] =	ssyncset.done $0x0  }
0x82: {  	[sflag:s13] =	ssyncadd.s32 $0xFFFF3800  }
0x83: {  	[tilespmem:s9], [sflag:$0x1] =	stream.indirect.gather [hbm4b:s7+s8], $0x40, s24, s8, $0xb8;
	[tilespmem:$0x1C200] =	vst v63  }
0x84: {  	_ =	swait.ge [sflag:s15], $0xC800  }
0x85: {  	[sflag:s15] =	ssyncset.done $0x0  }
0x86: {  	[sflag:s15] =	ssyncadd.s32 $0xFFFF3800  }
0x87: {  	[hbm4b:s12+s8] =	stream.indirect.scatter [tilespmem:s10], [sflag:$0x4], $0x40, s25, s8, $0xb8;
	[tilespmem:$0x1C200] =	vst v63  }
0x88: {  	_ =	swait.ge [sflag:s16], $0xC800  }
0x89: {  	[sflag:s16] =	ssyncset.done $0x0  }
0x8a: {  	[sflag:s16] =	ssyncadd.s32 $0xFFFF3800  }
0x8b: {  	[tilespmem:s10], [sflag:$0x2] =	stream.indirect.gather [hbm4b:s7+s8], $0x40, s26, s8, $0xb8;
	[tilespmem:$0x1C200] =	vst v63  }
0x8c: {  	_ =	swait.ge [sflag:s11], $0xC800  }
0x8d: {  	[sflag:s11] =	ssyncset.done $0x0  }
0x8e: {  	[sflag:s11] =	ssyncadd.s32 $0xFFFF3800  }
0x8f: {  	[hbm4b:s12+s8] =	stream.indirect.scatter [tilespmem:s9], [sflag:$0x3], $0x40, s28, s8, $0xb8;
	[tilespmem:$0x1C200] =	vst v63  }
0x90: {  	_ =	swait.ge [sflag:s13], $0xC800  }
0x91: {  	[sflag:s13] =	ssyncset.done $0x0  }
0x92: {  	[sflag:s13] =	ssyncadd.s32 $0xFFFF3800  }
0x93: {  	_ =	swait.ge [sflag:s15], $0xC800  }
.Ltmp1:
0x94: {  	[sflag:s15] =	ssyncset.done $0x0;
	(pc) =	sbr.rel @p0 .LBB2_1-.Ltmp1, $4  }
0x95: {  	[sflag:s15] =	ssyncadd.s32 $0xFFFF3800  }
0x96: {  	[hbm4b:s12+s8] =	stream.indirect.scatter [tilespmem:s10], [sflag:$0x4], $0x40, s29, s8, $0xb8;
	[tilespmem:$0x1C200] =	vst v63  }
0x97: {  	_ =	swait.ge [sflag:s16], $0xC800  }
0x98: {  	[sflag:s16] =	ssyncset.done $0x0  }
.LBB2_2:
0x99: {  	[sflag:s16] =	ssyncadd.s32 $0xFFFF3800  }
0x9a: {  	_ =	sfence.sel $0x180000  }
0x9b: {  	[bflag:$0x0] =	sbarrier.arrive $0xFFFF  }
0x9c: {  	p0 =	sne.s32 s0, $0x0;
	_ =	strace $0x90000047  }
0x9d: {  	s0 =	sadd.s32 @!p0 $0x100000, s1;
	[bflag:$0x2] =	sbarrier.arrive $0xFFFF  }
0x9e: {  	[sflag:s0] =	ssyncadd.tile.s32 @!p0 $0x1;
	_ =	shalt  }
.Lfunc_end2:
_tile_overlayer_lowered:
.L_overlay_start_2:
0x9f: {  	(tag) =	ssettag $0x2  }
0xa0: {  	s0 =	rddreg [dreg:$0x0];
	s2 =	stileid.u32  }
0xa1: {  	s1 =	rddreg [dreg:$0x1];
	p0 =	sne.s32 s2, $0x0  }
0xa2: {  	s3 =	rddreg [dreg:$0x2];
	[bflag:$0x3] =	sbarrier.arrive $0xFFFF;
	s2 =	simm.s32 @!p0 $0x1C05  }
0xa3: {  	[timem:s3], [sflag:s2] =	dma.local @!p0 [hbm:s0], s1  }
0xa4: {  	s0 =	simm.s32 @!p0 $0x5  }
0xa5: {  	_ =	swait.ge @!p0 [sflag:s0], s1  }
0xa6: {  	s1 =	ssub.s32 @!p0 $0x0, s1;
	[sflag:s0] =	ssyncset.done @!p0 $0x0  }
0xa7: {  	[sflag:s0] =	ssyncadd.s32 @!p0 s1  }
0xa8: {  	[bflag:$0x3] =	sbarrier.arrive $0xFFFF  }
0xa9: {  	_ =	shalt  }

</sc_bundles>
